<compile_context>
chip_gen: v7x
topology: tpu7x:2x2x1
jax: 0.10.2.dev20260603
libtpu: 0.0.44.dev20260713+nightly
codegen_flags: <defaults>
</compile_context>

<pallas_src>
import functools

import jax
import jax.numpy as jnp
from jax import lax
from jax.experimental import pallas as pl
from jax.experimental.pallas import tpu as pltpu
from jax.experimental.pallas import tpu_sc as plsc

_B = 16384
_V = 1000000
_D = 64
_NC = 2
_NS = 16
_NW = _NC * _NS
_RPW = _B // _NW
_G = 16
_NG = _RPW // _G
_RING = 4


def _make_sc_kernel():
    mesh = plsc.VectorSubcoreMesh(core_axis_name="c", subcore_axis_name="s")

    @functools.partial(
        pl.kernel,
        out_type=jax.ShapeDtypeStruct((_B,), jnp.float32),
        mesh=mesh,
        scratch_types=[
            pltpu.VMEM((_RPW,), jnp.int32),
            pltpu.VMEM((_RPW,), jnp.int32),
            [pltpu.VMEM((_D, 128), jnp.float32) for _ in range(_RING)],
            [pltpu.VMEM((_D, 128), jnp.float32) for _ in range(_RING)],
            pltpu.VMEM((_RPW,), jnp.float32),
            pltpu.SemaphoreType.DMA,
            pltpu.SemaphoreType.DMA,
        ],
        compiler_params=pltpu.CompilerParams(needs_layout_passes=False),
    )
    def sc_kernel(ctx_hbm, word_hbm, ctx_tab_t, word_tab_t, out_hbm,
                  ctx_idx, word_idx, rc, rw, acc, sem_c, sem_w):
        wid = lax.axis_index("s") * _NC + lax.axis_index("c")
        base = wid * _RPW

        pltpu.sync_copy(ctx_hbm.at[pl.ds(base, _RPW)], ctx_idx)
        pltpu.sync_copy(word_hbm.at[pl.ds(base, _RPW)], word_idx)

        lane = lax.iota(jnp.int32, 16)
        dvec = [lane + 16 * m for m in range(_D // 16)]

        def block_dma(tab, col_blk, dst, sem):
            start = pl.multiple_of(col_blk * 128, 128)
            pltpu.async_copy(tab.at[:, pl.ds(start, 128)], dst, sem)

        def drain_one(tab, dst, sem):
            pltpu.make_async_copy(tab.at[:, pl.ds(0, 128)], dst, sem).wait()

        def extract_dot(cbuf, wbuf, c_lane, w_lane):
            c_col = jnp.full((16,), c_lane, jnp.int32)
            w_col = jnp.full((16,), w_lane, jnp.int32)
            s = jnp.zeros((16,), jnp.float32)
            for m in range(_D // 16):
                a = plsc.load_gather(cbuf, [dvec[m], c_col])
                b = plsc.load_gather(wbuf, [dvec[m], w_col])
                s = s + a * b
            return jnp.sum(s)

        icv0 = ctx_idx[pl.ds(0, _G)]
        iwv0 = word_idx[pl.ds(0, _G)]
        for k in range(_RING):
            block_dma(ctx_tab_t, icv0[k] >> 7, rc[k], sem_c)
            block_dma(word_tab_t, iwv0[k] >> 7, rw[k], sem_w)

        def body(g, _):
            icv = ctx_idx[pl.ds(g * _G, _G)]
            iwv = word_idx[pl.ds(g * _G, _G)]
            nxt = jnp.minimum(g + 1, _NG - 1)
            icv_n = ctx_idx[pl.ds(nxt * _G, _G)]
            iwv_n = word_idx[pl.ds(nxt * _G, _G)]
            res = jnp.zeros((16,), jnp.float32)
            for k in range(_G):
                slot = k % _RING
                drain_one(ctx_tab_t, rc[slot], sem_c)
                drain_one(word_tab_t, rw[slot], sem_w)
                d = extract_dot(rc[slot], rw[slot],
                                icv[k] & 127, iwv[k] & 127)
                res = jnp.where(lane == k, d, res)
                if k + _RING < _G:
                    ci, wi = icv[k + _RING], iwv[k + _RING]
                else:
                    ci = icv_n[k + _RING - _G]
                    wi = iwv_n[k + _RING - _G]
                block_dma(ctx_tab_t, ci >> 7, rc[slot], sem_c)
                block_dma(word_tab_t, wi >> 7, rw[slot], sem_w)
            acc[pl.ds(g * _G, _G)] = res
            return 0

        lax.fori_loop(0, _NG, body, 0)

        for k in range(_RING):
            drain_one(ctx_tab_t, rc[k], sem_c)
            drain_one(word_tab_t, rw[k], sem_w)

        pltpu.sync_copy(acc, out_hbm.at[pl.ds(base, _RPW)])

    return sc_kernel


_sc_kernel = _make_sc_kernel()


def kernel(ctx, word, ctx_table, word_table):
    out = _sc_kernel(ctx.astype(jnp.int32), word.astype(jnp.int32),
                     ctx_table.T, word_table.T)
    return out.reshape(_B, 1)

# --- scband reference (transcript-rebuilt; emitter-appended) ---
"""Pipeline reference for scband-my-network-51393578664283 (READ-ONLY COPY).

The authoritative reference and input builder live on the scoring server;
editing this copy changes nothing except your own understanding.
"""

import jax, jax.numpy as jnp
import numpy as np

VOCAB_CTX = 1000000
VOCAB_WORD = 1000000
EMBED_DIM = 64
BATCH = 16384

def _xavier_normal(key, shape):
    fan_in, fan_out = shape[1], shape[0]
    std = float(np.sqrt(2.0 / (fan_in + fan_out)))
    return jax.random.normal(key, shape, dtype=jnp.float32) * std

def setup_inputs(seed: int = 0) -> dict:
    key = jax.random.key(seed)
    k1, k2, k3, k4 = jax.random.split(key, 4)
    ctx = jax.random.randint(k1, (BATCH,), 0, VOCAB_CTX, dtype=jnp.int64 if jax.config.jax_enable_x64 else jnp.int32)
    word = jax.random.randint(k2, (BATCH,), 0, VOCAB_WORD, dtype=jnp.int64 if jax.config.jax_enable_x64 else jnp.int32)
    ctx_table = _xavier_normal(k3, (VOCAB_CTX, EMBED_DIM))
    word_table = _xavier_normal(k4, (VOCAB_WORD, EMBED_DIM))
    return {"ctx": ctx, "word": word, "ctx_table": ctx_table, "word_table": word_table}

def reference(ctx, word, ctx_table, word_table):
    # nn.Embedding lookup -> gather rows
    ctx_vec = jnp.take(ctx_table, ctx, axis=0)   # [B, D]
    word_vec = jnp.take(word_table, word, axis=0)  # [B, D]
    # torch.mul(...).sum(1, keepdim=True)
    out = jnp.sum(ctx_vec * word_vec, axis=1, keepdims=True)  # [B, 1]
    return out

if __name__ == "__main__":
    import jax
    _d = setup_inputs()
    print(jax.jit(kernel)(*tuple(_d.values())))

</pallas_src>

<mosaic_0001>
#map = affine_map<(d0, d1) -> (0)>
#map1 = affine_map<(d0, d1) -> (0, 0)>
module attributes {stable_mosaic.version = 14 : i64} {
  func.func @sc_kernel(%arg0: i32, %arg1: i32, %arg2: memref<16384xi32, #tpu.memory_space<hbm>>, %arg3: memref<16384xi32, #tpu.memory_space<hbm>>, %arg4: memref<64x1000000xf32, #tpu.memory_space<hbm>>, %arg5: memref<64x1000000xf32, #tpu.memory_space<hbm>>, %arg6: memref<16384xf32, #tpu.memory_space<hbm>>, %arg7: memref<512xi32, #tpu.memory_space<vmem>>, %arg8: memref<512xi32, #tpu.memory_space<vmem>>, %arg9: memref<64x128xf32, #tpu.memory_space<vmem>>, %arg10: memref<64x128xf32, #tpu.memory_space<vmem>>, %arg11: memref<64x128xf32, #tpu.memory_space<vmem>>, %arg12: memref<64x128xf32, #tpu.memory_space<vmem>>, %arg13: memref<64x128xf32, #tpu.memory_space<vmem>>, %arg14: memref<64x128xf32, #tpu.memory_space<vmem>>, %arg15: memref<64x128xf32, #tpu.memory_space<vmem>>, %arg16: memref<64x128xf32, #tpu.memory_space<vmem>>, %arg17: memref<512xf32, #tpu.memory_space<vmem>>, %arg18: memref<!tpu.dma_semaphore, #tpu.memory_space<semaphore_mem>>, %arg19: memref<!tpu.dma_semaphore, #tpu.memory_space<semaphore_mem>>) attributes {dimension_semantics = [#tpu.dimension_semantics<core_parallel>, #tpu.dimension_semantics<subcore_parallel>], iteration_bounds = array<i64: 2, 16>, scalar_prefetch = 0 : i64, scratch_operands = 13 : i64, tpu.core_type = #tpu.core_type<sc_vector_subcore>, window_params = [{transform_indices = #map}, {transform_indices = #map}, {transform_indices = #map1}, {transform_indices = #map1}, {transform_indices = #map}]} {
    %mul3A = arith.constant 2 : i32
    %mul3A_0 = arith.muli %arg1, %mul3A : i32
    %add3A = arith.addi %mul3A_0, %arg0 : i32
    %mul3A_1 = arith.constant 512 : i32
    %mul3A_2 = arith.muli %add3A, %mul3A_1 : i32
    "tpu.region"() ({
      %run_scoped3A = tpu.sem_alloc : memref<!tpu.dma_semaphore, #tpu.memory_space<semaphore_mem>>
      %dma_start3A_154 = tpu.memref_slice %arg2[%mul3A_2] : memref<16384xi32, #tpu.memory_space<hbm>> -> memref<512xi32, #tpu.memory_space<hbm>>
      %dma_start3A_155 = tpu.memref_slice %arg2[%mul3A_2] : memref<16384xi32, #tpu.memory_space<hbm>> -> memref<512xi32, #tpu.memory_space<hbm>>
      tpu.enqueue_dma source(%dma_start3A_155 : memref<512xi32, #tpu.memory_space<hbm>>) target(%arg7 : memref<512xi32, #tpu.memory_space<vmem>>) target_semaphore(%run_scoped3A : memref<!tpu.dma_semaphore, #tpu.memory_space<semaphore_mem>>)
      %dma_wait3A_156 = tpu.memref_slice %arg2[%mul3A_2] : memref<16384xi32, #tpu.memory_space<hbm>> -> memref<512xi32, #tpu.memory_space<hbm>>
      %dma_wait3A_157 = tpu.memref_slice %arg2[%mul3A_2] : memref<16384xi32, #tpu.memory_space<hbm>> -> memref<512xi32, #tpu.memory_space<hbm>>
      tpu.wait_dma2 semaphore(%run_scoped3A : memref<!tpu.dma_semaphore, #tpu.memory_space<semaphore_mem>>) src(%dma_wait3A_157 : memref<512xi32, #tpu.memory_space<hbm>>) dst(%arg7 : memref<512xi32, #tpu.memory_space<vmem>>)
      tpu.yield
    }) : () -> ()
    "tpu.region"() ({
      %run_scoped3A = tpu.sem_alloc : memref<!tpu.dma_semaphore, #tpu.memory_space<semaphore_mem>>
      %dma_start3A_154 = tpu.memref_slice %arg3[%mul3A_2] : memref<16384xi32, #tpu.memory_space<hbm>> -> memref<512xi32, #tpu.memory_space<hbm>>
      %dma_start3A_155 = tpu.memref_slice %arg3[%mul3A_2] : memref<16384xi32, #tpu.memory_space<hbm>> -> memref<512xi32, #tpu.memory_space<hbm>>
      tpu.enqueue_dma source(%dma_start3A_155 : memref<512xi32, #tpu.memory_space<hbm>>) target(%arg8 : memref<512xi32, #tpu.memory_space<vmem>>) target_semaphore(%run_scoped3A : memref<!tpu.dma_semaphore, #tpu.memory_space<semaphore_mem>>)
      %dma_wait3A_156 = tpu.memref_slice %arg3[%mul3A_2] : memref<16384xi32, #tpu.memory_space<hbm>> -> memref<512xi32, #tpu.memory_space<hbm>>
      %dma_wait3A_157 = tpu.memref_slice %arg3[%mul3A_2] : memref<16384xi32, #tpu.memory_space<hbm>> -> memref<512xi32, #tpu.memory_space<hbm>>
      tpu.wait_dma2 semaphore(%run_scoped3A : memref<!tpu.dma_semaphore, #tpu.memory_space<semaphore_mem>>) src(%dma_wait3A_157 : memref<512xi32, #tpu.memory_space<hbm>>) dst(%arg8 : memref<512xi32, #tpu.memory_space<vmem>>)
      tpu.yield
    }) : () -> ()
    %iota3A = tpu.iota {dimensions = array<i32: 0>} : vector<16xi32>
    %add3A_3 = arith.constant 0 : i32
    %add3A_4 = vector.broadcast %add3A_3 : i32 to vector<16xi32>
    %add3A_5 = arith.addi %iota3A, %add3A_4 : vector<16xi32>
    %add3A_6 = arith.constant 16 : i32
    %add3A_7 = vector.broadcast %add3A_6 : i32 to vector<16xi32>
    %add3A_8 = arith.addi %iota3A, %add3A_7 : vector<16xi32>
    %add3A_9 = arith.constant 32 : i32
    %add3A_10 = vector.broadcast %add3A_9 : i32 to vector<16xi32>
    %add3A_11 = arith.addi %iota3A, %add3A_10 : vector<16xi32>
    %add3A_12 = arith.constant 48 : i32
    %add3A_13 = vector.broadcast %add3A_12 : i32 to vector<16xi32>
    %add3A_14 = arith.addi %iota3A, %add3A_13 : vector<16xi32>
    %get3A = arith.constant 0 : index
    %get3A_15 = tpu.vector_load %arg7[%get3A] {strides = array<i32>} : memref<512xi32, #tpu.memory_space<vmem>>, vector<16xi32>,
    %get3A_16 = arith.constant 0 : index
    %get3A_17 = tpu.vector_load %arg8[%get3A_16] {strides = array<i32>} : memref<512xi32, #tpu.memory_space<vmem>>, vector<16xi32>,
    %slice3A = vector.extract_strided_slice %get3A_15 {offsets = [0], sizes = [1], strides = [1]} : vector<16xi32> to vector<1xi32>
    %squeeze3A = vector.extract %slice3A[0] : i32 from vector<1xi32>
    %shift_right_arithmetic3A = arith.constant 7 : i32
    %shift_right_arithmetic3A_18 = arith.shrsi %squeeze3A, %shift_right_arithmetic3A : i32
    %mul3A_19 = arith.constant 128 : i32
    %mul3A_20 = arith.muli %shift_right_arithmetic3A_18, %mul3A_19 : i32
    %multiple_of3A = tpu.assume_multiple %mul3A_20, 128 : i32
    %dma_start3A = arith.constant 0 : i32
    %dma_start3A_21 = tpu.memref_slice %arg4[%dma_start3A, %multiple_of3A] : memref<64x1000000xf32, #tpu.memory_space<hbm>> -> memref<64x128xf32, #tpu.memory_space<hbm>>
    %dma_start3A_22 = arith.constant 0 : i32
    %dma_start3A_23 = tpu.memref_slice %arg4[%dma_start3A_22, %multiple_of3A] : memref<64x1000000xf32, #tpu.memory_space<hbm>> -> memref<64x128xf32, #tpu.memory_space<hbm>>
    tpu.enqueue_dma source(%dma_start3A_23 : memref<64x128xf32, #tpu.memory_space<hbm>>) target(%arg9 : memref<64x128xf32, #tpu.memory_space<vmem>>) target_semaphore(%arg18 : memref<!tpu.dma_semaphore, #tpu.memory_space<semaphore_mem>>)
    %slice3A_24 = vector.extract_strided_slice %get3A_17 {offsets = [0], sizes = [1], strides = [1]} : vector<16xi32> to vector<1xi32>
    %squeeze3A_25 = vector.extract %slice3A_24[0] : i32 from vector<1xi32>
    %shift_right_arithmetic3A_26 = arith.constant 7 : i32
    %shift_right_arithmetic3A_27 = arith.shrsi %squeeze3A_25, %shift_right_arithmetic3A_26 : i32
    %mul3A_28 = arith.constant 128 : i32
    %mul3A_29 = arith.muli %shift_right_arithmetic3A_27, %mul3A_28 : i32
    %multiple_of3A_30 = tpu.assume_multiple %mul3A_29, 128 : i32
    %dma_start3A_31 = arith.constant 0 : i32
    %dma_start3A_32 = tpu.memref_slice %arg5[%dma_start3A_31, %multiple_of3A_30] : memref<64x1000000xf32, #tpu.memory_space<hbm>> -> memref<64x128xf32, #tpu.memory_space<hbm>>
    %dma_start3A_33 = arith.constant 0 : i32
    %dma_start3A_34 = tpu.memref_slice %arg5[%dma_start3A_33, %multiple_of3A_30] : memref<64x1000000xf32, #tpu.memory_space<hbm>> -> memref<64x128xf32, #tpu.memory_space<hbm>>
    tpu.enqueue_dma source(%dma_start3A_34 : memref<64x128xf32, #tpu.memory_space<hbm>>) target(%arg13 : memref<64x128xf32, #tpu.memory_space<vmem>>) target_semaphore(%arg19 : memref<!tpu.dma_semaphore, #tpu.memory_space<semaphore_mem>>)
    %slice3A_35 = vector.extract_strided_slice %get3A_15 {offsets = [1], sizes = [1], strides = [1]} : vector<16xi32> to vector<1xi32>
    %squeeze3A_36 = vector.extract %slice3A_35[0] : i32 from vector<1xi32>
    %shift_right_arithmetic3A_37 = arith.constant 7 : i32
    %shift_right_arithmetic3A_38 = arith.shrsi %squeeze3A_36, %shift_right_arithmetic3A_37 : i32
    %mul3A_39 = arith.constant 128 : i32
    %mul3A_40 = arith.muli %shift_right_arithmetic3A_38, %mul3A_39 : i32
    %multiple_of3A_41 = tpu.assume_multiple %mul3A_40, 128 : i32
    %dma_start3A_42 = arith.constant 0 : i32
    %dma_start3A_43 = tpu.memref_slice %arg4[%dma_start3A_42, %multiple_of3A_41] : memref<64x1000000xf32, #tpu.memory_space<hbm>> -> memref<64x128xf32, #tpu.memory_space<hbm>>
    %dma_start3A_44 = arith.constant 0 : i32
    %dma_start3A_45 = tpu.memref_slice %arg4[%dma_start3A_44, %multiple_of3A_41] : memref<64x1000000xf32, #tpu.memory_space<hbm>> -> memref<64x128xf32, #tpu.memory_space<hbm>>
    tpu.enqueue_dma source(%dma_start3A_45 : memref<64x128xf32, #tpu.memory_space<hbm>>) target(%arg10 : memref<64x128xf32, #tpu.memory_space<vmem>>) target_semaphore(%arg18 : memref<!tpu.dma_semaphore, #tpu.memory_space<semaphore_mem>>)
    %slice3A_46 = vector.extract_strided_slice %get3A_17 {offsets = [1], sizes = [1], strides = [1]} : vector<16xi32> to vector<1xi32>
    %squeeze3A_47 = vector.extract %slice3A_46[0] : i32 from vector<1xi32>
    %shift_right_arithmetic3A_48 = arith.constant 7 : i32
    %shift_right_arithmetic3A_49 = arith.shrsi %squeeze3A_47, %shift_right_arithmetic3A_48 : i32
    %mul3A_50 = arith.constant 128 : i32
    %mul3A_51 = arith.muli %shift_right_arithmetic3A_49, %mul3A_50 : i32
    %multiple_of3A_52 = tpu.assume_multiple %mul3A_51, 128 : i32
    %dma_start3A_53 = arith.constant 0 : i32
    %dma_start3A_54 = tpu.memref_slice %arg5[%dma_start3A_53, %multiple_of3A_52] : memref<64x1000000xf32, #tpu.memory_space<hbm>> -> memref<64x128xf32, #tpu.memory_space<hbm>>
    %dma_start3A_55 = arith.constant 0 : i32
    %dma_start3A_56 = tpu.memref_slice %arg5[%dma_start3A_55, %multiple_of3A_52] : memref<64x1000000xf32, #tpu.memory_space<hbm>> -> memref<64x128xf32, #tpu.memory_space<hbm>>
    tpu.enqueue_dma source(%dma_start3A_56 : memref<64x128xf32, #tpu.memory_space<hbm>>) target(%arg14 : memref<64x128xf32, #tpu.memory_space<vmem>>) target_semaphore(%arg19 : memref<!tpu.dma_semaphore, #tpu.memory_space<semaphore_mem>>)
    %slice3A_57 = vector.extract_strided_slice %get3A_15 {offsets = [2], sizes = [1], strides = [1]} : vector<16xi32> to vector<1xi32>
    %squeeze3A_58 = vector.extract %slice3A_57[0] : i32 from vector<1xi32>
    %shift_right_arithmetic3A_59 = arith.constant 7 : i32
    %shift_right_arithmetic3A_60 = arith.shrsi %squeeze3A_58, %shift_right_arithmetic3A_59 : i32
    %mul3A_61 = arith.constant 128 : i32
    %mul3A_62 = arith.muli %shift_right_arithmetic3A_60, %mul3A_61 : i32
    %multiple_of3A_63 = tpu.assume_multiple %mul3A_62, 128 : i32
    %dma_start3A_64 = arith.constant 0 : i32
    %dma_start3A_65 = tpu.memref_slice %arg4[%dma_start3A_64, %multiple_of3A_63] : memref<64x1000000xf32, #tpu.memory_space<hbm>> -> memref<64x128xf32, #tpu.memory_space<hbm>>
    %dma_start3A_66 = arith.constant 0 : i32
    %dma_start3A_67 = tpu.memref_slice %arg4[%dma_start3A_66, %multiple_of3A_63] : memref<64x1000000xf32, #tpu.memory_space<hbm>> -> memref<64x128xf32, #tpu.memory_space<hbm>>
    tpu.enqueue_dma source(%dma_start3A_67 : memref<64x128xf32, #tpu.memory_space<hbm>>) target(%arg11 : memref<64x128xf32, #tpu.memory_space<vmem>>) target_semaphore(%arg18 : memref<!tpu.dma_semaphore, #tpu.memory_space<semaphore_mem>>)
    %slice3A_68 = vector.extract_strided_slice %get3A_17 {offsets = [2], sizes = [1], strides = [1]} : vector<16xi32> to vector<1xi32>
    %squeeze3A_69 = vector.extract %slice3A_68[0] : i32 from vector<1xi32>
    %shift_right_arithmetic3A_70 = arith.constant 7 : i32
    %shift_right_arithmetic3A_71 = arith.shrsi %squeeze3A_69, %shift_right_arithmetic3A_70 : i32
    %mul3A_72 = arith.constant 128 : i32
    %mul3A_73 = arith.muli %shift_right_arithmetic3A_71, %mul3A_72 : i32
    %multiple_of3A_74 = tpu.assume_multiple %mul3A_73, 128 : i32
    %dma_start3A_75 = arith.constant 0 : i32
    %dma_start3A_76 = tpu.memref_slice %arg5[%dma_start3A_75, %multiple_of3A_74] : memref<64x1000000xf32, #tpu.memory_space<hbm>> -> memref<64x128xf32, #tpu.memory_space<hbm>>
    %dma_start3A_77 = arith.constant 0 : i32
    %dma_start3A_78 = tpu.memref_slice %arg5[%dma_start3A_77, %multiple_of3A_74] : memref<64x1000000xf32, #tpu.memory_space<hbm>> -> memref<64x128xf32, #tpu.memory_space<hbm>>
    tpu.enqueue_dma source(%dma_start3A_78 : memref<64x128xf32, #tpu.memory_space<hbm>>) target(%arg15 : memref<64x128xf32, #tpu.memory_space<vmem>>) target_semaphore(%arg19 : memref<!tpu.dma_semaphore, #tpu.memory_space<semaphore_mem>>)
    %slice3A_79 = vector.extract_strided_slice %get3A_15 {offsets = [3], sizes = [1], strides = [1]} : vector<16xi32> to vector<1xi32>
    %squeeze3A_80 = vector.extract %slice3A_79[0] : i32 from vector<1xi32>
    %shift_right_arithmetic3A_81 = arith.constant 7 : i32
    %shift_right_arithmetic3A_82 = arith.shrsi %squeeze3A_80, %shift_right_arithmetic3A_81 : i32
    %mul3A_83 = arith.constant 128 : i32
    %mul3A_84 = arith.muli %shift_right_arithmetic3A_82, %mul3A_83 : i32
    %multiple_of3A_85 = tpu.assume_multiple %mul3A_84, 128 : i32
    %dma_start3A_86 = arith.constant 0 : i32
    %dma_start3A_87 = tpu.memref_slice %arg4[%dma_start3A_86, %multiple_of3A_85] : memref<64x1000000xf32, #tpu.memory_space<hbm>> -> memref<64x128xf32, #tpu.memory_space<hbm>>
    %dma_start3A_88 = arith.constant 0 : i32
    %dma_start3A_89 = tpu.memref_slice %arg4[%dma_start3A_88, %multiple_of3A_85] : memref<64x1000000xf32, #tpu.memory_space<hbm>> -> memref<64x128xf32, #tpu.memory_space<hbm>>
    tpu.enqueue_dma source(%dma_start3A_89 : memref<64x128xf32, #tpu.memory_space<hbm>>) target(%arg12 : memref<64x128xf32, #tpu.memory_space<vmem>>) target_semaphore(%arg18 : memref<!tpu.dma_semaphore, #tpu.memory_space<semaphore_mem>>)
    %slice3A_90 = vector.extract_strided_slice %get3A_17 {offsets = [3], sizes = [1], strides = [1]} : vector<16xi32> to vector<1xi32>
    %squeeze3A_91 = vector.extract %slice3A_90[0] : i32 from vector<1xi32>
    %shift_right_arithmetic3A_92 = arith.constant 7 : i32
    %shift_right_arithmetic3A_93 = arith.shrsi %squeeze3A_91, %shift_right_arithmetic3A_92 : i32
    %mul3A_94 = arith.constant 128 : i32
    %mul3A_95 = arith.muli %shift_right_arithmetic3A_93, %mul3A_94 : i32
    %multiple_of3A_96 = tpu.assume_multiple %mul3A_95, 128 : i32
    %dma_start3A_97 = arith.constant 0 : i32
    %dma_start3A_98 = tpu.memref_slice %arg5[%dma_start3A_97, %multiple_of3A_96] : memref<64x1000000xf32, #tpu.memory_space<hbm>> -> memref<64x128xf32, #tpu.memory_space<hbm>>
    %dma_start3A_99 = arith.constant 0 : i32
    %dma_start3A_100 = tpu.memref_slice %arg5[%dma_start3A_99, %multiple_of3A_96] : memref<64x1000000xf32, #tpu.memory_space<hbm>> -> memref<64x128xf32, #tpu.memory_space<hbm>>
    tpu.enqueue_dma source(%dma_start3A_100 : memref<64x128xf32, #tpu.memory_space<hbm>>) target(%arg16 : memref<64x128xf32, #tpu.memory_space<vmem>>) target_semaphore(%arg19 : memref<!tpu.dma_semaphore, #tpu.memory_space<semaphore_mem>>)
    %scan3A = arith.constant 0 : i32
    %scan3A_101 = arith.constant 0 : i32
    %scan3A_102 = arith.constant 32 : i32
    %scan3A_103 = arith.addi %scan3A_101, %scan3A_102 : i32
    %scan3A_104 = arith.constant 1 : i32
    %scan3A_105 = scf.for %scan3A_154 = %scan3A_101 to %scan3A_103 step %scan3A_104 iter_args(%scan3A_155 = %scan3A) -> (i32)  : i32 {
      %mul3A_156 = arith.constant 16 : i32
      %mul3A_157 = arith.muli %scan3A_154, %mul3A_156 : i32
      %get3A_158 = arith.index_cast %mul3A_157 : i32 to index
      %get3A_159 = tpu.vector_load %arg7[%get3A_158] {strides = array<i32>} : memref<512xi32, #tpu.memory_space<vmem>>, vector<16xi32>,
      %mul3A_160 = arith.constant 16 : i32
      %mul3A_161 = arith.muli %scan3A_154, %mul3A_160 : i32
      %get3A_162 = arith.index_cast %mul3A_161 : i32 to index
      %get3A_163 = tpu.vector_load %arg8[%get3A_162] {strides = array<i32>} : memref<512xi32, #tpu.memory_space<vmem>>, vector<16xi32>,
      %add3A_164 = arith.constant 1 : i32
      %add3A_165 = arith.addi %scan3A_154, %add3A_164 : i32
      %min3A = arith.constant 31 : i32
      %min3A_166 = arith.minsi %add3A_165, %min3A : i32
      %mul3A_167 = arith.constant 16 : i32
      %mul3A_168 = arith.muli %min3A_166, %mul3A_167 : i32
      %get3A_169 = arith.index_cast %mul3A_168 : i32 to index
      %get3A_170 = tpu.vector_load %arg7[%get3A_169] {strides = array<i32>} : memref<512xi32, #tpu.memory_space<vmem>>, vector<16xi32>,
      %mul3A_171 = arith.constant 16 : i32
      %mul3A_172 = arith.muli %min3A_166, %mul3A_171 : i32
      %get3A_173 = arith.index_cast %mul3A_172 : i32 to index
      %get3A_174 = tpu.vector_load %arg8[%get3A_173] {strides = array<i32>} : memref<512xi32, #tpu.memory_space<vmem>>, vector<16xi32>,
      %broadcast_in_dim3A = arith.constant 0.000000e+00 : f32
      %broadcast_in_dim3A_175 = vector.broadcast %broadcast_in_dim3A : f32 to vector<16xf32>
      %dma_wait3A_176 = arith.constant 0 : i32
      %dma_wait3A_177 = arith.constant 0 : i32
      %dma_wait3A_178 = tpu.memref_slice %arg4[%dma_wait3A_176, %dma_wait3A_177] : memref<64x1000000xf32, #tpu.memory_space<hbm>> -> memref<64x128xf32, #tpu.memory_space<hbm>>
      %dma_wait3A_179 = arith.constant 0 : i32
      %dma_wait3A_180 = arith.constant 0 : i32
      %dma_wait3A_181 = tpu.memref_slice %arg4[%dma_wait3A_179, %dma_wait3A_180] : memref<64x1000000xf32, #tpu.memory_space<hbm>> -> memref<64x128xf32, #tpu.memory_space<hbm>>
      tpu.wait_dma2 semaphore(%arg18 : memref<!tpu.dma_semaphore, #tpu.memory_space<semaphore_mem>>) src(%dma_wait3A_181 : memref<64x128xf32, #tpu.memory_space<hbm>>) dst(%arg9 : memref<64x128xf32, #tpu.memory_space<vmem>>)
      %dma_wait3A_182 = arith.constant 0 : i32
      %dma_wait3A_183 = arith.constant 0 : i32
      %dma_wait3A_184 = tpu.memref_slice %arg5[%dma_wait3A_182, %dma_wait3A_183] : memref<64x1000000xf32, #tpu.memory_space<hbm>> -> memref<64x128xf32, #tpu.memory_space<hbm>>
      %dma_wait3A_185 = arith.constant 0 : i32
      %dma_wait3A_186 = arith.constant 0 : i32
      %dma_wait3A_187 = tpu.memref_slice %arg5[%dma_wait3A_185, %dma_wait3A_186] : memref<64x1000000xf32, #tpu.memory_space<hbm>> -> memref<64x128xf32, #tpu.memory_space<hbm>>
      tpu.wait_dma2 semaphore(%arg19 : memref<!tpu.dma_semaphore, #tpu.memory_space<semaphore_mem>>) src(%dma_wait3A_187 : memref<64x128xf32, #tpu.memory_space<hbm>>) dst(%arg13 : memref<64x128xf32, #tpu.memory_space<vmem>>)
      %slice3A_188 = vector.extract_strided_slice %get3A_159 {offsets = [0], sizes = [1], strides = [1]} : vector<16xi32> to vector<1xi32>
      %squeeze3A_189 = vector.extract %slice3A_188[0] : i32 from vector<1xi32>
      %and3A = arith.constant 127 : i32
      %and3A_190 = arith.andi %squeeze3A_189, %and3A : i32
      %slice3A_191 = vector.extract_strided_slice %get3A_163 {offsets = [0], sizes = [1], strides = [1]} : vector<16xi32> to vector<1xi32>
      %squeeze3A_192 = vector.extract %slice3A_191[0] : i32 from vector<1xi32>
      %and3A_193 = arith.constant 127 : i32
      %and3A_194 = arith.andi %squeeze3A_192, %and3A_193 : i32
      %broadcast_in_dim3A_195 = vector.broadcast %and3A_190 : i32 to vector<16xi32>
      %broadcast_in_dim3A_196 = vector.broadcast %and3A_194 : i32 to vector<16xi32>
      %broadcast_in_dim3A_197 = arith.constant 0.000000e+00 : f32
      %broadcast_in_dim3A_198 = vector.broadcast %broadcast_in_dim3A_197 : f32 to vector<16xf32>
      %gather3A = tpu.vector_load_idx %arg9[%add3A_5, %broadcast_in_dim3A_195] : memref<64x128xf32, #tpu.memory_space<vmem>>[vector<16xi32>, vector<16xi32>], vector<16xf32>,
      %gather3A_199 = tpu.vector_load_idx %arg13[%add3A_5, %broadcast_in_dim3A_196] : memref<64x128xf32, #tpu.memory_space<vmem>>[vector<16xi32>, vector<16xi32>], vector<16xf32>,
      %mul3A_200 = arith.mulf %gather3A, %gather3A_199 : vector<16xf32>
      %add3A_201 = arith.addf %broadcast_in_dim3A_198, %mul3A_200 : vector<16xf32>
      %gather3A_202 = tpu.vector_load_idx %arg9[%add3A_8, %broadcast_in_dim3A_195] : memref<64x128xf32, #tpu.memory_space<vmem>>[vector<16xi32>, vector<16xi32>], vector<16xf32>,
      %gather3A_203 = tpu.vector_load_idx %arg13[%add3A_8, %broadcast_in_dim3A_196] : memref<64x128xf32, #tpu.memory_space<vmem>>[vector<16xi32>, vector<16xi32>], vector<16xf32>,
      %mul3A_204 = arith.mulf %gather3A_202, %gather3A_203 : vector<16xf32>
      %add3A_205 = arith.addf %add3A_201, %mul3A_204 : vector<16xf32>
      %gather3A_206 = tpu.vector_load_idx %arg9[%add3A_11, %broadcast_in_dim3A_195] : memref<64x128xf32, #tpu.memory_space<vmem>>[vector<16xi32>, vector<16xi32>], vector<16xf32>,
      %gather3A_207 = tpu.vector_load_idx %arg13[%add3A_11, %broadcast_in_dim3A_196] : memref<64x128xf32, #tpu.memory_space<vmem>>[vector<16xi32>, vector<16xi32>], vector<16xf32>,
      %mul3A_208 = arith.mulf %gather3A_206, %gather3A_207 : vector<16xf32>
      %add3A_209 = arith.addf %add3A_205, %mul3A_208 : vector<16xf32>
      %gather3A_210 = tpu.vector_load_idx %arg9[%add3A_14, %broadcast_in_dim3A_195] : memref<64x128xf32, #tpu.memory_space<vmem>>[vector<16xi32>, vector<16xi32>], vector<16xf32>,
      %gather3A_211 = tpu.vector_load_idx %arg13[%add3A_14, %broadcast_in_dim3A_196] : memref<64x128xf32, #tpu.memory_space<vmem>>[vector<16xi32>, vector<16xi32>], vector<16xf32>,
      %mul3A_212 = arith.mulf %gather3A_210, %gather3A_211 : vector<16xf32>
      %add3A_213 = arith.addf %add3A_209, %mul3A_212 : vector<16xf32>
      %reduce_sum3A = arith.constant true
      %reduce_sum3A_214 = vector.broadcast %reduce_sum3A : i1 to vector<16xi1>
      %reduce_sum3A_215 = tpu.scan <sum>, %add3A_213 masked %reduce_sum3A_214 : vector<16xf32>, vector<16xi1> -> vector<16xf32>
      %reduce_sum3A_216 = vector.extract %reduce_sum3A_215[15] : f32 from vector<16xf32>
      %eq3A = arith.constant 0 : i32
      %eq3A_217 = vector.broadcast %eq3A : i32 to vector<16xi32>
      %eq3A_218 = arith.cmpi eq, %iota3A, %eq3A_217 : vector<16xi32>
      %broadcast_in_dim3A_219 = vector.broadcast %reduce_sum3A_216 : f32 to vector<16xf32>
      %select_n3A = arith.select %eq3A_218, %broadcast_in_dim3A_219, %broadcast_in_dim3A_175 : vector<16xi1>, vector<16xf32>
      %slice3A_220 = vector.extract_strided_slice %get3A_159 {offsets = [4], sizes = [1], strides = [1]} : vector<16xi32> to vector<1xi32>
      %squeeze3A_221 = vector.extract %slice3A_220[0] : i32 from vector<1xi32>
      %slice3A_222 = vector.extract_strided_slice %get3A_163 {offsets = [4], sizes = [1], strides = [1]} : vector<16xi32> to vector<1xi32>
      %squeeze3A_223 = vector.extract %slice3A_222[0] : i32 from vector<1xi32>
      %shift_right_arithmetic3A_224 = arith.constant 7 : i32
      %shift_right_arithmetic3A_225 = arith.shrsi %squeeze3A_221, %shift_right_arithmetic3A_224 : i32
      %mul3A_226 = arith.constant 128 : i32
      %mul3A_227 = arith.muli %shift_right_arithmetic3A_225, %mul3A_226 : i32
      %multiple_of3A_228 = tpu.assume_multiple %mul3A_227, 128 : i32
      %dma_start3A_229 = arith.constant 0 : i32
      %dma_start3A_230 = tpu.memref_slice %arg4[%dma_start3A_229, %multiple_of3A_228] : memref<64x1000000xf32, #tpu.memory_space<hbm>> -> memref<64x128xf32, #tpu.memory_space<hbm>>
      %dma_start3A_231 = arith.constant 0 : i32
      %dma_start3A_232 = tpu.memref_slice %arg4[%dma_start3A_231, %multiple_of3A_228] : memref<64x1000000xf32, #tpu.memory_space<hbm>> -> memref<64x128xf32, #tpu.memory_space<hbm>>
      tpu.enqueue_dma source(%dma_start3A_232 : memref<64x128xf32, #tpu.memory_space<hbm>>) target(%arg9 : memref<64x128xf32, #tpu.memory_space<vmem>>) target_semaphore(%arg18 : memref<!tpu.dma_semaphore, #tpu.memory_space<semaphore_mem>>)
      %shift_right_arithmetic3A_233 = arith.constant 7 : i32
      %shift_right_arithmetic3A_234 = arith.shrsi %squeeze3A_223, %shift_right_arithmetic3A_233 : i32
      %mul3A_235 = arith.constant 128 : i32
      %mul3A_236 = arith.muli %shift_right_arithmetic3A_234, %mul3A_235 : i32
      %multiple_of3A_237 = tpu.assume_multiple %mul3A_236, 128 : i32
      %dma_start3A_238 = arith.constant 0 : i32
      %dma_start3A_239 = tpu.memref_slice %arg5[%dma_start3A_238, %multiple_of3A_237] : memref<64x1000000xf32, #tpu.memory_space<hbm>> -> memref<64x128xf32, #tpu.memory_space<hbm>>
      %dma_start3A_240 = arith.constant 0 : i32
      %dma_start3A_241 = tpu.memref_slice %arg5[%dma_start3A_240, %multiple_of3A_237] : memref<64x1000000xf32, #tpu.memory_space<hbm>> -> memref<64x128xf32, #tpu.memory_space<hbm>>
      tpu.enqueue_dma source(%dma_start3A_241 : memref<64x128xf32, #tpu.memory_space<hbm>>) target(%arg13 : memref<64x128xf32, #tpu.memory_space<vmem>>) target_semaphore(%arg19 : memref<!tpu.dma_semaphore, #tpu.memory_space<semaphore_mem>>)
      %dma_wait3A_242 = arith.constant 0 : i32
      %dma_wait3A_243 = arith.constant 0 : i32
      %dma_wait3A_244 = tpu.memref_slice %arg4[%dma_wait3A_242, %dma_wait3A_243] : memref<64x1000000xf32, #tpu.memory_space<hbm>> -> memref<64x128xf32, #tpu.memory_space<hbm>>
      %dma_wait3A_245 = arith.constant 0 : i32
      %dma_wait3A_246 = arith.constant 0 : i32
      %dma_wait3A_247 = tpu.memref_slice %arg4[%dma_wait3A_245, %dma_wait3A_246] : memref<64x1000000xf32, #tpu.memory_space<hbm>> -> memref<64x128xf32, #tpu.memory_space<hbm>>
      tpu.wait_dma2 semaphore(%arg18 : memref<!tpu.dma_semaphore, #tpu.memory_space<semaphore_mem>>) src(%dma_wait3A_247 : memref<64x128xf32, #tpu.memory_space<hbm>>) dst(%arg10 : memref<64x128xf32, #tpu.memory_space<vmem>>)
      %dma_wait3A_248 = arith.constant 0 : i32
      %dma_wait3A_249 = arith.constant 0 : i32
      %dma_wait3A_250 = tpu.memref_slice %arg5[%dma_wait3A_248, %dma_wait3A_249] : memref<64x1000000xf32, #tpu.memory_space<hbm>> -> memref<64x128xf32, #tpu.memory_space<hbm>>
      %dma_wait3A_251 = arith.constant 0 : i32
      %dma_wait3A_252 = arith.constant 0 : i32
      %dma_wait3A_253 = tpu.memref_slice %arg5[%dma_wait3A_251, %dma_wait3A_252] : memref<64x1000000xf32, #tpu.memory_space<hbm>> -> memref<64x128xf32, #tpu.memory_space<hbm>>
      tpu.wait_dma2 semaphore(%arg19 : memref<!tpu.dma_semaphore, #tpu.memory_space<semaphore_mem>>) src(%dma_wait3A_253 : memref<64x128xf32, #tpu.memory_space<hbm>>) dst(%arg14 : memref<64x128xf32, #tpu.memory_space<vmem>>)
      %slice3A_254 = vector.extract_strided_slice %get3A_159 {offsets = [1], sizes = [1], strides = [1]} : vector<16xi32> to vector<1xi32>
      %squeeze3A_255 = vector.extract %slice3A_254[0] : i32 from vector<1xi32>
      %and3A_256 = arith.constant 127 : i32
      %and3A_257 = arith.andi %squeeze3A_255, %and3A_256 : i32
      %slice3A_258 = vector.extract_strided_slice %get3A_163 {offsets = [1], sizes = [1], strides = [1]} : vector<16xi32> to vector<1xi32>
      %squeeze3A_259 = vector.extract %slice3A_258[0] : i32 from vector<1xi32>
      %and3A_260 = arith.constant 127 : i32
      %and3A_261 = arith.andi %squeeze3A_259, %and3A_260 : i32
      %broadcast_in_dim3A_262 = vector.broadcast %and3A_257 : i32 to vector<16xi32>
      %broadcast_in_dim3A_263 = vector.broadcast %and3A_261 : i32 to vector<16xi32>
      %broadcast_in_dim3A_264 = arith.constant 0.000000e+00 : f32
      %broadcast_in_dim3A_265 = vector.broadcast %broadcast_in_dim3A_264 : f32 to vector<16xf32>
      %gather3A_266 = tpu.vector_load_idx %arg10[%add3A_5, %broadcast_in_dim3A_262] : memref<64x128xf32, #tpu.memory_space<vmem>>[vector<16xi32>, vector<16xi32>], vector<16xf32>,
      %gather3A_267 = tpu.vector_load_idx %arg14[%add3A_5, %broadcast_in_dim3A_263] : memref<64x128xf32, #tpu.memory_space<vmem>>[vector<16xi32>, vector<16xi32>], vector<16xf32>,
      %mul3A_268 = arith.mulf %gather3A_266, %gather3A_267 : vector<16xf32>
      %add3A_269 = arith.addf %broadcast_in_dim3A_265, %mul3A_268 : vector<16xf32>
      %gather3A_270 = tpu.vector_load_idx %arg10[%add3A_8, %broadcast_in_dim3A_262] : memref<64x128xf32, #tpu.memory_space<vmem>>[vector<16xi32>, vector<16xi32>], vector<16xf32>,
      %gather3A_271 = tpu.vector_load_idx %arg14[%add3A_8, %broadcast_in_dim3A_263] : memref<64x128xf32, #tpu.memory_space<vmem>>[vector<16xi32>, vector<16xi32>], vector<16xf32>,
      %mul3A_272 = arith.mulf %gather3A_270, %gather3A_271 : vector<16xf32>
      %add3A_273 = arith.addf %add3A_269, %mul3A_272 : vector<16xf32>
      %gather3A_274 = tpu.vector_load_idx %arg10[%add3A_11, %broadcast_in_dim3A_262] : memref<64x128xf32, #tpu.memory_space<vmem>>[vector<16xi32>, vector<16xi32>], vector<16xf32>,
      %gather3A_275 = tpu.vector_load_idx %arg14[%add3A_11, %broadcast_in_dim3A_263] : memref<64x128xf32, #tpu.memory_space<vmem>>[vector<16xi32>, vector<16xi32>], vector<16xf32>,
      %mul3A_276 = arith.mulf %gather3A_274, %gather3A_275 : vector<16xf32>
      %add3A_277 = arith.addf %add3A_273, %mul3A_276 : vector<16xf32>
      %gather3A_278 = tpu.vector_load_idx %arg10[%add3A_14, %broadcast_in_dim3A_262] : memref<64x128xf32, #tpu.memory_space<vmem>>[vector<16xi32>, vector<16xi32>], vector<16xf32>,
      %gather3A_279 = tpu.vector_load_idx %arg14[%add3A_14, %broadcast_in_dim3A_263] : memref<64x128xf32, #tpu.memory_space<vmem>>[vector<16xi32>, vector<16xi32>], vector<16xf32>,
      %mul3A_280 = arith.mulf %gather3A_278, %gather3A_279 : vector<16xf32>
      %add3A_281 = arith.addf %add3A_277, %mul3A_280 : vector<16xf32>
      %reduce_sum3A_282 = arith.constant true
      %reduce_sum3A_283 = vector.broadcast %reduce_sum3A_282 : i1 to vector<16xi1>
      %reduce_sum3A_284 = tpu.scan <sum>, %add3A_281 masked %reduce_sum3A_283 : vector<16xf32>, vector<16xi1> -> vector<16xf32>
      %reduce_sum3A_285 = vector.extract %reduce_sum3A_284[15] : f32 from vector<16xf32>
      %eq3A_286 = arith.constant 1 : i32
      %eq3A_287 = vector.broadcast %eq3A_286 : i32 to vector<16xi32>
      %eq3A_288 = arith.cmpi eq, %iota3A, %eq3A_287 : vector<16xi32>
      %broadcast_in_dim3A_289 = vector.broadcast %reduce_sum3A_285 : f32 to vector<16xf32>
      %select_n3A_290 = arith.select %eq3A_288, %broadcast_in_dim3A_289, %select_n3A : vector<16xi1>, vector<16xf32>
      %slice3A_291 = vector.extract_strided_slice %get3A_159 {offsets = [5], sizes = [1], strides = [1]} : vector<16xi32> to vector<1xi32>
      %squeeze3A_292 = vector.extract %slice3A_291[0] : i32 from vector<1xi32>
      %slice3A_293 = vector.extract_strided_slice %get3A_163 {offsets = [5], sizes = [1], strides = [1]} : vector<16xi32> to vector<1xi32>
      %squeeze3A_294 = vector.extract %slice3A_293[0] : i32 from vector<1xi32>
      %shift_right_arithmetic3A_295 = arith.constant 7 : i32
      %shift_right_arithmetic3A_296 = arith.shrsi %squeeze3A_292, %shift_right_arithmetic3A_295 : i32
      %mul3A_297 = arith.constant 128 : i32
      %mul3A_298 = arith.muli %shift_right_arithmetic3A_296, %mul3A_297 : i32
      %multiple_of3A_299 = tpu.assume_multiple %mul3A_298, 128 : i32
      %dma_start3A_300 = arith.constant 0 : i32
      %dma_start3A_301 = tpu.memref_slice %arg4[%dma_start3A_300, %multiple_of3A_299] : memref<64x1000000xf32, #tpu.memory_space<hbm>> -> memref<64x128xf32, #tpu.memory_space<hbm>>
      %dma_start3A_302 = arith.constant 0 : i32
      %dma_start3A_303 = tpu.memref_slice %arg4[%dma_start3A_302, %multiple_of3A_299] : memref<64x1000000xf32, #tpu.memory_space<hbm>> -> memref<64x128xf32, #tpu.memory_space<hbm>>
      tpu.enqueue_dma source(%dma_start3A_303 : memref<64x128xf32, #tpu.memory_space<hbm>>) target(%arg10 : memref<64x128xf32, #tpu.memory_space<vmem>>) target_semaphore(%arg18 : memref<!tpu.dma_semaphore, #tpu.memory_space<semaphore_mem>>)
      %shift_right_arithmetic3A_304 = arith.constant 7 : i32
      %shift_right_arithmetic3A_305 = arith.shrsi %squeeze3A_294, %shift_right_arithmetic3A_304 : i32
      %mul3A_306 = arith.constant 128 : i32
      %mul3A_307 = arith.muli %shift_right_arithmetic3A_305, %mul3A_306 : i32
      %multiple_of3A_308 = tpu.assume_multiple %mul3A_307, 128 : i32
      %dma_start3A_309 = arith.constant 0 : i32
      %dma_start3A_310 = tpu.memref_slice %arg5[%dma_start3A_309, %multiple_of3A_308] : memref<64x1000000xf32, #tpu.memory_space<hbm>> -> memref<64x128xf32, #tpu.memory_space<hbm>>
      %dma_start3A_311 = arith.constant 0 : i32
      %dma_start3A_312 = tpu.memref_slice %arg5[%dma_start3A_311, %multiple_of3A_308] : memref<64x1000000xf32, #tpu.memory_space<hbm>> -> memref<64x128xf32, #tpu.memory_space<hbm>>
      tpu.enqueue_dma source(%dma_start3A_312 : memref<64x128xf32, #tpu.memory_space<hbm>>) target(%arg14 : memref<64x128xf32, #tpu.memory_space<vmem>>) target_semaphore(%arg19 : memref<!tpu.dma_semaphore, #tpu.memory_space<semaphore_mem>>)
      %dma_wait3A_313 = arith.constant 0 : i32
      %dma_wait3A_314 = arith.constant 0 : i32
      %dma_wait3A_315 = tpu.memref_slice %arg4[%dma_wait3A_313, %dma_wait3A_314] : memref<64x1000000xf32, #tpu.memory_space<hbm>> -> memref<64x128xf32, #tpu.memory_space<hbm>>
      %dma_wait3A_316 = arith.constant 0 : i32
      %dma_wait3A_317 = arith.constant 0 : i32
      %dma_wait3A_318 = tpu.memref_slice %arg4[%dma_wait3A_316, %dma_wait3A_317] : memref<64x1000000xf32, #tpu.memory_space<hbm>> -> memref<64x128xf32, #tpu.memory_space<hbm>>
      tpu.wait_dma2 semaphore(%arg18 : memref<!tpu.dma_semaphore, #tpu.memory_space<semaphore_mem>>) src(%dma_wait3A_318 : memref<64x128xf32, #tpu.memory_space<hbm>>) dst(%arg11 : memref<64x128xf32, #tpu.memory_space<vmem>>)
      %dma_wait3A_319 = arith.constant 0 : i32
      %dma_wait3A_320 = arith.constant 0 : i32
      %dma_wait3A_321 = tpu.memref_slice %arg5[%dma_wait3A_319, %dma_wait3A_320] : memref<64x1000000xf32, #tpu.memory_space<hbm>> -> memref<64x128xf32, #tpu.memory_space<hbm>>
      %dma_wait3A_322 = arith.constant 0 : i32
      %dma_wait3A_323 = arith.constant 0 : i32
      %dma_wait3A_324 = tpu.memref_slice %arg5[%dma_wait3A_322, %dma_wait3A_323] : memref<64x1000000xf32, #tpu.memory_space<hbm>> -> memref<64x128xf32, #tpu.memory_space<hbm>>
      tpu.wait_dma2 semaphore(%arg19 : memref<!tpu.dma_semaphore, #tpu.memory_space<semaphore_mem>>) src(%dma_wait3A_324 : memref<64x128xf32, #tpu.memory_space<hbm>>) dst(%arg15 : memref<64x128xf32, #tpu.memory_space<vmem>>)
      %slice3A_325 = vector.extract_strided_slice %get3A_159 {offsets = [2], sizes = [1], strides = [1]} : vector<16xi32> to vector<1xi32>
      %squeeze3A_326 = vector.extract %slice3A_325[0] : i32 from vector<1xi32>
      %and3A_327 = arith.constant 127 : i32
      %and3A_328 = arith.andi %squeeze3A_326, %and3A_327 : i32
      %slice3A_329 = vector.extract_strided_slice %get3A_163 {offsets = [2], sizes = [1], strides = [1]} : vector<16xi32> to vector<1xi32>
      %squeeze3A_330 = vector.extract %slice3A_329[0] : i32 from vector<1xi32>
      %and3A_331 = arith.constant 127 : i32
      %and3A_332 = arith.andi %squeeze3A_330, %and3A_331 : i32
      %broadcast_in_dim3A_333 = vector.broadcast %and3A_328 : i32 to vector<16xi32>
      %broadcast_in_dim3A_334 = vector.broadcast %and3A_332 : i32 to vector<16xi32>
      %broadcast_in_dim3A_335 = arith.constant 0.000000e+00 : f32
      %broadcast_in_dim3A_336 = vector.broadcast %broadcast_in_dim3A_335 : f32 to vector<16xf32>
      %gather3A_337 = tpu.vector_load_idx %arg11[%add3A_5, %broadcast_in_dim3A_333] : memref<64x128xf32, #tpu.memory_space<vmem>>[vector<16xi32>, vector<16xi32>], vector<16xf32>,
      %gather3A_338 = tpu.vector_load_idx %arg15[%add3A_5, %broadcast_in_dim3A_334] : memref<64x128xf32, #tpu.memory_space<vmem>>[vector<16xi32>, vector<16xi32>], vector<16xf32>,
      %mul3A_339 = arith.mulf %gather3A_337, %gather3A_338 : vector<16xf32>
      %add3A_340 = arith.addf %broadcast_in_dim3A_336, %mul3A_339 : vector<16xf32>
      %gather3A_341 = tpu.vector_load_idx %arg11[%add3A_8, %broadcast_in_dim3A_333] : memref<64x128xf32, #tpu.memory_space<vmem>>[vector<16xi32>, vector<16xi32>], vector<16xf32>,
      %gather3A_342 = tpu.vector_load_idx %arg15[%add3A_8, %broadcast_in_dim3A_334] : memref<64x128xf32, #tpu.memory_space<vmem>>[vector<16xi32>, vector<16xi32>], vector<16xf32>,
      %mul3A_343 = arith.mulf %gather3A_341, %gather3A_342 : vector<16xf32>
      %add3A_344 = arith.addf %add3A_340, %mul3A_343 : vector<16xf32>
      %gather3A_345 = tpu.vector_load_idx %arg11[%add3A_11, %broadcast_in_dim3A_333] : memref<64x128xf32, #tpu.memory_space<vmem>>[vector<16xi32>, vector<16xi32>], vector<16xf32>,
      %gather3A_346 = tpu.vector_load_idx %arg15[%add3A_11, %broadcast_in_dim3A_334] : memref<64x128xf32, #tpu.memory_space<vmem>>[vector<16xi32>, vector<16xi32>], vector<16xf32>,
      %mul3A_347 = arith.mulf %gather3A_345, %gather3A_346 : vector<16xf32>
      %add3A_348 = arith.addf %add3A_344, %mul3A_347 : vector<16xf32>
      %gather3A_349 = tpu.vector_load_idx %arg11[%add3A_14, %broadcast_in_dim3A_333] : memref<64x128xf32, #tpu.memory_space<vmem>>[vector<16xi32>, vector<16xi32>], vector<16xf32>,
      %gather3A_350 = tpu.vector_load_idx %arg15[%add3A_14, %broadcast_in_dim3A_334] : memref<64x128xf32, #tpu.memory_space<vmem>>[vector<16xi32>, vector<16xi32>], vector<16xf32>,
      %mul3A_351 = arith.mulf %gather3A_349, %gather3A_350 : vector<16xf32>
      %add3A_352 = arith.addf %add3A_348, %mul3A_351 : vector<16xf32>
      %reduce_sum3A_353 = arith.constant true
      %reduce_sum3A_354 = vector.broadcast %reduce_sum3A_353 : i1 to vector<16xi1>
      %reduce_sum3A_355 = tpu.scan <sum>, %add3A_352 masked %reduce_sum3A_354 : vector<16xf32>, vector<16xi1> -> vector<16xf32>
      %reduce_sum3A_356 = vector.extract %reduce_sum3A_355[15] : f32 from vector<16xf32>
      %eq3A_357 = arith.constant 2 : i32
      %eq3A_358 = vector.broadcast %eq3A_357 : i32 to vector<16xi32>
      %eq3A_359 = arith.cmpi eq, %iota3A, %eq3A_358 : vector<16xi32>
      %broadcast_in_dim3A_360 = vector.broadcast %reduce_sum3A_356 : f32 to vector<16xf32>
      %select_n3A_361 = arith.select %eq3A_359, %broadcast_in_dim3A_360, %select_n3A_290 : vector<16xi1>, vector<16xf32>
      %slice3A_362 = vector.extract_strided_slice %get3A_159 {offsets = [6], sizes = [1], strides = [1]} : vector<16xi32> to vector<1xi32>
      %squeeze3A_363 = vector.extract %slice3A_362[0] : i32 from vector<1xi32>
      %slice3A_364 = vector.extract_strided_slice %get3A_163 {offsets = [6], sizes = [1], strides = [1]} : vector<16xi32> to vector<1xi32>
      %squeeze3A_365 = vector.extract %slice3A_364[0] : i32 from vector<1xi32>
      %shift_right_arithmetic3A_366 = arith.constant 7 : i32
      %shift_right_arithmetic3A_367 = arith.shrsi %squeeze3A_363, %shift_right_arithmetic3A_366 : i32
      %mul3A_368 = arith.constant 128 : i32
      %mul3A_369 = arith.muli %shift_right_arithmetic3A_367, %mul3A_368 : i32
      %multiple_of3A_370 = tpu.assume_multiple %mul3A_369, 128 : i32
      %dma_start3A_371 = arith.constant 0 : i32
      %dma_start3A_372 = tpu.memref_slice %arg4[%dma_start3A_371, %multiple_of3A_370] : memref<64x1000000xf32, #tpu.memory_space<hbm>> -> memref<64x128xf32, #tpu.memory_space<hbm>>
      %dma_start3A_373 = arith.constant 0 : i32
      %dma_start3A_374 = tpu.memref_slice %arg4[%dma_start3A_373, %multiple_of3A_370] : memref<64x1000000xf32, #tpu.memory_space<hbm>> -> memref<64x128xf32, #tpu.memory_space<hbm>>
      tpu.enqueue_dma source(%dma_start3A_374 : memref<64x128xf32, #tpu.memory_space<hbm>>) target(%arg11 : memref<64x128xf32, #tpu.memory_space<vmem>>) target_semaphore(%arg18 : memref<!tpu.dma_semaphore, #tpu.memory_space<semaphore_mem>>)
      %shift_right_arithmetic3A_375 = arith.constant 7 : i32
      %shift_right_arithmetic3A_376 = arith.shrsi %squeeze3A_365, %shift_right_arithmetic3A_375 : i32
      %mul3A_377 = arith.constant 128 : i32
      %mul3A_378 = arith.muli %shift_right_arithmetic3A_376, %mul3A_377 : i32
      %multiple_of3A_379 = tpu.assume_multiple %mul3A_378, 128 : i32
      %dma_start3A_380 = arith.constant 0 : i32
      %dma_start3A_381 = tpu.memref_slice %arg5[%dma_start3A_380, %multiple_of3A_379] : memref<64x1000000xf32, #tpu.memory_space<hbm>> -> memref<64x128xf32, #tpu.memory_space<hbm>>
      %dma_start3A_382 = arith.constant 0 : i32
      %dma_start3A_383 = tpu.memref_slice %arg5[%dma_start3A_382, %multiple_of3A_379] : memref<64x1000000xf32, #tpu.memory_space<hbm>> -> memref<64x128xf32, #tpu.memory_space<hbm>>
      tpu.enqueue_dma source(%dma_start3A_383 : memref<64x128xf32, #tpu.memory_space<hbm>>) target(%arg15 : memref<64x128xf32, #tpu.memory_space<vmem>>) target_semaphore(%arg19 : memref<!tpu.dma_semaphore, #tpu.memory_space<semaphore_mem>>)
      %dma_wait3A_384 = arith.constant 0 : i32
      %dma_wait3A_385 = arith.constant 0 : i32
      %dma_wait3A_386 = tpu.memref_slice %arg4[%dma_wait3A_384, %dma_wait3A_385] : memref<64x1000000xf32, #tpu.memory_space<hbm>> -> memref<64x128xf32, #tpu.memory_space<hbm>>
      %dma_wait3A_387 = arith.constant 0 : i32
      %dma_wait3A_388 = arith.constant 0 : i32
      %dma_wait3A_389 = tpu.memref_slice %arg4[%dma_wait3A_387, %dma_wait3A_388] : memref<64x1000000xf32, #tpu.memory_space<hbm>> -> memref<64x128xf32, #tpu.memory_space<hbm>>
      tpu.wait_dma2 semaphore(%arg18 : memref<!tpu.dma_semaphore, #tpu.memory_space<semaphore_mem>>) src(%dma_wait3A_389 : memref<64x128xf32, #tpu.memory_space<hbm>>) dst(%arg12 : memref<64x128xf32, #tpu.memory_space<vmem>>)
      %dma_wait3A_390 = arith.constant 0 : i32
      %dma_wait3A_391 = arith.constant 0 : i32
      %dma_wait3A_392 = tpu.memref_slice %arg5[%dma_wait3A_390, %dma_wait3A_391] : memref<64x1000000xf32, #tpu.memory_space<hbm>> -> memref<64x128xf32, #tpu.memory_space<hbm>>
      %dma_wait3A_393 = arith.constant 0 : i32
      %dma_wait3A_394 = arith.constant 0 : i32
      %dma_wait3A_395 = tpu.memref_slice %arg5[%dma_wait3A_393, %dma_wait3A_394] : memref<64x1000000xf32, #tpu.memory_space<hbm>> -> memref<64x128xf32, #tpu.memory_space<hbm>>
      tpu.wait_dma2 semaphore(%arg19 : memref<!tpu.dma_semaphore, #tpu.memory_space<semaphore_mem>>) src(%dma_wait3A_395 : memref<64x128xf32, #tpu.memory_space<hbm>>) dst(%arg16 : memref<64x128xf32, #tpu.memory_space<vmem>>)
      %slice3A_396 = vector.extract_strided_slice %get3A_159 {offsets = [3], sizes = [1], strides = [1]} : vector<16xi32> to vector<1xi32>
      %squeeze3A_397 = vector.extract %slice3A_396[0] : i32 from vector<1xi32>
      %and3A_398 = arith.constant 127 : i32
      %and3A_399 = arith.andi %squeeze3A_397, %and3A_398 : i32
      %slice3A_400 = vector.extract_strided_slice %get3A_163 {offsets = [3], sizes = [1], strides = [1]} : vector<16xi32> to vector<1xi32>
      %squeeze3A_401 = vector.extract %slice3A_400[0] : i32 from vector<1xi32>
      %and3A_402 = arith.constant 127 : i32
      %and3A_403 = arith.andi %squeeze3A_401, %and3A_402 : i32
      %broadcast_in_dim3A_404 = vector.broadcast %and3A_399 : i32 to vector<16xi32>
      %broadcast_in_dim3A_405 = vector.broadcast %and3A_403 : i32 to vector<16xi32>
      %broadcast_in_dim3A_406 = arith.constant 0.000000e+00 : f32
      %broadcast_in_dim3A_407 = vector.broadcast %broadcast_in_dim3A_406 : f32 to vector<16xf32>
      %gather3A_408 = tpu.vector_load_idx %arg12[%add3A_5, %broadcast_in_dim3A_404] : memref<64x128xf32, #tpu.memory_space<vmem>>[vector<16xi32>, vector<16xi32>], vector<16xf32>,
      %gather3A_409 = tpu.vector_load_idx %arg16[%add3A_5, %broadcast_in_dim3A_405] : memref<64x128xf32, #tpu.memory_space<vmem>>[vector<16xi32>, vector<16xi32>], vector<16xf32>,
      %mul3A_410 = arith.mulf %gather3A_408, %gather3A_409 : vector<16xf32>
      %add3A_411 = arith.addf %broadcast_in_dim3A_407, %mul3A_410 : vector<16xf32>
      %gather3A_412 = tpu.vector_load_idx %arg12[%add3A_8, %broadcast_in_dim3A_404] : memref<64x128xf32, #tpu.memory_space<vmem>>[vector<16xi32>, vector<16xi32>], vector<16xf32>,
      %gather3A_413 = tpu.vector_load_idx %arg16[%add3A_8, %broadcast_in_dim3A_405] : memref<64x128xf32, #tpu.memory_space<vmem>>[vector<16xi32>, vector<16xi32>], vector<16xf32>,
      %mul3A_414 = arith.mulf %gather3A_412, %gather3A_413 : vector<16xf32>
      %add3A_415 = arith.addf %add3A_411, %mul3A_414 : vector<16xf32>
      %gather3A_416 = tpu.vector_load_idx %arg12[%add3A_11, %broadcast_in_dim3A_404] : memref<64x128xf32, #tpu.memory_space<vmem>>[vector<16xi32>, vector<16xi32>], vector<16xf32>,
      %gather3A_417 = tpu.vector_load_idx %arg16[%add3A_11, %broadcast_in_dim3A_405] : memref<64x128xf32, #tpu.memory_space<vmem>>[vector<16xi32>, vector<16xi32>], vector<16xf32>,
      %mul3A_418 = arith.mulf %gather3A_416, %gather3A_417 : vector<16xf32>
      %add3A_419 = arith.addf %add3A_415, %mul3A_418 : vector<16xf32>
      %gather3A_420 = tpu.vector_load_idx %arg12[%add3A_14, %broadcast_in_dim3A_404] : memref<64x128xf32, #tpu.memory_space<vmem>>[vector<16xi32>, vector<16xi32>], vector<16xf32>,
      %gather3A_421 = tpu.vector_load_idx %arg16[%add3A_14, %broadcast_in_dim3A_405] : memref<64x128xf32, #tpu.memory_space<vmem>>[vector<16xi32>, vector<16xi32>], vector<16xf32>,
      %mul3A_422 = arith.mulf %gather3A_420, %gather3A_421 : vector<16xf32>
      %add3A_423 = arith.addf %add3A_419, %mul3A_422 : vector<16xf32>
      %reduce_sum3A_424 = arith.constant true
      %reduce_sum3A_425 = vector.broadcast %reduce_sum3A_424 : i1 to vector<16xi1>
      %reduce_sum3A_426 = tpu.scan <sum>, %add3A_423 masked %reduce_sum3A_425 : vector<16xf32>, vector<16xi1> -> vector<16xf32>
      %reduce_sum3A_427 = vector.extract %reduce_sum3A_426[15] : f32 from vector<16xf32>
      %eq3A_428 = arith.constant 3 : i32
      %eq3A_429 = vector.broadcast %eq3A_428 : i32 to vector<16xi32>
      %eq3A_430 = arith.cmpi eq, %iota3A, %eq3A_429 : vector<16xi32>
      %broadcast_in_dim3A_431 = vector.broadcast %reduce_sum3A_427 : f32 to vector<16xf32>
      %select_n3A_432 = arith.select %eq3A_430, %broadcast_in_dim3A_431, %select_n3A_361 : vector<16xi1>, vector<16xf32>
      %slice3A_433 = vector.extract_strided_slice %get3A_159 {offsets = [7], sizes = [1], strides = [1]} : vector<16xi32> to vector<1xi32>
      %squeeze3A_434 = vector.extract %slice3A_433[0] : i32 from vector<1xi32>
      %slice3A_435 = vector.extract_strided_slice %get3A_163 {offsets = [7], sizes = [1], strides = [1]} : vector<16xi32> to vector<1xi32>
      %squeeze3A_436 = vector.extract %slice3A_435[0] : i32 from vector<1xi32>
      %shift_right_arithmetic3A_437 = arith.constant 7 : i32
      %shift_right_arithmetic3A_438 = arith.shrsi %squeeze3A_434, %shift_right_arithmetic3A_437 : i32
      %mul3A_439 = arith.constant 128 : i32
      %mul3A_440 = arith.muli %shift_right_arithmetic3A_438, %mul3A_439 : i32
      %multiple_of3A_441 = tpu.assume_multiple %mul3A_440, 128 : i32
      %dma_start3A_442 = arith.constant 0 : i32
      %dma_start3A_443 = tpu.memref_slice %arg4[%dma_start3A_442, %multiple_of3A_441] : memref<64x1000000xf32, #tpu.memory_space<hbm>> -> memref<64x128xf32, #tpu.memory_space<hbm>>
      %dma_start3A_444 = arith.constant 0 : i32
      %dma_start3A_445 = tpu.memref_slice %arg4[%dma_start3A_444, %multiple_of3A_441] : memref<64x1000000xf32, #tpu.memory_space<hbm>> -> memref<64x128xf32, #tpu.memory_space<hbm>>
      tpu.enqueue_dma source(%dma_start3A_445 : memref<64x128xf32, #tpu.memory_space<hbm>>) target(%arg12 : memref<64x128xf32, #tpu.memory_space<vmem>>) target_semaphore(%arg18 : memref<!tpu.dma_semaphore, #tpu.memory_space<semaphore_mem>>)
      %shift_right_arithmetic3A_446 = arith.constant 7 : i32
      %shift_right_arithmetic3A_447 = arith.shrsi %squeeze3A_436, %shift_right_arithmetic3A_446 : i32
      %mul3A_448 = arith.constant 128 : i32
      %mul3A_449 = arith.muli %shift_right_arithmetic3A_447, %mul3A_448 : i32
      %multiple_of3A_450 = tpu.assume_multiple %mul3A_449, 128 : i32
      %dma_start3A_451 = arith.constant 0 : i32
      %dma_start3A_452 = tpu.memref_slice %arg5[%dma_start3A_451, %multiple_of3A_450] : memref<64x1000000xf32, #tpu.memory_space<hbm>> -> memref<64x128xf32, #tpu.memory_space<hbm>>
      %dma_start3A_453 = arith.constant 0 : i32
      %dma_start3A_454 = tpu.memref_slice %arg5[%dma_start3A_453, %multiple_of3A_450] : memref<64x1000000xf32, #tpu.memory_space<hbm>> -> memref<64x128xf32, #tpu.memory_space<hbm>>
      tpu.enqueue_dma source(%dma_start3A_454 : memref<64x128xf32, #tpu.memory_space<hbm>>) target(%arg16 : memref<64x128xf32, #tpu.memory_space<vmem>>) target_semaphore(%arg19 : memref<!tpu.dma_semaphore, #tpu.memory_space<semaphore_mem>>)
      %dma_wait3A_455 = arith.constant 0 : i32
      %dma_wait3A_456 = arith.constant 0 : i32
      %dma_wait3A_457 = tpu.memref_slice %arg4[%dma_wait3A_455, %dma_wait3A_456] : memref<64x1000000xf32, #tpu.memory_space<hbm>> -> memref<64x128xf32, #tpu.memory_space<hbm>>
      %dma_wait3A_458 = arith.constant 0 : i32
      %dma_wait3A_459 = arith.constant 0 : i32
      %dma_wait3A_460 = tpu.memref_slice %arg4[%dma_wait3A_458, %dma_wait3A_459] : memref<64x1000000xf32, #tpu.memory_space<hbm>> -> memref<64x128xf32, #tpu.memory_space<hbm>>
      tpu.wait_dma2 semaphore(%arg18 : memref<!tpu.dma_semaphore, #tpu.memory_space<semaphore_mem>>) src(%dma_wait3A_460 : memref<64x128xf32, #tpu.memory_space<hbm>>) dst(%arg9 : memref<64x128xf32, #tpu.memory_space<vmem>>)
      %dma_wait3A_461 = arith.constant 0 : i32
      %dma_wait3A_462 = arith.constant 0 : i32
      %dma_wait3A_463 = tpu.memref_slice %arg5[%dma_wait3A_461, %dma_wait3A_462] : memref<64x1000000xf32, #tpu.memory_space<hbm>> -> memref<64x128xf32, #tpu.memory_space<hbm>>
      %dma_wait3A_464 = arith.constant 0 : i32
      %dma_wait3A_465 = arith.constant 0 : i32
      %dma_wait3A_466 = tpu.memref_slice %arg5[%dma_wait3A_464, %dma_wait3A_465] : memref<64x1000000xf32, #tpu.memory_space<hbm>> -> memref<64x128xf32, #tpu.memory_space<hbm>>
      tpu.wait_dma2 semaphore(%arg19 : memref<!tpu.dma_semaphore, #tpu.memory_space<semaphore_mem>>) src(%dma_wait3A_466 : memref<64x128xf32, #tpu.memory_space<hbm>>) dst(%arg13 : memref<64x128xf32, #tpu.memory_space<vmem>>)
      %slice3A_467 = vector.extract_strided_slice %get3A_159 {offsets = [4], sizes = [1], strides = [1]} : vector<16xi32> to vector<1xi32>
      %squeeze3A_468 = vector.extract %slice3A_467[0] : i32 from vector<1xi32>
      %and3A_469 = arith.constant 127 : i32
      %and3A_470 = arith.andi %squeeze3A_468, %and3A_469 : i32
      %slice3A_471 = vector.extract_strided_slice %get3A_163 {offsets = [4], sizes = [1], strides = [1]} : vector<16xi32> to vector<1xi32>
      %squeeze3A_472 = vector.extract %slice3A_471[0] : i32 from vector<1xi32>
      %and3A_473 = arith.constant 127 : i32
      %and3A_474 = arith.andi %squeeze3A_472, %and3A_473 : i32
      %broadcast_in_dim3A_475 = vector.broadcast %and3A_470 : i32 to vector<16xi32>
      %broadcast_in_dim3A_476 = vector.broadcast %and3A_474 : i32 to vector<16xi32>
      %broadcast_in_dim3A_477 = arith.constant 0.000000e+00 : f32
      %broadcast_in_dim3A_478 = vector.broadcast %broadcast_in_dim3A_477 : f32 to vector<16xf32>
      %gather3A_479 = tpu.vector_load_idx %arg9[%add3A_5, %broadcast_in_dim3A_475] : memref<64x128xf32, #tpu.memory_space<vmem>>[vector<16xi32>, vector<16xi32>], vector<16xf32>,
      %gather3A_480 = tpu.vector_load_idx %arg13[%add3A_5, %broadcast_in_dim3A_476] : memref<64x128xf32, #tpu.memory_space<vmem>>[vector<16xi32>, vector<16xi32>], vector<16xf32>,
      %mul3A_481 = arith.mulf %gather3A_479, %gather3A_480 : vector<16xf32>
      %add3A_482 = arith.addf %broadcast_in_dim3A_478, %mul3A_481 : vector<16xf32>
      %gather3A_483 = tpu.vector_load_idx %arg9[%add3A_8, %broadcast_in_dim3A_475] : memref<64x128xf32, #tpu.memory_space<vmem>>[vector<16xi32>, vector<16xi32>], vector<16xf32>,
      %gather3A_484 = tpu.vector_load_idx %arg13[%add3A_8, %broadcast_in_dim3A_476] : memref<64x128xf32, #tpu.memory_space<vmem>>[vector<16xi32>, vector<16xi32>], vector<16xf32>,
      %mul3A_485 = arith.mulf %gather3A_483, %gather3A_484 : vector<16xf32>
      %add3A_486 = arith.addf %add3A_482, %mul3A_485 : vector<16xf32>
      %gather3A_487 = tpu.vector_load_idx %arg9[%add3A_11, %broadcast_in_dim3A_475] : memref<64x128xf32, #tpu.memory_space<vmem>>[vector<16xi32>, vector<16xi32>], vector<16xf32>,
      %gather3A_488 = tpu.vector_load_idx %arg13[%add3A_11, %broadcast_in_dim3A_476] : memref<64x128xf32, #tpu.memory_space<vmem>>[vector<16xi32>, vector<16xi32>], vector<16xf32>,
      %mul3A_489 = arith.mulf %gather3A_487, %gather3A_488 : vector<16xf32>
      %add3A_490 = arith.addf %add3A_486, %mul3A_489 : vector<16xf32>
      %gather3A_491 = tpu.vector_load_idx %arg9[%add3A_14, %broadcast_in_dim3A_475] : memref<64x128xf32, #tpu.memory_space<vmem>>[vector<16xi32>, vector<16xi32>], vector<16xf32>,
      %gather3A_492 = tpu.vector_load_idx %arg13[%add3A_14, %broadcast_in_dim3A_476] : memref<64x128xf32, #tpu.memory_space<vmem>>[vector<16xi32>, vector<16xi32>], vector<16xf32>,
      %mul3A_493 = arith.mulf %gather3A_491, %gather3A_492 : vector<16xf32>
      %add3A_494 = arith.addf %add3A_490, %mul3A_493 : vector<16xf32>
      %reduce_sum3A_495 = arith.constant true
      %reduce_sum3A_496 = vector.broadcast %reduce_sum3A_495 : i1 to vector<16xi1>
      %reduce_sum3A_497 = tpu.scan <sum>, %add3A_494 masked %reduce_sum3A_496 : vector<16xf32>, vector<16xi1> -> vector<16xf32>
      %reduce_sum3A_498 = vector.extract %reduce_sum3A_497[15] : f32 from vector<16xf32>
      %eq3A_499 = arith.constant 4 : i32
      %eq3A_500 = vector.broadcast %eq3A_499 : i32 to vector<16xi32>
      %eq3A_501 = arith.cmpi eq, %iota3A, %eq3A_500 : vector<16xi32>
      %broadcast_in_dim3A_502 = vector.broadcast %reduce_sum3A_498 : f32 to vector<16xf32>
      %select_n3A_503 = arith.select %eq3A_501, %broadcast_in_dim3A_502, %select_n3A_432 : vector<16xi1>, vector<16xf32>
      %slice3A_504 = vector.extract_strided_slice %get3A_159 {offsets = [8], sizes = [1], strides = [1]} : vector<16xi32> to vector<1xi32>
      %squeeze3A_505 = vector.extract %slice3A_504[0] : i32 from vector<1xi32>
      %slice3A_506 = vector.extract_strided_slice %get3A_163 {offsets = [8], sizes = [1], strides = [1]} : vector<16xi32> to vector<1xi32>
      %squeeze3A_507 = vector.extract %slice3A_506[0] : i32 from vector<1xi32>
      %shift_right_arithmetic3A_508 = arith.constant 7 : i32
      %shift_right_arithmetic3A_509 = arith.shrsi %squeeze3A_505, %shift_right_arithmetic3A_508 : i32
      %mul3A_510 = arith.constant 128 : i32
      %mul3A_511 = arith.muli %shift_right_arithmetic3A_509, %mul3A_510 : i32
      %multiple_of3A_512 = tpu.assume_multiple %mul3A_511, 128 : i32
      %dma_start3A_513 = arith.constant 0 : i32
      %dma_start3A_514 = tpu.memref_slice %arg4[%dma_start3A_513, %multiple_of3A_512] : memref<64x1000000xf32, #tpu.memory_space<hbm>> -> memref<64x128xf32, #tpu.memory_space<hbm>>
      %dma_start3A_515 = arith.constant 0 : i32
      %dma_start3A_516 = tpu.memref_slice %arg4[%dma_start3A_515, %multiple_of3A_512] : memref<64x1000000xf32, #tpu.memory_space<hbm>> -> memref<64x128xf32, #tpu.memory_space<hbm>>
      tpu.enqueue_dma source(%dma_start3A_516 : memref<64x128xf32, #tpu.memory_space<hbm>>) target(%arg9 : memref<64x128xf32, #tpu.memory_space<vmem>>) target_semaphore(%arg18 : memref<!tpu.dma_semaphore, #tpu.memory_space<semaphore_mem>>)
      %shift_right_arithmetic3A_517 = arith.constant 7 : i32
      %shift_right_arithmetic3A_518 = arith.shrsi %squeeze3A_507, %shift_right_arithmetic3A_517 : i32
      %mul3A_519 = arith.constant 128 : i32
      %mul3A_520 = arith.muli %shift_right_arithmetic3A_518, %mul3A_519 : i32
      %multiple_of3A_521 = tpu.assume_multiple %mul3A_520, 128 : i32
      %dma_start3A_522 = arith.constant 0 : i32
      %dma_start3A_523 = tpu.memref_slice %arg5[%dma_start3A_522, %multiple_of3A_521] : memref<64x1000000xf32, #tpu.memory_space<hbm>> -> memref<64x128xf32, #tpu.memory_space<hbm>>
      %dma_start3A_524 = arith.constant 0 : i32
      %dma_start3A_525 = tpu.memref_slice %arg5[%dma_start3A_524, %multiple_of3A_521] : memref<64x1000000xf32, #tpu.memory_space<hbm>> -> memref<64x128xf32, #tpu.memory_space<hbm>>
      tpu.enqueue_dma source(%dma_start3A_525 : memref<64x128xf32, #tpu.memory_space<hbm>>) target(%arg13 : memref<64x128xf32, #tpu.memory_space<vmem>>) target_semaphore(%arg19 : memref<!tpu.dma_semaphore, #tpu.memory_space<semaphore_mem>>)
      %dma_wait3A_526 = arith.constant 0 : i32
      %dma_wait3A_527 = arith.constant 0 : i32
      %dma_wait3A_528 = tpu.memref_slice %arg4[%dma_wait3A_526, %dma_wait3A_527] : memref<64x1000000xf32, #tpu.memory_space<hbm>> -> memref<64x128xf32, #tpu.memory_space<hbm>>
      %dma_wait3A_529 = arith.constant 0 : i32
      %dma_wait3A_530 = arith.constant 0 : i32
      %dma_wait3A_531 = tpu.memref_slice %arg4[%dma_wait3A_529, %dma_wait3A_530] : memref<64x1000000xf32, #tpu.memory_space<hbm>> -> memref<64x128xf32, #tpu.memory_space<hbm>>
      tpu.wait_dma2 semaphore(%arg18 : memref<!tpu.dma_semaphore, #tpu.memory_space<semaphore_mem>>) src(%dma_wait3A_531 : memref<64x128xf32, #tpu.memory_space<hbm>>) dst(%arg10 : memref<64x128xf32, #tpu.memory_space<vmem>>)
      %dma_wait3A_532 = arith.constant 0 : i32
      %dma_wait3A_533 = arith.constant 0 : i32
      %dma_wait3A_534 = tpu.memref_slice %arg5[%dma_wait3A_532, %dma_wait3A_533] : memref<64x1000000xf32, #tpu.memory_space<hbm>> -> memref<64x128xf32, #tpu.memory_space<hbm>>
      %dma_wait3A_535 = arith.constant 0 : i32
      %dma_wait3A_536 = arith.constant 0 : i32
      %dma_wait3A_537 = tpu.memref_slice %arg5[%dma_wait3A_535, %dma_wait3A_536] : memref<64x1000000xf32, #tpu.memory_space<hbm>> -> memref<64x128xf32, #tpu.memory_space<hbm>>
      tpu.wait_dma2 semaphore(%arg19 : memref<!tpu.dma_semaphore, #tpu.memory_space<semaphore_mem>>) src(%dma_wait3A_537 : memref<64x128xf32, #tpu.memory_space<hbm>>) dst(%arg14 : memref<64x128xf32, #tpu.memory_space<vmem>>)
      %slice3A_538 = vector.extract_strided_slice %get3A_159 {offsets = [5], sizes = [1], strides = [1]} : vector<16xi32> to vector<1xi32>
      %squeeze3A_539 = vector.extract %slice3A_538[0] : i32 from vector<1xi32>
      %and3A_540 = arith.constant 127 : i32
      %and3A_541 = arith.andi %squeeze3A_539, %and3A_540 : i32
      %slice3A_542 = vector.extract_strided_slice %get3A_163 {offsets = [5], sizes = [1], strides = [1]} : vector<16xi32> to vector<1xi32>
      %squeeze3A_543 = vector.extract %slice3A_542[0] : i32 from vector<1xi32>
      %and3A_544 = arith.constant 127 : i32
      %and3A_545 = arith.andi %squeeze3A_543, %and3A_544 : i32
      %broadcast_in_dim3A_546 = vector.broadcast %and3A_541 : i32 to vector<16xi32>
      %broadcast_in_dim3A_547 = vector.broadcast %and3A_545 : i32 to vector<16xi32>
      %broadcast_in_dim3A_548 = arith.constant 0.000000e+00 : f32
      %broadcast_in_dim3A_549 = vector.broadcast %broadcast_in_dim3A_548 : f32 to vector<16xf32>
      %gather3A_550 = tpu.vector_load_idx %arg10[%add3A_5, %broadcast_in_dim3A_546] : memref<64x128xf32, #tpu.memory_space<vmem>>[vector<16xi32>, vector<16xi32>], vector<16xf32>,
      %gather3A_551 = tpu.vector_load_idx %arg14[%add3A_5, %broadcast_in_dim3A_547] : memref<64x128xf32, #tpu.memory_space<vmem>>[vector<16xi32>, vector<16xi32>], vector<16xf32>,
      %mul3A_552 = arith.mulf %gather3A_550, %gather3A_551 : vector<16xf32>
      %add3A_553 = arith.addf %broadcast_in_dim3A_549, %mul3A_552 : vector<16xf32>
      %gather3A_554 = tpu.vector_load_idx %arg10[%add3A_8, %broadcast_in_dim3A_546] : memref<64x128xf32, #tpu.memory_space<vmem>>[vector<16xi32>, vector<16xi32>], vector<16xf32>,
      %gather3A_555 = tpu.vector_load_idx %arg14[%add3A_8, %broadcast_in_dim3A_547] : memref<64x128xf32, #tpu.memory_space<vmem>>[vector<16xi32>, vector<16xi32>], vector<16xf32>,
      %mul3A_556 = arith.mulf %gather3A_554, %gather3A_555 : vector<16xf32>
      %add3A_557 = arith.addf %add3A_553, %mul3A_556 : vector<16xf32>
      %gather3A_558 = tpu.vector_load_idx %arg10[%add3A_11, %broadcast_in_dim3A_546] : memref<64x128xf32, #tpu.memory_space<vmem>>[vector<16xi32>, vector<16xi32>], vector<16xf32>,
      %gather3A_559 = tpu.vector_load_idx %arg14[%add3A_11, %broadcast_in_dim3A_547] : memref<64x128xf32, #tpu.memory_space<vmem>>[vector<16xi32>, vector<16xi32>], vector<16xf32>,
      %mul3A_560 = arith.mulf %gather3A_558, %gather3A_559 : vector<16xf32>
      %add3A_561 = arith.addf %add3A_557, %mul3A_560 : vector<16xf32>
      %gather3A_562 = tpu.vector_load_idx %arg10[%add3A_14, %broadcast_in_dim3A_546] : memref<64x128xf32, #tpu.memory_space<vmem>>[vector<16xi32>, vector<16xi32>], vector<16xf32>,
      %gather3A_563 = tpu.vector_load_idx %arg14[%add3A_14, %broadcast_in_dim3A_547] : memref<64x128xf32, #tpu.memory_space<vmem>>[vector<16xi32>, vector<16xi32>], vector<16xf32>,
      %mul3A_564 = arith.mulf %gather3A_562, %gather3A_563 : vector<16xf32>
      %add3A_565 = arith.addf %add3A_561, %mul3A_564 : vector<16xf32>
      %reduce_sum3A_566 = arith.constant true
      %reduce_sum3A_567 = vector.broadcast %reduce_sum3A_566 : i1 to vector<16xi1>
      %reduce_sum3A_568 = tpu.scan <sum>, %add3A_565 masked %reduce_sum3A_567 : vector<16xf32>, vector<16xi1> -> vector<16xf32>
      %reduce_sum3A_569 = vector.extract %reduce_sum3A_568[15] : f32 from vector<16xf32>
      %eq3A_570 = arith.constant 5 : i32
      %eq3A_571 = vector.broadcast %eq3A_570 : i32 to vector<16xi32>
      %eq3A_572 = arith.cmpi eq, %iota3A, %eq3A_571 : vector<16xi32>
      %broadcast_in_dim3A_573 = vector.broadcast %reduce_sum3A_569 : f32 to vector<16xf32>
      %select_n3A_574 = arith.select %eq3A_572, %broadcast_in_dim3A_573, %select_n3A_503 : vector<16xi1>, vector<16xf32>
      %slice3A_575 = vector.extract_strided_slice %get3A_159 {offsets = [9], sizes = [1], strides = [1]} : vector<16xi32> to vector<1xi32>
      %squeeze3A_576 = vector.extract %slice3A_575[0] : i32 from vector<1xi32>
      %slice3A_577 = vector.extract_strided_slice %get3A_163 {offsets = [9], sizes = [1], strides = [1]} : vector<16xi32> to vector<1xi32>
      %squeeze3A_578 = vector.extract %slice3A_577[0] : i32 from vector<1xi32>
      %shift_right_arithmetic3A_579 = arith.constant 7 : i32
      %shift_right_arithmetic3A_580 = arith.shrsi %squeeze3A_576, %shift_right_arithmetic3A_579 : i32
      %mul3A_581 = arith.constant 128 : i32
      %mul3A_582 = arith.muli %shift_right_arithmetic3A_580, %mul3A_581 : i32
      %multiple_of3A_583 = tpu.assume_multiple %mul3A_582, 128 : i32
      %dma_start3A_584 = arith.constant 0 : i32
      %dma_start3A_585 = tpu.memref_slice %arg4[%dma_start3A_584, %multiple_of3A_583] : memref<64x1000000xf32, #tpu.memory_space<hbm>> -> memref<64x128xf32, #tpu.memory_space<hbm>>
      %dma_start3A_586 = arith.constant 0 : i32
      %dma_start3A_587 = tpu.memref_slice %arg4[%dma_start3A_586, %multiple_of3A_583] : memref<64x1000000xf32, #tpu.memory_space<hbm>> -> memref<64x128xf32, #tpu.memory_space<hbm>>
      tpu.enqueue_dma source(%dma_start3A_587 : memref<64x128xf32, #tpu.memory_space<hbm>>) target(%arg10 : memref<64x128xf32, #tpu.memory_space<vmem>>) target_semaphore(%arg18 : memref<!tpu.dma_semaphore, #tpu.memory_space<semaphore_mem>>)
      %shift_right_arithmetic3A_588 = arith.constant 7 : i32
      %shift_right_arithmetic3A_589 = arith.shrsi %squeeze3A_578, %shift_right_arithmetic3A_588 : i32
      %mul3A_590 = arith.constant 128 : i32
      %mul3A_591 = arith.muli %shift_right_arithmetic3A_589, %mul3A_590 : i32
      %multiple_of3A_592 = tpu.assume_multiple %mul3A_591, 128 : i32
      %dma_start3A_593 = arith.constant 0 : i32
      %dma_start3A_594 = tpu.memref_slice %arg5[%dma_start3A_593, %multiple_of3A_592] : memref<64x1000000xf32, #tpu.memory_space<hbm>> -> memref<64x128xf32, #tpu.memory_space<hbm>>
      %dma_start3A_595 = arith.constant 0 : i32
      %dma_start3A_596 = tpu.memref_slice %arg5[%dma_start3A_595, %multiple_of3A_592] : memref<64x1000000xf32, #tpu.memory_space<hbm>> -> memref<64x128xf32, #tpu.memory_space<hbm>>
      tpu.enqueue_dma source(%dma_start3A_596 : memref<64x128xf32, #tpu.memory_space<hbm>>) target(%arg14 : memref<64x128xf32, #tpu.memory_space<vmem>>) target_semaphore(%arg19 : memref<!tpu.dma_semaphore, #tpu.memory_space<semaphore_mem>>)
      %dma_wait3A_597 = arith.constant 0 : i32
      %dma_wait3A_598 = arith.constant 0 : i32
      %dma_wait3A_599 = tpu.memref_slice %arg4[%dma_wait3A_597, %dma_wait3A_598] : memref<64x1000000xf32, #tpu.memory_space<hbm>> -> memref<64x128xf32, #tpu.memory_space<hbm>>
      %dma_wait3A_600 = arith.constant 0 : i32
      %dma_wait3A_601 = arith.constant 0 : i32
      %dma_wait3A_602 = tpu.memref_slice %arg4[%dma_wait3A_600, %dma_wait3A_601] : memref<64x1000000xf32, #tpu.memory_space<hbm>> -> memref<64x128xf32, #tpu.memory_space<hbm>>
      tpu.wait_dma2 semaphore(%arg18 : memref<!tpu.dma_semaphore, #tpu.memory_space<semaphore_mem>>) src(%dma_wait3A_602 : memref<64x128xf32, #tpu.memory_space<hbm>>) dst(%arg11 : memref<64x128xf32, #tpu.memory_space<vmem>>)
      %dma_wait3A_603 = arith.constant 0 : i32
      %dma_wait3A_604 = arith.constant 0 : i32
      %dma_wait3A_605 = tpu.memref_slice %arg5[%dma_wait3A_603, %dma_wait3A_604] : memref<64x1000000xf32, #tpu.memory_space<hbm>> -> memref<64x128xf32, #tpu.memory_space<hbm>>
      %dma_wait3A_606 = arith.constant 0 : i32
      %dma_wait3A_607 = arith.constant 0 : i32
      %dma_wait3A_608 = tpu.memref_slice %arg5[%dma_wait3A_606, %dma_wait3A_607] : memref<64x1000000xf32, #tpu.memory_space<hbm>> -> memref<64x128xf32, #tpu.memory_space<hbm>>
      tpu.wait_dma2 semaphore(%arg19 : memref<!tpu.dma_semaphore, #tpu.memory_space<semaphore_mem>>) src(%dma_wait3A_608 : memref<64x128xf32, #tpu.memory_space<hbm>>) dst(%arg15 : memref<64x128xf32, #tpu.memory_space<vmem>>)
      %slice3A_609 = vector.extract_strided_slice %get3A_159 {offsets = [6], sizes = [1], strides = [1]} : vector<16xi32> to vector<1xi32>
      %squeeze3A_610 = vector.extract %slice3A_609[0] : i32 from vector<1xi32>
      %and3A_611 = arith.constant 127 : i32
      %and3A_612 = arith.andi %squeeze3A_610, %and3A_611 : i32
      %slice3A_613 = vector.extract_strided_slice %get3A_163 {offsets = [6], sizes = [1], strides = [1]} : vector<16xi32> to vector<1xi32>
      %squeeze3A_614 = vector.extract %slice3A_613[0] : i32 from vector<1xi32>
      %and3A_615 = arith.constant 127 : i32
      %and3A_616 = arith.andi %squeeze3A_614, %and3A_615 : i32
      %broadcast_in_dim3A_617 = vector.broadcast %and3A_612 : i32 to vector<16xi32>
      %broadcast_in_dim3A_618 = vector.broadcast %and3A_616 : i32 to vector<16xi32>
      %broadcast_in_dim3A_619 = arith.constant 0.000000e+00 : f32
      %broadcast_in_dim3A_620 = vector.broadcast %broadcast_in_dim3A_619 : f32 to vector<16xf32>
      %gather3A_621 = tpu.vector_load_idx %arg11[%add3A_5, %broadcast_in_dim3A_617] : memref<64x128xf32, #tpu.memory_space<vmem>>[vector<16xi32>, vector<16xi32>], vector<16xf32>,
      %gather3A_622 = tpu.vector_load_idx %arg15[%add3A_5, %broadcast_in_dim3A_618] : memref<64x128xf32, #tpu.memory_space<vmem>>[vector<16xi32>, vector<16xi32>], vector<16xf32>,
      %mul3A_623 = arith.mulf %gather3A_621, %gather3A_622 : vector<16xf32>
      %add3A_624 = arith.addf %broadcast_in_dim3A_620, %mul3A_623 : vector<16xf32>
      %gather3A_625 = tpu.vector_load_idx %arg11[%add3A_8, %broadcast_in_dim3A_617] : memref<64x128xf32, #tpu.memory_space<vmem>>[vector<16xi32>, vector<16xi32>], vector<16xf32>,
      %gather3A_626 = tpu.vector_load_idx %arg15[%add3A_8, %broadcast_in_dim3A_618] : memref<64x128xf32, #tpu.memory_space<vmem>>[vector<16xi32>, vector<16xi32>], vector<16xf32>,
      %mul3A_627 = arith.mulf %gather3A_625, %gather3A_626 : vector<16xf32>
      %add3A_628 = arith.addf %add3A_624, %mul3A_627 : vector<16xf32>
      %gather3A_629 = tpu.vector_load_idx %arg11[%add3A_11, %broadcast_in_dim3A_617] : memref<64x128xf32, #tpu.memory_space<vmem>>[vector<16xi32>, vector<16xi32>], vector<16xf32>,
      %gather3A_630 = tpu.vector_load_idx %arg15[%add3A_11, %broadcast_in_dim3A_618] : memref<64x128xf32, #tpu.memory_space<vmem>>[vector<16xi32>, vector<16xi32>], vector<16xf32>,
      %mul3A_631 = arith.mulf %gather3A_629, %gather3A_630 : vector<16xf32>
      %add3A_632 = arith.addf %add3A_628, %mul3A_631 : vector<16xf32>
      %gather3A_633 = tpu.vector_load_idx %arg11[%add3A_14, %broadcast_in_dim3A_617] : memref<64x128xf32, #tpu.memory_space<vmem>>[vector<16xi32>, vector<16xi32>], vector<16xf32>,
      %gather3A_634 = tpu.vector_load_idx %arg15[%add3A_14, %broadcast_in_dim3A_618] : memref<64x128xf32, #tpu.memory_space<vmem>>[vector<16xi32>, vector<16xi32>], vector<16xf32>,
      %mul3A_635 = arith.mulf %gather3A_633, %gather3A_634 : vector<16xf32>
      %add3A_636 = arith.addf %add3A_632, %mul3A_635 : vector<16xf32>
      %reduce_sum3A_637 = arith.constant true
      %reduce_sum3A_638 = vector.broadcast %reduce_sum3A_637 : i1 to vector<16xi1>
      %reduce_sum3A_639 = tpu.scan <sum>, %add3A_636 masked %reduce_sum3A_638 : vector<16xf32>, vector<16xi1> -> vector<16xf32>
      %reduce_sum3A_640 = vector.extract %reduce_sum3A_639[15] : f32 from vector<16xf32>
      %eq3A_641 = arith.constant 6 : i32
      %eq3A_642 = vector.broadcast %eq3A_641 : i32 to vector<16xi32>
      %eq3A_643 = arith.cmpi eq, %iota3A, %eq3A_642 : vector<16xi32>
      %broadcast_in_dim3A_644 = vector.broadcast %reduce_sum3A_640 : f32 to vector<16xf32>
      %select_n3A_645 = arith.select %eq3A_643, %broadcast_in_dim3A_644, %select_n3A_574 : vector<16xi1>, vector<16xf32>
      %slice3A_646 = vector.extract_strided_slice %get3A_159 {offsets = [10], sizes = [1], strides = [1]} : vector<16xi32> to vector<1xi32>
      %squeeze3A_647 = vector.extract %slice3A_646[0] : i32 from vector<1xi32>
      %slice3A_648 = vector.extract_strided_slice %get3A_163 {offsets = [10], sizes = [1], strides = [1]} : vector<16xi32> to vector<1xi32>
      %squeeze3A_649 = vector.extract %slice3A_648[0] : i32 from vector<1xi32>
      %shift_right_arithmetic3A_650 = arith.constant 7 : i32
      %shift_right_arithmetic3A_651 = arith.shrsi %squeeze3A_647, %shift_right_arithmetic3A_650 : i32
      %mul3A_652 = arith.constant 128 : i32
      %mul3A_653 = arith.muli %shift_right_arithmetic3A_651, %mul3A_652 : i32
      %multiple_of3A_654 = tpu.assume_multiple %mul3A_653, 128 : i32
      %dma_start3A_655 = arith.constant 0 : i32
      %dma_start3A_656 = tpu.memref_slice %arg4[%dma_start3A_655, %multiple_of3A_654] : memref<64x1000000xf32, #tpu.memory_space<hbm>> -> memref<64x128xf32, #tpu.memory_space<hbm>>
      %dma_start3A_657 = arith.constant 0 : i32
      %dma_start3A_658 = tpu.memref_slice %arg4[%dma_start3A_657, %multiple_of3A_654] : memref<64x1000000xf32, #tpu.memory_space<hbm>> -> memref<64x128xf32, #tpu.memory_space<hbm>>
      tpu.enqueue_dma source(%dma_start3A_658 : memref<64x128xf32, #tpu.memory_space<hbm>>) target(%arg11 : memref<64x128xf32, #tpu.memory_space<vmem>>) target_semaphore(%arg18 : memref<!tpu.dma_semaphore, #tpu.memory_space<semaphore_mem>>)
      %shift_right_arithmetic3A_659 = arith.constant 7 : i32
      %shift_right_arithmetic3A_660 = arith.shrsi %squeeze3A_649, %shift_right_arithmetic3A_659 : i32
      %mul3A_661 = arith.constant 128 : i32
      %mul3A_662 = arith.muli %shift_right_arithmetic3A_660, %mul3A_661 : i32
      %multiple_of3A_663 = tpu.assume_multiple %mul3A_662, 128 : i32
      %dma_start3A_664 = arith.constant 0 : i32
      %dma_start3A_665 = tpu.memref_slice %arg5[%dma_start3A_664, %multiple_of3A_663] : memref<64x1000000xf32, #tpu.memory_space<hbm>> -> memref<64x128xf32, #tpu.memory_space<hbm>>
      %dma_start3A_666 = arith.constant 0 : i32
      %dma_start3A_667 = tpu.memref_slice %arg5[%dma_start3A_666, %multiple_of3A_663] : memref<64x1000000xf32, #tpu.memory_space<hbm>> -> memref<64x128xf32, #tpu.memory_space<hbm>>
      tpu.enqueue_dma source(%dma_start3A_667 : memref<64x128xf32, #tpu.memory_space<hbm>>) target(%arg15 : memref<64x128xf32, #tpu.memory_space<vmem>>) target_semaphore(%arg19 : memref<!tpu.dma_semaphore, #tpu.memory_space<semaphore_mem>>)
      %dma_wait3A_668 = arith.constant 0 : i32
      %dma_wait3A_669 = arith.constant 0 : i32
      %dma_wait3A_670 = tpu.memref_slice %arg4[%dma_wait3A_668, %dma_wait3A_669] : memref<64x1000000xf32, #tpu.memory_space<hbm>> -> memref<64x128xf32, #tpu.memory_space<hbm>>
      %dma_wait3A_671 = arith.constant 0 : i32
      %dma_wait3A_672 = arith.constant 0 : i32
      %dma_wait3A_673 = tpu.memref_slice %arg4[%dma_wait3A_671, %dma_wait3A_672] : memref<64x1000000xf32, #tpu.memory_space<hbm>> -> memref<64x128xf32, #tpu.memory_space<hbm>>
      tpu.wait_dma2 semaphore(%arg18 : memref<!tpu.dma_semaphore, #tpu.memory_space<semaphore_mem>>) src(%dma_wait3A_673 : memref<64x128xf32, #tpu.memory_space<hbm>>) dst(%arg12 : memref<64x128xf32, #tpu.memory_space<vmem>>)
      %dma_wait3A_674 = arith.constant 0 : i32
      %dma_wait3A_675 = arith.constant 0 : i32
      %dma_wait3A_676 = tpu.memref_slice %arg5[%dma_wait3A_674, %dma_wait3A_675] : memref<64x1000000xf32, #tpu.memory_space<hbm>> -> memref<64x128xf32, #tpu.memory_space<hbm>>
      %dma_wait3A_677 = arith.constant 0 : i32
      %dma_wait3A_678 = arith.constant 0 : i32
      %dma_wait3A_679 = tpu.memref_slice %arg5[%dma_wait3A_677, %dma_wait3A_678] : memref<64x1000000xf32, #tpu.memory_space<hbm>> -> memref<64x128xf32, #tpu.memory_space<hbm>>
      tpu.wait_dma2 semaphore(%arg19 : memref<!tpu.dma_semaphore, #tpu.memory_space<semaphore_mem>>) src(%dma_wait3A_679 : memref<64x128xf32, #tpu.memory_space<hbm>>) dst(%arg16 : memref<64x128xf32, #tpu.memory_space<vmem>>)
      %slice3A_680 = vector.extract_strided_slice %get3A_159 {offsets = [7], sizes = [1], strides = [1]} : vector<16xi32> to vector<1xi32>
      %squeeze3A_681 = vector.extract %slice3A_680[0] : i32 from vector<1xi32>
      %and3A_682 = arith.constant 127 : i32
      %and3A_683 = arith.andi %squeeze3A_681, %and3A_682 : i32
      %slice3A_684 = vector.extract_strided_slice %get3A_163 {offsets = [7], sizes = [1], strides = [1]} : vector<16xi32> to vector<1xi32>
      %squeeze3A_685 = vector.extract %slice3A_684[0] : i32 from vector<1xi32>
      %and3A_686 = arith.constant 127 : i32
      %and3A_687 = arith.andi %squeeze3A_685, %and3A_686 : i32
      %broadcast_in_dim3A_688 = vector.broadcast %and3A_683 : i32 to vector<16xi32>
      %broadcast_in_dim3A_689 = vector.broadcast %and3A_687 : i32 to vector<16xi32>
      %broadcast_in_dim3A_690 = arith.constant 0.000000e+00 : f32
      %broadcast_in_dim3A_691 = vector.broadcast %broadcast_in_dim3A_690 : f32 to vector<16xf32>
      %gather3A_692 = tpu.vector_load_idx %arg12[%add3A_5, %broadcast_in_dim3A_688] : memref<64x128xf32, #tpu.memory_space<vmem>>[vector<16xi32>, vector<16xi32>], vector<16xf32>,
      %gather3A_693 = tpu.vector_load_idx %arg16[%add3A_5, %broadcast_in_dim3A_689] : memref<64x128xf32, #tpu.memory_space<vmem>>[vector<16xi32>, vector<16xi32>], vector<16xf32>,
      %mul3A_694 = arith.mulf %gather3A_692, %gather3A_693 : vector<16xf32>
      %add3A_695 = arith.addf %broadcast_in_dim3A_691, %mul3A_694 : vector<16xf32>
      %gather3A_696 = tpu.vector_load_idx %arg12[%add3A_8, %broadcast_in_dim3A_688] : memref<64x128xf32, #tpu.memory_space<vmem>>[vector<16xi32>, vector<16xi32>], vector<16xf32>,
      %gather3A_697 = tpu.vector_load_idx %arg16[%add3A_8, %broadcast_in_dim3A_689] : memref<64x128xf32, #tpu.memory_space<vmem>>[vector<16xi32>, vector<16xi32>], vector<16xf32>,
      %mul3A_698 = arith.mulf %gather3A_696, %gather3A_697 : vector<16xf32>
      %add3A_699 = arith.addf %add3A_695, %mul3A_698 : vector<16xf32>
      %gather3A_700 = tpu.vector_load_idx %arg12[%add3A_11, %broadcast_in_dim3A_688] : memref<64x128xf32, #tpu.memory_space<vmem>>[vector<16xi32>, vector<16xi32>], vector<16xf32>,
      %gather3A_701 = tpu.vector_load_idx %arg16[%add3A_11, %broadcast_in_dim3A_689] : memref<64x128xf32, #tpu.memory_space<vmem>>[vector<16xi32>, vector<16xi32>], vector<16xf32>,
      %mul3A_702 = arith.mulf %gather3A_700, %gather3A_701 : vector<16xf32>
      %add3A_703 = arith.addf %add3A_699, %mul3A_702 : vector<16xf32>
      %gather3A_704 = tpu.vector_load_idx %arg12[%add3A_14, %broadcast_in_dim3A_688] : memref<64x128xf32, #tpu.memory_space<vmem>>[vector<16xi32>, vector<16xi32>], vector<16xf32>,
      %gather3A_705 = tpu.vector_load_idx %arg16[%add3A_14, %broadcast_in_dim3A_689] : memref<64x128xf32, #tpu.memory_space<vmem>>[vector<16xi32>, vector<16xi32>], vector<16xf32>,
      %mul3A_706 = arith.mulf %gather3A_704, %gather3A_705 : vector<16xf32>
      %add3A_707 = arith.addf %add3A_703, %mul3A_706 : vector<16xf32>
      %reduce_sum3A_708 = arith.constant true
      %reduce_sum3A_709 = vector.broadcast %reduce_sum3A_708 : i1 to vector<16xi1>
      %reduce_sum3A_710 = tpu.scan <sum>, %add3A_707 masked %reduce_sum3A_709 : vector<16xf32>, vector<16xi1> -> vector<16xf32>
      %reduce_sum3A_711 = vector.extract %reduce_sum3A_710[15] : f32 from vector<16xf32>
      %eq3A_712 = arith.constant 7 : i32
      %eq3A_713 = vector.broadcast %eq3A_712 : i32 to vector<16xi32>
      %eq3A_714 = arith.cmpi eq, %iota3A, %eq3A_713 : vector<16xi32>
      %broadcast_in_dim3A_715 = vector.broadcast %reduce_sum3A_711 : f32 to vector<16xf32>
      %select_n3A_716 = arith.select %eq3A_714, %broadcast_in_dim3A_715, %select_n3A_645 : vector<16xi1>, vector<16xf32>
      %slice3A_717 = vector.extract_strided_slice %get3A_159 {offsets = [11], sizes = [1], strides = [1]} : vector<16xi32> to vector<1xi32>
      %squeeze3A_718 = vector.extract %slice3A_717[0] : i32 from vector<1xi32>
      %slice3A_719 = vector.extract_strided_slice %get3A_163 {offsets = [11], sizes = [1], strides = [1]} : vector<16xi32> to vector<1xi32>
      %squeeze3A_720 = vector.extract %slice3A_719[0] : i32 from vector<1xi32>
      %shift_right_arithmetic3A_721 = arith.constant 7 : i32
      %shift_right_arithmetic3A_722 = arith.shrsi %squeeze3A_718, %shift_right_arithmetic3A_721 : i32
      %mul3A_723 = arith.constant 128 : i32
      %mul3A_724 = arith.muli %shift_right_arithmetic3A_722, %mul3A_723 : i32
      %multiple_of3A_725 = tpu.assume_multiple %mul3A_724, 128 : i32
      %dma_start3A_726 = arith.constant 0 : i32
      %dma_start3A_727 = tpu.memref_slice %arg4[%dma_start3A_726, %multiple_of3A_725] : memref<64x1000000xf32, #tpu.memory_space<hbm>> -> memref<64x128xf32, #tpu.memory_space<hbm>>
      %dma_start3A_728 = arith.constant 0 : i32
      %dma_start3A_729 = tpu.memref_slice %arg4[%dma_start3A_728, %multiple_of3A_725] : memref<64x1000000xf32, #tpu.memory_space<hbm>> -> memref<64x128xf32, #tpu.memory_space<hbm>>
      tpu.enqueue_dma source(%dma_start3A_729 : memref<64x128xf32, #tpu.memory_space<hbm>>) target(%arg12 : memref<64x128xf32, #tpu.memory_space<vmem>>) target_semaphore(%arg18 : memref<!tpu.dma_semaphore, #tpu.memory_space<semaphore_mem>>)
      %shift_right_arithmetic3A_730 = arith.constant 7 : i32
      %shift_right_arithmetic3A_731 = arith.shrsi %squeeze3A_720, %shift_right_arithmetic3A_730 : i32
      %mul3A_732 = arith.constant 128 : i32
      %mul3A_733 = arith.muli %shift_right_arithmetic3A_731, %mul3A_732 : i32
      %multiple_of3A_734 = tpu.assume_multiple %mul3A_733, 128 : i32
      %dma_start3A_735 = arith.constant 0 : i32
      %dma_start3A_736 = tpu.memref_slice %arg5[%dma_start3A_735, %multiple_of3A_734] : memref<64x1000000xf32, #tpu.memory_space<hbm>> -> memref<64x128xf32, #tpu.memory_space<hbm>>
      %dma_start3A_737 = arith.constant 0 : i32
      %dma_start3A_738 = tpu.memref_slice %arg5[%dma_start3A_737, %multiple_of3A_734] : memref<64x1000000xf32, #tpu.memory_space<hbm>> -> memref<64x128xf32, #tpu.memory_space<hbm>>
      tpu.enqueue_dma source(%dma_start3A_738 : memref<64x128xf32, #tpu.memory_space<hbm>>) target(%arg16 : memref<64x128xf32, #tpu.memory_space<vmem>>) target_semaphore(%arg19 : memref<!tpu.dma_semaphore, #tpu.memory_space<semaphore_mem>>)
      %dma_wait3A_739 = arith.constant 0 : i32
      %dma_wait3A_740 = arith.constant 0 : i32
      %dma_wait3A_741 = tpu.memref_slice %arg4[%dma_wait3A_739, %dma_wait3A_740] : memref<64x1000000xf32, #tpu.memory_space<hbm>> -> memref<64x128xf32, #tpu.memory_space<hbm>>
      %dma_wait3A_742 = arith.constant 0 : i32
      %dma_wait3A_743 = arith.constant 0 : i32
      %dma_wait3A_744 = tpu.memref_slice %arg4[%dma_wait3A_742, %dma_wait3A_743] : memref<64x1000000xf32, #tpu.memory_space<hbm>> -> memref<64x128xf32, #tpu.memory_space<hbm>>
      tpu.wait_dma2 semaphore(%arg18 : memref<!tpu.dma_semaphore, #tpu.memory_space<semaphore_mem>>) src(%dma_wait3A_744 : memref<64x128xf32, #tpu.memory_space<hbm>>) dst(%arg9 : memref<64x128xf32, #tpu.memory_space<vmem>>)
      %dma_wait3A_745 = arith.constant 0 : i32
      %dma_wait3A_746 = arith.constant 0 : i32
      %dma_wait3A_747 = tpu.memref_slice %arg5[%dma_wait3A_745, %dma_wait3A_746] : memref<64x1000000xf32, #tpu.memory_space<hbm>> -> memref<64x128xf32, #tpu.memory_space<hbm>>
      %dma_wait3A_748 = arith.constant 0 : i32
      %dma_wait3A_749 = arith.constant 0 : i32
      %dma_wait3A_750 = tpu.memref_slice %arg5[%dma_wait3A_748, %dma_wait3A_749] : memref<64x1000000xf32, #tpu.memory_space<hbm>> -> memref<64x128xf32, #tpu.memory_space<hbm>>
      tpu.wait_dma2 semaphore(%arg19 : memref<!tpu.dma_semaphore, #tpu.memory_space<semaphore_mem>>) src(%dma_wait3A_750 : memref<64x128xf32, #tpu.memory_space<hbm>>) dst(%arg13 : memref<64x128xf32, #tpu.memory_space<vmem>>)
      %slice3A_751 = vector.extract_strided_slice %get3A_159 {offsets = [8], sizes = [1], strides = [1]} : vector<16xi32> to vector<1xi32>
      %squeeze3A_752 = vector.extract %slice3A_751[0] : i32 from vector<1xi32>
      %and3A_753 = arith.constant 127 : i32
      %and3A_754 = arith.andi %squeeze3A_752, %and3A_753 : i32
      %slice3A_755 = vector.extract_strided_slice %get3A_163 {offsets = [8], sizes = [1], strides = [1]} : vector<16xi32> to vector<1xi32>
      %squeeze3A_756 = vector.extract %slice3A_755[0] : i32 from vector<1xi32>
      %and3A_757 = arith.constant 127 : i32
      %and3A_758 = arith.andi %squeeze3A_756, %and3A_757 : i32
      %broadcast_in_dim3A_759 = vector.broadcast %and3A_754 : i32 to vector<16xi32>
      %broadcast_in_dim3A_760 = vector.broadcast %and3A_758 : i32 to vector<16xi32>
      %broadcast_in_dim3A_761 = arith.constant 0.000000e+00 : f32
      %broadcast_in_dim3A_762 = vector.broadcast %broadcast_in_dim3A_761 : f32 to vector<16xf32>
      %gather3A_763 = tpu.vector_load_idx %arg9[%add3A_5, %broadcast_in_dim3A_759] : memref<64x128xf32, #tpu.memory_space<vmem>>[vector<16xi32>, vector<16xi32>], vector<16xf32>,
      %gather3A_764 = tpu.vector_load_idx %arg13[%add3A_5, %broadcast_in_dim3A_760] : memref<64x128xf32, #tpu.memory_space<vmem>>[vector<16xi32>, vector<16xi32>], vector<16xf32>,
      %mul3A_765 = arith.mulf %gather3A_763, %gather3A_764 : vector<16xf32>
      %add3A_766 = arith.addf %broadcast_in_dim3A_762, %mul3A_765 : vector<16xf32>
      %gather3A_767 = tpu.vector_load_idx %arg9[%add3A_8, %broadcast_in_dim3A_759] : memref<64x128xf32, #tpu.memory_space<vmem>>[vector<16xi32>, vector<16xi32>], vector<16xf32>,
      %gather3A_768 = tpu.vector_load_idx %arg13[%add3A_8, %broadcast_in_dim3A_760] : memref<64x128xf32, #tpu.memory_space<vmem>>[vector<16xi32>, vector<16xi32>], vector<16xf32>,
      %mul3A_769 = arith.mulf %gather3A_767, %gather3A_768 : vector<16xf32>
      %add3A_770 = arith.addf %add3A_766, %mul3A_769 : vector<16xf32>
      %gather3A_771 = tpu.vector_load_idx %arg9[%add3A_11, %broadcast_in_dim3A_759] : memref<64x128xf32, #tpu.memory_space<vmem>>[vector<16xi32>, vector<16xi32>], vector<16xf32>,
      %gather3A_772 = tpu.vector_load_idx %arg13[%add3A_11, %broadcast_in_dim3A_760] : memref<64x128xf32, #tpu.memory_space<vmem>>[vector<16xi32>, vector<16xi32>], vector<16xf32>,
      %mul3A_773 = arith.mulf %gather3A_771, %gather3A_772 : vector<16xf32>
      %add3A_774 = arith.addf %add3A_770, %mul3A_773 : vector<16xf32>
      %gather3A_775 = tpu.vector_load_idx %arg9[%add3A_14, %broadcast_in_dim3A_759] : memref<64x128xf32, #tpu.memory_space<vmem>>[vector<16xi32>, vector<16xi32>], vector<16xf32>,
      %gather3A_776 = tpu.vector_load_idx %arg13[%add3A_14, %broadcast_in_dim3A_760] : memref<64x128xf32, #tpu.memory_space<vmem>>[vector<16xi32>, vector<16xi32>], vector<16xf32>,
      %mul3A_777 = arith.mulf %gather3A_775, %gather3A_776 : vector<16xf32>
      %add3A_778 = arith.addf %add3A_774, %mul3A_777 : vector<16xf32>
      %reduce_sum3A_779 = arith.constant true
      %reduce_sum3A_780 = vector.broadcast %reduce_sum3A_779 : i1 to vector<16xi1>
      %reduce_sum3A_781 = tpu.scan <sum>, %add3A_778 masked %reduce_sum3A_780 : vector<16xf32>, vector<16xi1> -> vector<16xf32>
      %reduce_sum3A_782 = vector.extract %reduce_sum3A_781[15] : f32 from vector<16xf32>
      %eq3A_783 = arith.constant 8 : i32
      %eq3A_784 = vector.broadcast %eq3A_783 : i32 to vector<16xi32>
      %eq3A_785 = arith.cmpi eq, %iota3A, %eq3A_784 : vector<16xi32>
      %broadcast_in_dim3A_786 = vector.broadcast %reduce_sum3A_782 : f32 to vector<16xf32>
      %select_n3A_787 = arith.select %eq3A_785, %broadcast_in_dim3A_786, %select_n3A_716 : vector<16xi1>, vector<16xf32>
      %slice3A_788 = vector.extract_strided_slice %get3A_159 {offsets = [12], sizes = [1], strides = [1]} : vector<16xi32> to vector<1xi32>
      %squeeze3A_789 = vector.extract %slice3A_788[0] : i32 from vector<1xi32>
      %slice3A_790 = vector.extract_strided_slice %get3A_163 {offsets = [12], sizes = [1], strides = [1]} : vector<16xi32> to vector<1xi32>
      %squeeze3A_791 = vector.extract %slice3A_790[0] : i32 from vector<1xi32>
      %shift_right_arithmetic3A_792 = arith.constant 7 : i32
      %shift_right_arithmetic3A_793 = arith.shrsi %squeeze3A_789, %shift_right_arithmetic3A_792 : i32
      %mul3A_794 = arith.constant 128 : i32
      %mul3A_795 = arith.muli %shift_right_arithmetic3A_793, %mul3A_794 : i32
      %multiple_of3A_796 = tpu.assume_multiple %mul3A_795, 128 : i32
      %dma_start3A_797 = arith.constant 0 : i32
      %dma_start3A_798 = tpu.memref_slice %arg4[%dma_start3A_797, %multiple_of3A_796] : memref<64x1000000xf32, #tpu.memory_space<hbm>> -> memref<64x128xf32, #tpu.memory_space<hbm>>
      %dma_start3A_799 = arith.constant 0 : i32
      %dma_start3A_800 = tpu.memref_slice %arg4[%dma_start3A_799, %multiple_of3A_796] : memref<64x1000000xf32, #tpu.memory_space<hbm>> -> memref<64x128xf32, #tpu.memory_space<hbm>>
      tpu.enqueue_dma source(%dma_start3A_800 : memref<64x128xf32, #tpu.memory_space<hbm>>) target(%arg9 : memref<64x128xf32, #tpu.memory_space<vmem>>) target_semaphore(%arg18 : memref<!tpu.dma_semaphore, #tpu.memory_space<semaphore_mem>>)
      %shift_right_arithmetic3A_801 = arith.constant 7 : i32
      %shift_right_arithmetic3A_802 = arith.shrsi %squeeze3A_791, %shift_right_arithmetic3A_801 : i32
      %mul3A_803 = arith.constant 128 : i32
      %mul3A_804 = arith.muli %shift_right_arithmetic3A_802, %mul3A_803 : i32
      %multiple_of3A_805 = tpu.assume_multiple %mul3A_804, 128 : i32
      %dma_start3A_806 = arith.constant 0 : i32
      %dma_start3A_807 = tpu.memref_slice %arg5[%dma_start3A_806, %multiple_of3A_805] : memref<64x1000000xf32, #tpu.memory_space<hbm>> -> memref<64x128xf32, #tpu.memory_space<hbm>>
      %dma_start3A_808 = arith.constant 0 : i32
      %dma_start3A_809 = tpu.memref_slice %arg5[%dma_start3A_808, %multiple_of3A_805] : memref<64x1000000xf32, #tpu.memory_space<hbm>> -> memref<64x128xf32, #tpu.memory_space<hbm>>
      tpu.enqueue_dma source(%dma_start3A_809 : memref<64x128xf32, #tpu.memory_space<hbm>>) target(%arg13 : memref<64x128xf32, #tpu.memory_space<vmem>>) target_semaphore(%arg19 : memref<!tpu.dma_semaphore, #tpu.memory_space<semaphore_mem>>)
      %dma_wait3A_810 = arith.constant 0 : i32
      %dma_wait3A_811 = arith.constant 0 : i32
      %dma_wait3A_812 = tpu.memref_slice %arg4[%dma_wait3A_810, %dma_wait3A_811] : memref<64x1000000xf32, #tpu.memory_space<hbm>> -> memref<64x128xf32, #tpu.memory_space<hbm>>
      %dma_wait3A_813 = arith.constant 0 : i32
      %dma_wait3A_814 = arith.constant 0 : i32
      %dma_wait3A_815 = tpu.memref_slice %arg4[%dma_wait3A_813, %dma_wait3A_814] : memref<64x1000000xf32, #tpu.memory_space<hbm>> -> memref<64x128xf32, #tpu.memory_space<hbm>>
      tpu.wait_dma2 semaphore(%arg18 : memref<!tpu.dma_semaphore, #tpu.memory_space<semaphore_mem>>) src(%dma_wait3A_815 : memref<64x128xf32, #tpu.memory_space<hbm>>) dst(%arg10 : memref<64x128xf32, #tpu.memory_space<vmem>>)
      %dma_wait3A_816 = arith.constant 0 : i32
      %dma_wait3A_817 = arith.constant 0 : i32
      %dma_wait3A_818 = tpu.memref_slice %arg5[%dma_wait3A_816, %dma_wait3A_817] : memref<64x1000000xf32, #tpu.memory_space<hbm>> -> memref<64x128xf32, #tpu.memory_space<hbm>>
      %dma_wait3A_819 = arith.constant 0 : i32
      %dma_wait3A_820 = arith.constant 0 : i32
      %dma_wait3A_821 = tpu.memref_slice %arg5[%dma_wait3A_819, %dma_wait3A_820] : memref<64x1000000xf32, #tpu.memory_space<hbm>> -> memref<64x128xf32, #tpu.memory_space<hbm>>
      tpu.wait_dma2 semaphore(%arg19 : memref<!tpu.dma_semaphore, #tpu.memory_space<semaphore_mem>>) src(%dma_wait3A_821 : memref<64x128xf32, #tpu.memory_space<hbm>>) dst(%arg14 : memref<64x128xf32, #tpu.memory_space<vmem>>)
      %slice3A_822 = vector.extract_strided_slice %get3A_159 {offsets = [9], sizes = [1], strides = [1]} : vector<16xi32> to vector<1xi32>
      %squeeze3A_823 = vector.extract %slice3A_822[0] : i32 from vector<1xi32>
      %and3A_824 = arith.constant 127 : i32
      %and3A_825 = arith.andi %squeeze3A_823, %and3A_824 : i32
      %slice3A_826 = vector.extract_strided_slice %get3A_163 {offsets = [9], sizes = [1], strides = [1]} : vector<16xi32> to vector<1xi32>
      %squeeze3A_827 = vector.extract %slice3A_826[0] : i32 from vector<1xi32>
      %and3A_828 = arith.constant 127 : i32
      %and3A_829 = arith.andi %squeeze3A_827, %and3A_828 : i32
      %broadcast_in_dim3A_830 = vector.broadcast %and3A_825 : i32 to vector<16xi32>
      %broadcast_in_dim3A_831 = vector.broadcast %and3A_829 : i32 to vector<16xi32>
      %broadcast_in_dim3A_832 = arith.constant 0.000000e+00 : f32
      %broadcast_in_dim3A_833 = vector.broadcast %broadcast_in_dim3A_832 : f32 to vector<16xf32>
      %gather3A_834 = tpu.vector_load_idx %arg10[%add3A_5, %broadcast_in_dim3A_830] : memref<64x128xf32, #tpu.memory_space<vmem>>[vector<16xi32>, vector<16xi32>], vector<16xf32>,
      %gather3A_835 = tpu.vector_load_idx %arg14[%add3A_5, %broadcast_in_dim3A_831] : memref<64x128xf32, #tpu.memory_space<vmem>>[vector<16xi32>, vector<16xi32>], vector<16xf32>,
      %mul3A_836 = arith.mulf %gather3A_834, %gather3A_835 : vector<16xf32>
      %add3A_837 = arith.addf %broadcast_in_dim3A_833, %mul3A_836 : vector<16xf32>
      %gather3A_838 = tpu.vector_load_idx %arg10[%add3A_8, %broadcast_in_dim3A_830] : memref<64x128xf32, #tpu.memory_space<vmem>>[vector<16xi32>, vector<16xi32>], vector<16xf32>,
      %gather3A_839 = tpu.vector_load_idx %arg14[%add3A_8, %broadcast_in_dim3A_831] : memref<64x128xf32, #tpu.memory_space<vmem>>[vector<16xi32>, vector<16xi32>], vector<16xf32>,
      %mul3A_840 = arith.mulf %gather3A_838, %gather3A_839 : vector<16xf32>
      %add3A_841 = arith.addf %add3A_837, %mul3A_840 : vector<16xf32>
      %gather3A_842 = tpu.vector_load_idx %arg10[%add3A_11, %broadcast_in_dim3A_830] : memref<64x128xf32, #tpu.memory_space<vmem>>[vector<16xi32>, vector<16xi32>], vector<16xf32>,
      %gather3A_843 = tpu.vector_load_idx %arg14[%add3A_11, %broadcast_in_dim3A_831] : memref<64x128xf32, #tpu.memory_space<vmem>>[vector<16xi32>, vector<16xi32>], vector<16xf32>,
      %mul3A_844 = arith.mulf %gather3A_842, %gather3A_843 : vector<16xf32>
      %add3A_845 = arith.addf %add3A_841, %mul3A_844 : vector<16xf32>
      %gather3A_846 = tpu.vector_load_idx %arg10[%add3A_14, %broadcast_in_dim3A_830] : memref<64x128xf32, #tpu.memory_space<vmem>>[vector<16xi32>, vector<16xi32>], vector<16xf32>,
      %gather3A_847 = tpu.vector_load_idx %arg14[%add3A_14, %broadcast_in_dim3A_831] : memref<64x128xf32, #tpu.memory_space<vmem>>[vector<16xi32>, vector<16xi32>], vector<16xf32>,
      %mul3A_848 = arith.mulf %gather3A_846, %gather3A_847 : vector<16xf32>
      %add3A_849 = arith.addf %add3A_845, %mul3A_848 : vector<16xf32>
      %reduce_sum3A_850 = arith.constant true
      %reduce_sum3A_851 = vector.broadcast %reduce_sum3A_850 : i1 to vector<16xi1>
      %reduce_sum3A_852 = tpu.scan <sum>, %add3A_849 masked %reduce_sum3A_851 : vector<16xf32>, vector<16xi1> -> vector<16xf32>
      %reduce_sum3A_853 = vector.extract %reduce_sum3A_852[15] : f32 from vector<16xf32>
      %eq3A_854 = arith.constant 9 : i32
      %eq3A_855 = vector.broadcast %eq3A_854 : i32 to vector<16xi32>
      %eq3A_856 = arith.cmpi eq, %iota3A, %eq3A_855 : vector<16xi32>
      %broadcast_in_dim3A_857 = vector.broadcast %reduce_sum3A_853 : f32 to vector<16xf32>
      %select_n3A_858 = arith.select %eq3A_856, %broadcast_in_dim3A_857, %select_n3A_787 : vector<16xi1>, vector<16xf32>
      %slice3A_859 = vector.extract_strided_slice %get3A_159 {offsets = [13], sizes = [1], strides = [1]} : vector<16xi32> to vector<1xi32>
      %squeeze3A_860 = vector.extract %slice3A_859[0] : i32 from vector<1xi32>
      %slice3A_861 = vector.extract_strided_slice %get3A_163 {offsets = [13], sizes = [1], strides = [1]} : vector<16xi32> to vector<1xi32>
      %squeeze3A_862 = vector.extract %slice3A_861[0] : i32 from vector<1xi32>
      %shift_right_arithmetic3A_863 = arith.constant 7 : i32
      %shift_right_arithmetic3A_864 = arith.shrsi %squeeze3A_860, %shift_right_arithmetic3A_863 : i32
      %mul3A_865 = arith.constant 128 : i32
      %mul3A_866 = arith.muli %shift_right_arithmetic3A_864, %mul3A_865 : i32
      %multiple_of3A_867 = tpu.assume_multiple %mul3A_866, 128 : i32
      %dma_start3A_868 = arith.constant 0 : i32
      %dma_start3A_869 = tpu.memref_slice %arg4[%dma_start3A_868, %multiple_of3A_867] : memref<64x1000000xf32, #tpu.memory_space<hbm>> -> memref<64x128xf32, #tpu.memory_space<hbm>>
      %dma_start3A_870 = arith.constant 0 : i32
      %dma_start3A_871 = tpu.memref_slice %arg4[%dma_start3A_870, %multiple_of3A_867] : memref<64x1000000xf32, #tpu.memory_space<hbm>> -> memref<64x128xf32, #tpu.memory_space<hbm>>
      tpu.enqueue_dma source(%dma_start3A_871 : memref<64x128xf32, #tpu.memory_space<hbm>>) target(%arg10 : memref<64x128xf32, #tpu.memory_space<vmem>>) target_semaphore(%arg18 : memref<!tpu.dma_semaphore, #tpu.memory_space<semaphore_mem>>)
      %shift_right_arithmetic3A_872 = arith.constant 7 : i32
      %shift_right_arithmetic3A_873 = arith.shrsi %squeeze3A_862, %shift_right_arithmetic3A_872 : i32
      %mul3A_874 = arith.constant 128 : i32
      %mul3A_875 = arith.muli %shift_right_arithmetic3A_873, %mul3A_874 : i32
      %multiple_of3A_876 = tpu.assume_multiple %mul3A_875, 128 : i32
      %dma_start3A_877 = arith.constant 0 : i32
      %dma_start3A_878 = tpu.memref_slice %arg5[%dma_start3A_877, %multiple_of3A_876] : memref<64x1000000xf32, #tpu.memory_space<hbm>> -> memref<64x128xf32, #tpu.memory_space<hbm>>
      %dma_start3A_879 = arith.constant 0 : i32
      %dma_start3A_880 = tpu.memref_slice %arg5[%dma_start3A_879, %multiple_of3A_876] : memref<64x1000000xf32, #tpu.memory_space<hbm>> -> memref<64x128xf32, #tpu.memory_space<hbm>>
      tpu.enqueue_dma source(%dma_start3A_880 : memref<64x128xf32, #tpu.memory_space<hbm>>) target(%arg14 : memref<64x128xf32, #tpu.memory_space<vmem>>) target_semaphore(%arg19 : memref<!tpu.dma_semaphore, #tpu.memory_space<semaphore_mem>>)
      %dma_wait3A_881 = arith.constant 0 : i32
      %dma_wait3A_882 = arith.constant 0 : i32
      %dma_wait3A_883 = tpu.memref_slice %arg4[%dma_wait3A_881, %dma_wait3A_882] : memref<64x1000000xf32, #tpu.memory_space<hbm>> -> memref<64x128xf32, #tpu.memory_space<hbm>>
      %dma_wait3A_884 = arith.constant 0 : i32
      %dma_wait3A_885 = arith.constant 0 : i32
      %dma_wait3A_886 = tpu.memref_slice %arg4[%dma_wait3A_884, %dma_wait3A_885] : memref<64x1000000xf32, #tpu.memory_space<hbm>> -> memref<64x128xf32, #tpu.memory_space<hbm>>
      tpu.wait_dma2 semaphore(%arg18 : memref<!tpu.dma_semaphore, #tpu.memory_space<semaphore_mem>>) src(%dma_wait3A_886 : memref<64x128xf32, #tpu.memory_space<hbm>>) dst(%arg11 : memref<64x128xf32, #tpu.memory_space<vmem>>)
      %dma_wait3A_887 = arith.constant 0 : i32
      %dma_wait3A_888 = arith.constant 0 : i32
      %dma_wait3A_889 = tpu.memref_slice %arg5[%dma_wait3A_887, %dma_wait3A_888] : memref<64x1000000xf32, #tpu.memory_space<hbm>> -> memref<64x128xf32, #tpu.memory_space<hbm>>
      %dma_wait3A_890 = arith.constant 0 : i32
      %dma_wait3A_891 = arith.constant 0 : i32
      %dma_wait3A_892 = tpu.memref_slice %arg5[%dma_wait3A_890, %dma_wait3A_891] : memref<64x1000000xf32, #tpu.memory_space<hbm>> -> memref<64x128xf32, #tpu.memory_space<hbm>>
      tpu.wait_dma2 semaphore(%arg19 : memref<!tpu.dma_semaphore, #tpu.memory_space<semaphore_mem>>) src(%dma_wait3A_892 : memref<64x128xf32, #tpu.memory_space<hbm>>) dst(%arg15 : memref<64x128xf32, #tpu.memory_space<vmem>>)
      %slice3A_893 = vector.extract_strided_slice %get3A_159 {offsets = [10], sizes = [1], strides = [1]} : vector<16xi32> to vector<1xi32>
      %squeeze3A_894 = vector.extract %slice3A_893[0] : i32 from vector<1xi32>
      %and3A_895 = arith.constant 127 : i32
      %and3A_896 = arith.andi %squeeze3A_894, %and3A_895 : i32
      %slice3A_897 = vector.extract_strided_slice %get3A_163 {offsets = [10], sizes = [1], strides = [1]} : vector<16xi32> to vector<1xi32>
      %squeeze3A_898 = vector.extract %slice3A_897[0] : i32 from vector<1xi32>
      %and3A_899 = arith.constant 127 : i32
      %and3A_900 = arith.andi %squeeze3A_898, %and3A_899 : i32
      %broadcast_in_dim3A_901 = vector.broadcast %and3A_896 : i32 to vector<16xi32>
      %broadcast_in_dim3A_902 = vector.broadcast %and3A_900 : i32 to vector<16xi32>
      %broadcast_in_dim3A_903 = arith.constant 0.000000e+00 : f32
      %broadcast_in_dim3A_904 = vector.broadcast %broadcast_in_dim3A_903 : f32 to vector<16xf32>
      %gather3A_905 = tpu.vector_load_idx %arg11[%add3A_5, %broadcast_in_dim3A_901] : memref<64x128xf32, #tpu.memory_space<vmem>>[vector<16xi32>, vector<16xi32>], vector<16xf32>,
      %gather3A_906 = tpu.vector_load_idx %arg15[%add3A_5, %broadcast_in_dim3A_902] : memref<64x128xf32, #tpu.memory_space<vmem>>[vector<16xi32>, vector<16xi32>], vector<16xf32>,
      %mul3A_907 = arith.mulf %gather3A_905, %gather3A_906 : vector<16xf32>
      %add3A_908 = arith.addf %broadcast_in_dim3A_904, %mul3A_907 : vector<16xf32>
      %gather3A_909 = tpu.vector_load_idx %arg11[%add3A_8, %broadcast_in_dim3A_901] : memref<64x128xf32, #tpu.memory_space<vmem>>[vector<16xi32>, vector<16xi32>], vector<16xf32>,
      %gather3A_910 = tpu.vector_load_idx %arg15[%add3A_8, %broadcast_in_dim3A_902] : memref<64x128xf32, #tpu.memory_space<vmem>>[vector<16xi32>, vector<16xi32>], vector<16xf32>,
      %mul3A_911 = arith.mulf %gather3A_909, %gather3A_910 : vector<16xf32>
      %add3A_912 = arith.addf %add3A_908, %mul3A_911 : vector<16xf32>
      %gather3A_913 = tpu.vector_load_idx %arg11[%add3A_11, %broadcast_in_dim3A_901] : memref<64x128xf32, #tpu.memory_space<vmem>>[vector<16xi32>, vector<16xi32>], vector<16xf32>,
      %gather3A_914 = tpu.vector_load_idx %arg15[%add3A_11, %broadcast_in_dim3A_902] : memref<64x128xf32, #tpu.memory_space<vmem>>[vector<16xi32>, vector<16xi32>], vector<16xf32>,
      %mul3A_915 = arith.mulf %gather3A_913, %gather3A_914 : vector<16xf32>
      %add3A_916 = arith.addf %add3A_912, %mul3A_915 : vector<16xf32>
      %gather3A_917 = tpu.vector_load_idx %arg11[%add3A_14, %broadcast_in_dim3A_901] : memref<64x128xf32, #tpu.memory_space<vmem>>[vector<16xi32>, vector<16xi32>], vector<16xf32>,
      %gather3A_918 = tpu.vector_load_idx %arg15[%add3A_14, %broadcast_in_dim3A_902] : memref<64x128xf32, #tpu.memory_space<vmem>>[vector<16xi32>, vector<16xi32>], vector<16xf32>,
      %mul3A_919 = arith.mulf %gather3A_917, %gather3A_918 : vector<16xf32>
      %add3A_920 = arith.addf %add3A_916, %mul3A_919 : vector<16xf32>
      %reduce_sum3A_921 = arith.constant true
      %reduce_sum3A_922 = vector.broadcast %reduce_sum3A_921 : i1 to vector<16xi1>
      %reduce_sum3A_923 = tpu.scan <sum>, %add3A_920 masked %reduce_sum3A_922 : vector<16xf32>, vector<16xi1> -> vector<16xf32>
      %reduce_sum3A_924 = vector.extract %reduce_sum3A_923[15] : f32 from vector<16xf32>
      %eq3A_925 = arith.constant 10 : i32
      %eq3A_926 = vector.broadcast %eq3A_925 : i32 to vector<16xi32>
      %eq3A_927 = arith.cmpi eq, %iota3A, %eq3A_926 : vector<16xi32>
      %broadcast_in_dim3A_928 = vector.broadcast %reduce_sum3A_924 : f32 to vector<16xf32>
      %select_n3A_929 = arith.select %eq3A_927, %broadcast_in_dim3A_928, %select_n3A_858 : vector<16xi1>, vector<16xf32>
      %slice3A_930 = vector.extract_strided_slice %get3A_159 {offsets = [14], sizes = [1], strides = [1]} : vector<16xi32> to vector<1xi32>
      %squeeze3A_931 = vector.extract %slice3A_930[0] : i32 from vector<1xi32>
      %slice3A_932 = vector.extract_strided_slice %get3A_163 {offsets = [14], sizes = [1], strides = [1]} : vector<16xi32> to vector<1xi32>
      %squeeze3A_933 = vector.extract %slice3A_932[0] : i32 from vector<1xi32>
      %shift_right_arithmetic3A_934 = arith.constant 7 : i32
      %shift_right_arithmetic3A_935 = arith.shrsi %squeeze3A_931, %shift_right_arithmetic3A_934 : i32
      %mul3A_936 = arith.constant 128 : i32
      %mul3A_937 = arith.muli %shift_right_arithmetic3A_935, %mul3A_936 : i32
      %multiple_of3A_938 = tpu.assume_multiple %mul3A_937, 128 : i32
      %dma_start3A_939 = arith.constant 0 : i32
      %dma_start3A_940 = tpu.memref_slice %arg4[%dma_start3A_939, %multiple_of3A_938] : memref<64x1000000xf32, #tpu.memory_space<hbm>> -> memref<64x128xf32, #tpu.memory_space<hbm>>
      %dma_start3A_941 = arith.constant 0 : i32
      %dma_start3A_942 = tpu.memref_slice %arg4[%dma_start3A_941, %multiple_of3A_938] : memref<64x1000000xf32, #tpu.memory_space<hbm>> -> memref<64x128xf32, #tpu.memory_space<hbm>>
      tpu.enqueue_dma source(%dma_start3A_942 : memref<64x128xf32, #tpu.memory_space<hbm>>) target(%arg11 : memref<64x128xf32, #tpu.memory_space<vmem>>) target_semaphore(%arg18 : memref<!tpu.dma_semaphore, #tpu.memory_space<semaphore_mem>>)
      %shift_right_arithmetic3A_943 = arith.constant 7 : i32
      %shift_right_arithmetic3A_944 = arith.shrsi %squeeze3A_933, %shift_right_arithmetic3A_943 : i32
      %mul3A_945 = arith.constant 128 : i32
      %mul3A_946 = arith.muli %shift_right_arithmetic3A_944, %mul3A_945 : i32
      %multiple_of3A_947 = tpu.assume_multiple %mul3A_946, 128 : i32
      %dma_start3A_948 = arith.constant 0 : i32
      %dma_start3A_949 = tpu.memref_slice %arg5[%dma_start3A_948, %multiple_of3A_947] : memref<64x1000000xf32, #tpu.memory_space<hbm>> -> memref<64x128xf32, #tpu.memory_space<hbm>>
      %dma_start3A_950 = arith.constant 0 : i32
      %dma_start3A_951 = tpu.memref_slice %arg5[%dma_start3A_950, %multiple_of3A_947] : memref<64x1000000xf32, #tpu.memory_space<hbm>> -> memref<64x128xf32, #tpu.memory_space<hbm>>
      tpu.enqueue_dma source(%dma_start3A_951 : memref<64x128xf32, #tpu.memory_space<hbm>>) target(%arg15 : memref<64x128xf32, #tpu.memory_space<vmem>>) target_semaphore(%arg19 : memref<!tpu.dma_semaphore, #tpu.memory_space<semaphore_mem>>)
      %dma_wait3A_952 = arith.constant 0 : i32
      %dma_wait3A_953 = arith.constant 0 : i32
      %dma_wait3A_954 = tpu.memref_slice %arg4[%dma_wait3A_952, %dma_wait3A_953] : memref<64x1000000xf32, #tpu.memory_space<hbm>> -> memref<64x128xf32, #tpu.memory_space<hbm>>
      %dma_wait3A_955 = arith.constant 0 : i32
      %dma_wait3A_956 = arith.constant 0 : i32
      %dma_wait3A_957 = tpu.memref_slice %arg4[%dma_wait3A_955, %dma_wait3A_956] : memref<64x1000000xf32, #tpu.memory_space<hbm>> -> memref<64x128xf32, #tpu.memory_space<hbm>>
      tpu.wait_dma2 semaphore(%arg18 : memref<!tpu.dma_semaphore, #tpu.memory_space<semaphore_mem>>) src(%dma_wait3A_957 : memref<64x128xf32, #tpu.memory_space<hbm>>) dst(%arg12 : memref<64x128xf32, #tpu.memory_space<vmem>>)
      %dma_wait3A_958 = arith.constant 0 : i32
      %dma_wait3A_959 = arith.constant 0 : i32
      %dma_wait3A_960 = tpu.memref_slice %arg5[%dma_wait3A_958, %dma_wait3A_959] : memref<64x1000000xf32, #tpu.memory_space<hbm>> -> memref<64x128xf32, #tpu.memory_space<hbm>>
      %dma_wait3A_961 = arith.constant 0 : i32
      %dma_wait3A_962 = arith.constant 0 : i32
      %dma_wait3A_963 = tpu.memref_slice %arg5[%dma_wait3A_961, %dma_wait3A_962] : memref<64x1000000xf32, #tpu.memory_space<hbm>> -> memref<64x128xf32, #tpu.memory_space<hbm>>
      tpu.wait_dma2 semaphore(%arg19 : memref<!tpu.dma_semaphore, #tpu.memory_space<semaphore_mem>>) src(%dma_wait3A_963 : memref<64x128xf32, #tpu.memory_space<hbm>>) dst(%arg16 : memref<64x128xf32, #tpu.memory_space<vmem>>)
      %slice3A_964 = vector.extract_strided_slice %get3A_159 {offsets = [11], sizes = [1], strides = [1]} : vector<16xi32> to vector<1xi32>
      %squeeze3A_965 = vector.extract %slice3A_964[0] : i32 from vector<1xi32>
      %and3A_966 = arith.constant 127 : i32
      %and3A_967 = arith.andi %squeeze3A_965, %and3A_966 : i32
      %slice3A_968 = vector.extract_strided_slice %get3A_163 {offsets = [11], sizes = [1], strides = [1]} : vector<16xi32> to vector<1xi32>
      %squeeze3A_969 = vector.extract %slice3A_968[0] : i32 from vector<1xi32>
      %and3A_970 = arith.constant 127 : i32
      %and3A_971 = arith.andi %squeeze3A_969, %and3A_970 : i32
      %broadcast_in_dim3A_972 = vector.broadcast %and3A_967 : i32 to vector<16xi32>
      %broadcast_in_dim3A_973 = vector.broadcast %and3A_971 : i32 to vector<16xi32>
      %broadcast_in_dim3A_974 = arith.constant 0.000000e+00 : f32
      %broadcast_in_dim3A_975 = vector.broadcast %broadcast_in_dim3A_974 : f32 to vector<16xf32>
      %gather3A_976 = tpu.vector_load_idx %arg12[%add3A_5, %broadcast_in_dim3A_972] : memref<64x128xf32, #tpu.memory_space<vmem>>[vector<16xi32>, vector<16xi32>], vector<16xf32>,
      %gather3A_977 = tpu.vector_load_idx %arg16[%add3A_5, %broadcast_in_dim3A_973] : memref<64x128xf32, #tpu.memory_space<vmem>>[vector<16xi32>, vector<16xi32>], vector<16xf32>,
      %mul3A_978 = arith.mulf %gather3A_976, %gather3A_977 : vector<16xf32>
      %add3A_979 = arith.addf %broadcast_in_dim3A_975, %mul3A_978 : vector<16xf32>
      %gather3A_980 = tpu.vector_load_idx %arg12[%add3A_8, %broadcast_in_dim3A_972] : memref<64x128xf32, #tpu.memory_space<vmem>>[vector<16xi32>, vector<16xi32>], vector<16xf32>,
      %gather3A_981 = tpu.vector_load_idx %arg16[%add3A_8, %broadcast_in_dim3A_973] : memref<64x128xf32, #tpu.memory_space<vmem>>[vector<16xi32>, vector<16xi32>], vector<16xf32>,
      %mul3A_982 = arith.mulf %gather3A_980, %gather3A_981 : vector<16xf32>
      %add3A_983 = arith.addf %add3A_979, %mul3A_982 : vector<16xf32>
      %gather3A_984 = tpu.vector_load_idx %arg12[%add3A_11, %broadcast_in_dim3A_972] : memref<64x128xf32, #tpu.memory_space<vmem>>[vector<16xi32>, vector<16xi32>], vector<16xf32>,
      %gather3A_985 = tpu.vector_load_idx %arg16[%add3A_11, %broadcast_in_dim3A_973] : memref<64x128xf32, #tpu.memory_space<vmem>>[vector<16xi32>, vector<16xi32>], vector<16xf32>,
      %mul3A_986 = arith.mulf %gather3A_984, %gather3A_985 : vector<16xf32>
      %add3A_987 = arith.addf %add3A_983, %mul3A_986 : vector<16xf32>
      %gather3A_988 = tpu.vector_load_idx %arg12[%add3A_14, %broadcast_in_dim3A_972] : memref<64x128xf32, #tpu.memory_space<vmem>>[vector<16xi32>, vector<16xi32>], vector<16xf32>,
      %gather3A_989 = tpu.vector_load_idx %arg16[%add3A_14, %broadcast_in_dim3A_973] : memref<64x128xf32, #tpu.memory_space<vmem>>[vector<16xi32>, vector<16xi32>], vector<16xf32>,
      %mul3A_990 = arith.mulf %gather3A_988, %gather3A_989 : vector<16xf32>
      %add3A_991 = arith.addf %add3A_987, %mul3A_990 : vector<16xf32>
      %reduce_sum3A_992 = arith.constant true
      %reduce_sum3A_993 = vector.broadcast %reduce_sum3A_992 : i1 to vector<16xi1>
      %reduce_sum3A_994 = tpu.scan <sum>, %add3A_991 masked %reduce_sum3A_993 : vector<16xf32>, vector<16xi1> -> vector<16xf32>
      %reduce_sum3A_995 = vector.extract %reduce_sum3A_994[15] : f32 from vector<16xf32>
      %eq3A_996 = arith.constant 11 : i32
      %eq3A_997 = vector.broadcast %eq3A_996 : i32 to vector<16xi32>
      %eq3A_998 = arith.cmpi eq, %iota3A, %eq3A_997 : vector<16xi32>
      %broadcast_in_dim3A_999 = vector.broadcast %reduce_sum3A_995 : f32 to vector<16xf32>
      %select_n3A_1000 = arith.select %eq3A_998, %broadcast_in_dim3A_999, %select_n3A_929 : vector<16xi1>, vector<16xf32>
      %slice3A_1001 = vector.extract_strided_slice %get3A_159 {offsets = [15], sizes = [1], strides = [1]} : vector<16xi32> to vector<1xi32>
      %squeeze3A_1002 = vector.extract %slice3A_1001[0] : i32 from vector<1xi32>
      %slice3A_1003 = vector.extract_strided_slice %get3A_163 {offsets = [15], sizes = [1], strides = [1]} : vector<16xi32> to vector<1xi32>
      %squeeze3A_1004 = vector.extract %slice3A_1003[0] : i32 from vector<1xi32>
      %shift_right_arithmetic3A_1005 = arith.constant 7 : i32
      %shift_right_arithmetic3A_1006 = arith.shrsi %squeeze3A_1002, %shift_right_arithmetic3A_1005 : i32
      %mul3A_1007 = arith.constant 128 : i32
      %mul3A_1008 = arith.muli %shift_right_arithmetic3A_1006, %mul3A_1007 : i32
      %multiple_of3A_1009 = tpu.assume_multiple %mul3A_1008, 128 : i32
      %dma_start3A_1010 = arith.constant 0 : i32
      %dma_start3A_1011 = tpu.memref_slice %arg4[%dma_start3A_1010, %multiple_of3A_1009] : memref<64x1000000xf32, #tpu.memory_space<hbm>> -> memref<64x128xf32, #tpu.memory_space<hbm>>
      %dma_start3A_1012 = arith.constant 0 : i32
      %dma_start3A_1013 = tpu.memref_slice %arg4[%dma_start3A_1012, %multiple_of3A_1009] : memref<64x1000000xf32, #tpu.memory_space<hbm>> -> memref<64x128xf32, #tpu.memory_space<hbm>>
      tpu.enqueue_dma source(%dma_start3A_1013 : memref<64x128xf32, #tpu.memory_space<hbm>>) target(%arg12 : memref<64x128xf32, #tpu.memory_space<vmem>>) target_semaphore(%arg18 : memref<!tpu.dma_semaphore, #tpu.memory_space<semaphore_mem>>)
      %shift_right_arithmetic3A_1014 = arith.constant 7 : i32
      %shift_right_arithmetic3A_1015 = arith.shrsi %squeeze3A_1004, %shift_right_arithmetic3A_1014 : i32
      %mul3A_1016 = arith.constant 128 : i32
      %mul3A_1017 = arith.muli %shift_right_arithmetic3A_1015, %mul3A_1016 : i32
      %multiple_of3A_1018 = tpu.assume_multiple %mul3A_1017, 128 : i32
      %dma_start3A_1019 = arith.constant 0 : i32
      %dma_start3A_1020 = tpu.memref_slice %arg5[%dma_start3A_1019, %multiple_of3A_1018] : memref<64x1000000xf32, #tpu.memory_space<hbm>> -> memref<64x128xf32, #tpu.memory_space<hbm>>
      %dma_start3A_1021 = arith.constant 0 : i32
      %dma_start3A_1022 = tpu.memref_slice %arg5[%dma_start3A_1021, %multiple_of3A_1018] : memref<64x1000000xf32, #tpu.memory_space<hbm>> -> memref<64x128xf32, #tpu.memory_space<hbm>>
      tpu.enqueue_dma source(%dma_start3A_1022 : memref<64x128xf32, #tpu.memory_space<hbm>>) target(%arg16 : memref<64x128xf32, #tpu.memory_space<vmem>>) target_semaphore(%arg19 : memref<!tpu.dma_semaphore, #tpu.memory_space<semaphore_mem>>)
      %dma_wait3A_1023 = arith.constant 0 : i32
      %dma_wait3A_1024 = arith.constant 0 : i32
      %dma_wait3A_1025 = tpu.memref_slice %arg4[%dma_wait3A_1023, %dma_wait3A_1024] : memref<64x1000000xf32, #tpu.memory_space<hbm>> -> memref<64x128xf32, #tpu.memory_space<hbm>>
      %dma_wait3A_1026 = arith.constant 0 : i32
      %dma_wait3A_1027 = arith.constant 0 : i32
      %dma_wait3A_1028 = tpu.memref_slice %arg4[%dma_wait3A_1026, %dma_wait3A_1027] : memref<64x1000000xf32, #tpu.memory_space<hbm>> -> memref<64x128xf32, #tpu.memory_space<hbm>>
      tpu.wait_dma2 semaphore(%arg18 : memref<!tpu.dma_semaphore, #tpu.memory_space<semaphore_mem>>) src(%dma_wait3A_1028 : memref<64x128xf32, #tpu.memory_space<hbm>>) dst(%arg9 : memref<64x128xf32, #tpu.memory_space<vmem>>)
      %dma_wait3A_1029 = arith.constant 0 : i32
      %dma_wait3A_1030 = arith.constant 0 : i32
      %dma_wait3A_1031 = tpu.memref_slice %arg5[%dma_wait3A_1029, %dma_wait3A_1030] : memref<64x1000000xf32, #tpu.memory_space<hbm>> -> memref<64x128xf32, #tpu.memory_space<hbm>>
      %dma_wait3A_1032 = arith.constant 0 : i32
      %dma_wait3A_1033 = arith.constant 0 : i32
      %dma_wait3A_1034 = tpu.memref_slice %arg5[%dma_wait3A_1032, %dma_wait3A_1033] : memref<64x1000000xf32, #tpu.memory_space<hbm>> -> memref<64x128xf32, #tpu.memory_space<hbm>>
      tpu.wait_dma2 semaphore(%arg19 : memref<!tpu.dma_semaphore, #tpu.memory_space<semaphore_mem>>) src(%dma_wait3A_1034 : memref<64x128xf32, #tpu.memory_space<hbm>>) dst(%arg13 : memref<64x128xf32, #tpu.memory_space<vmem>>)
      %slice3A_1035 = vector.extract_strided_slice %get3A_159 {offsets = [12], sizes = [1], strides = [1]} : vector<16xi32> to vector<1xi32>
      %squeeze3A_1036 = vector.extract %slice3A_1035[0] : i32 from vector<1xi32>
      %and3A_1037 = arith.constant 127 : i32
      %and3A_1038 = arith.andi %squeeze3A_1036, %and3A_1037 : i32
      %slice3A_1039 = vector.extract_strided_slice %get3A_163 {offsets = [12], sizes = [1], strides = [1]} : vector<16xi32> to vector<1xi32>
      %squeeze3A_1040 = vector.extract %slice3A_1039[0] : i32 from vector<1xi32>
      %and3A_1041 = arith.constant 127 : i32
      %and3A_1042 = arith.andi %squeeze3A_1040, %and3A_1041 : i32
      %broadcast_in_dim3A_1043 = vector.broadcast %and3A_1038 : i32 to vector<16xi32>
      %broadcast_in_dim3A_1044 = vector.broadcast %and3A_1042 : i32 to vector<16xi32>
      %broadcast_in_dim3A_1045 = arith.constant 0.000000e+00 : f32
      %broadcast_in_dim3A_1046 = vector.broadcast %broadcast_in_dim3A_1045 : f32 to vector<16xf32>
      %gather3A_1047 = tpu.vector_load_idx %arg9[%add3A_5, %broadcast_in_dim3A_1043] : memref<64x128xf32, #tpu.memory_space<vmem>>[vector<16xi32>, vector<16xi32>], vector<16xf32>,
      %gather3A_1048 = tpu.vector_load_idx %arg13[%add3A_5, %broadcast_in_dim3A_1044] : memref<64x128xf32, #tpu.memory_space<vmem>>[vector<16xi32>, vector<16xi32>], vector<16xf32>,
      %mul3A_1049 = arith.mulf %gather3A_1047, %gather3A_1048 : vector<16xf32>
      %add3A_1050 = arith.addf %broadcast_in_dim3A_1046, %mul3A_1049 : vector<16xf32>
      %gather3A_1051 = tpu.vector_load_idx %arg9[%add3A_8, %broadcast_in_dim3A_1043] : memref<64x128xf32, #tpu.memory_space<vmem>>[vector<16xi32>, vector<16xi32>], vector<16xf32>,
      %gather3A_1052 = tpu.vector_load_idx %arg13[%add3A_8, %broadcast_in_dim3A_1044] : memref<64x128xf32, #tpu.memory_space<vmem>>[vector<16xi32>, vector<16xi32>], vector<16xf32>,
      %mul3A_1053 = arith.mulf %gather3A_1051, %gather3A_1052 : vector<16xf32>
      %add3A_1054 = arith.addf %add3A_1050, %mul3A_1053 : vector<16xf32>
      %gather3A_1055 = tpu.vector_load_idx %arg9[%add3A_11, %broadcast_in_dim3A_1043] : memref<64x128xf32, #tpu.memory_space<vmem>>[vector<16xi32>, vector<16xi32>], vector<16xf32>,
      %gather3A_1056 = tpu.vector_load_idx %arg13[%add3A_11, %broadcast_in_dim3A_1044] : memref<64x128xf32, #tpu.memory_space<vmem>>[vector<16xi32>, vector<16xi32>], vector<16xf32>,
      %mul3A_1057 = arith.mulf %gather3A_1055, %gather3A_1056 : vector<16xf32>
      %add3A_1058 = arith.addf %add3A_1054, %mul3A_1057 : vector<16xf32>
      %gather3A_1059 = tpu.vector_load_idx %arg9[%add3A_14, %broadcast_in_dim3A_1043] : memref<64x128xf32, #tpu.memory_space<vmem>>[vector<16xi32>, vector<16xi32>], vector<16xf32>,
      %gather3A_1060 = tpu.vector_load_idx %arg13[%add3A_14, %broadcast_in_dim3A_1044] : memref<64x128xf32, #tpu.memory_space<vmem>>[vector<16xi32>, vector<16xi32>], vector<16xf32>,
      %mul3A_1061 = arith.mulf %gather3A_1059, %gather3A_1060 : vector<16xf32>
      %add3A_1062 = arith.addf %add3A_1058, %mul3A_1061 : vector<16xf32>
      %reduce_sum3A_1063 = arith.constant true
      %reduce_sum3A_1064 = vector.broadcast %reduce_sum3A_1063 : i1 to vector<16xi1>
      %reduce_sum3A_1065 = tpu.scan <sum>, %add3A_1062 masked %reduce_sum3A_1064 : vector<16xf32>, vector<16xi1> -> vector<16xf32>
      %reduce_sum3A_1066 = vector.extract %reduce_sum3A_1065[15] : f32 from vector<16xf32>
      %eq3A_1067 = arith.constant 12 : i32
      %eq3A_1068 = vector.broadcast %eq3A_1067 : i32 to vector<16xi32>
      %eq3A_1069 = arith.cmpi eq, %iota3A, %eq3A_1068 : vector<16xi32>
      %broadcast_in_dim3A_1070 = vector.broadcast %reduce_sum3A_1066 : f32 to vector<16xf32>
      %select_n3A_1071 = arith.select %eq3A_1069, %broadcast_in_dim3A_1070, %select_n3A_1000 : vector<16xi1>, vector<16xf32>
      %slice3A_1072 = vector.extract_strided_slice %get3A_170 {offsets = [0], sizes = [1], strides = [1]} : vector<16xi32> to vector<1xi32>
      %squeeze3A_1073 = vector.extract %slice3A_1072[0] : i32 from vector<1xi32>
      %slice3A_1074 = vector.extract_strided_slice %get3A_174 {offsets = [0], sizes = [1], strides = [1]} : vector<16xi32> to vector<1xi32>
      %squeeze3A_1075 = vector.extract %slice3A_1074[0] : i32 from vector<1xi32>
      %shift_right_arithmetic3A_1076 = arith.constant 7 : i32
      %shift_right_arithmetic3A_1077 = arith.shrsi %squeeze3A_1073, %shift_right_arithmetic3A_1076 : i32
      %mul3A_1078 = arith.constant 128 : i32
      %mul3A_1079 = arith.muli %shift_right_arithmetic3A_1077, %mul3A_1078 : i32
      %multiple_of3A_1080 = tpu.assume_multiple %mul3A_1079, 128 : i32
      %dma_start3A_1081 = arith.constant 0 : i32
      %dma_start3A_1082 = tpu.memref_slice %arg4[%dma_start3A_1081, %multiple_of3A_1080] : memref<64x1000000xf32, #tpu.memory_space<hbm>> -> memref<64x128xf32, #tpu.memory_space<hbm>>
      %dma_start3A_1083 = arith.constant 0 : i32
      %dma_start3A_1084 = tpu.memref_slice %arg4[%dma_start3A_1083, %multiple_of3A_1080] : memref<64x1000000xf32, #tpu.memory_space<hbm>> -> memref<64x128xf32, #tpu.memory_space<hbm>>
      tpu.enqueue_dma source(%dma_start3A_1084 : memref<64x128xf32, #tpu.memory_space<hbm>>) target(%arg9 : memref<64x128xf32, #tpu.memory_space<vmem>>) target_semaphore(%arg18 : memref<!tpu.dma_semaphore, #tpu.memory_space<semaphore_mem>>)
      %shift_right_arithmetic3A_1085 = arith.constant 7 : i32
      %shift_right_arithmetic3A_1086 = arith.shrsi %squeeze3A_1075, %shift_right_arithmetic3A_1085 : i32
      %mul3A_1087 = arith.constant 128 : i32
      %mul3A_1088 = arith.muli %shift_right_arithmetic3A_1086, %mul3A_1087 : i32
      %multiple_of3A_1089 = tpu.assume_multiple %mul3A_1088, 128 : i32
      %dma_start3A_1090 = arith.constant 0 : i32
      %dma_start3A_1091 = tpu.memref_slice %arg5[%dma_start3A_1090, %multiple_of3A_1089] : memref<64x1000000xf32, #tpu.memory_space<hbm>> -> memref<64x128xf32, #tpu.memory_space<hbm>>
      %dma_start3A_1092 = arith.constant 0 : i32
      %dma_start3A_1093 = tpu.memref_slice %arg5[%dma_start3A_1092, %multiple_of3A_1089] : memref<64x1000000xf32, #tpu.memory_space<hbm>> -> memref<64x128xf32, #tpu.memory_space<hbm>>
      tpu.enqueue_dma source(%dma_start3A_1093 : memref<64x128xf32, #tpu.memory_space<hbm>>) target(%arg13 : memref<64x128xf32, #tpu.memory_space<vmem>>) target_semaphore(%arg19 : memref<!tpu.dma_semaphore, #tpu.memory_space<semaphore_mem>>)
      %dma_wait3A_1094 = arith.constant 0 : i32
      %dma_wait3A_1095 = arith.constant 0 : i32
      %dma_wait3A_1096 = tpu.memref_slice %arg4[%dma_wait3A_1094, %dma_wait3A_1095] : memref<64x1000000xf32, #tpu.memory_space<hbm>> -> memref<64x128xf32, #tpu.memory_space<hbm>>
      %dma_wait3A_1097 = arith.constant 0 : i32
      %dma_wait3A_1098 = arith.constant 0 : i32
      %dma_wait3A_1099 = tpu.memref_slice %arg4[%dma_wait3A_1097, %dma_wait3A_1098] : memref<64x1000000xf32, #tpu.memory_space<hbm>> -> memref<64x128xf32, #tpu.memory_space<hbm>>
      tpu.wait_dma2 semaphore(%arg18 : memref<!tpu.dma_semaphore, #tpu.memory_space<semaphore_mem>>) src(%dma_wait3A_1099 : memref<64x128xf32, #tpu.memory_space<hbm>>) dst(%arg10 : memref<64x128xf32, #tpu.memory_space<vmem>>)
      %dma_wait3A_1100 = arith.constant 0 : i32
      %dma_wait3A_1101 = arith.constant 0 : i32
      %dma_wait3A_1102 = tpu.memref_slice %arg5[%dma_wait3A_1100, %dma_wait3A_1101] : memref<64x1000000xf32, #tpu.memory_space<hbm>> -> memref<64x128xf32, #tpu.memory_space<hbm>>
      %dma_wait3A_1103 = arith.constant 0 : i32
      %dma_wait3A_1104 = arith.constant 0 : i32
      %dma_wait3A_1105 = tpu.memref_slice %arg5[%dma_wait3A_1103, %dma_wait3A_1104] : memref<64x1000000xf32, #tpu.memory_space<hbm>> -> memref<64x128xf32, #tpu.memory_space<hbm>>
      tpu.wait_dma2 semaphore(%arg19 : memref<!tpu.dma_semaphore, #tpu.memory_space<semaphore_mem>>) src(%dma_wait3A_1105 : memref<64x128xf32, #tpu.memory_space<hbm>>) dst(%arg14 : memref<64x128xf32, #tpu.memory_space<vmem>>)
      %slice3A_1106 = vector.extract_strided_slice %get3A_159 {offsets = [13], sizes = [1], strides = [1]} : vector<16xi32> to vector<1xi32>
      %squeeze3A_1107 = vector.extract %slice3A_1106[0] : i32 from vector<1xi32>
      %and3A_1108 = arith.constant 127 : i32
      %and3A_1109 = arith.andi %squeeze3A_1107, %and3A_1108 : i32
      %slice3A_1110 = vector.extract_strided_slice %get3A_163 {offsets = [13], sizes = [1], strides = [1]} : vector<16xi32> to vector<1xi32>
      %squeeze3A_1111 = vector.extract %slice3A_1110[0] : i32 from vector<1xi32>
      %and3A_1112 = arith.constant 127 : i32
      %and3A_1113 = arith.andi %squeeze3A_1111, %and3A_1112 : i32
      %broadcast_in_dim3A_1114 = vector.broadcast %and3A_1109 : i32 to vector<16xi32>
      %broadcast_in_dim3A_1115 = vector.broadcast %and3A_1113 : i32 to vector<16xi32>
      %broadcast_in_dim3A_1116 = arith.constant 0.000000e+00 : f32
      %broadcast_in_dim3A_1117 = vector.broadcast %broadcast_in_dim3A_1116 : f32 to vector<16xf32>
      %gather3A_1118 = tpu.vector_load_idx %arg10[%add3A_5, %broadcast_in_dim3A_1114] : memref<64x128xf32, #tpu.memory_space<vmem>>[vector<16xi32>, vector<16xi32>], vector<16xf32>,
      %gather3A_1119 = tpu.vector_load_idx %arg14[%add3A_5, %broadcast_in_dim3A_1115] : memref<64x128xf32, #tpu.memory_space<vmem>>[vector<16xi32>, vector<16xi32>], vector<16xf32>,
      %mul3A_1120 = arith.mulf %gather3A_1118, %gather3A_1119 : vector<16xf32>
      %add3A_1121 = arith.addf %broadcast_in_dim3A_1117, %mul3A_1120 : vector<16xf32>
      %gather3A_1122 = tpu.vector_load_idx %arg10[%add3A_8, %broadcast_in_dim3A_1114] : memref<64x128xf32, #tpu.memory_space<vmem>>[vector<16xi32>, vector<16xi32>], vector<16xf32>,
      %gather3A_1123 = tpu.vector_load_idx %arg14[%add3A_8, %broadcast_in_dim3A_1115] : memref<64x128xf32, #tpu.memory_space<vmem>>[vector<16xi32>, vector<16xi32>], vector<16xf32>,
      %mul3A_1124 = arith.mulf %gather3A_1122, %gather3A_1123 : vector<16xf32>
      %add3A_1125 = arith.addf %add3A_1121, %mul3A_1124 : vector<16xf32>
      %gather3A_1126 = tpu.vector_load_idx %arg10[%add3A_11, %broadcast_in_dim3A_1114] : memref<64x128xf32, #tpu.memory_space<vmem>>[vector<16xi32>, vector<16xi32>], vector<16xf32>,
      %gather3A_1127 = tpu.vector_load_idx %arg14[%add3A_11, %broadcast_in_dim3A_1115] : memref<64x128xf32, #tpu.memory_space<vmem>>[vector<16xi32>, vector<16xi32>], vector<16xf32>,
      %mul3A_1128 = arith.mulf %gather3A_1126, %gather3A_1127 : vector<16xf32>
      %add3A_1129 = arith.addf %add3A_1125, %mul3A_1128 : vector<16xf32>
      %gather3A_1130 = tpu.vector_load_idx %arg10[%add3A_14, %broadcast_in_dim3A_1114] : memref<64x128xf32, #tpu.memory_space<vmem>>[vector<16xi32>, vector<16xi32>], vector<16xf32>,
      %gather3A_1131 = tpu.vector_load_idx %arg14[%add3A_14, %broadcast_in_dim3A_1115] : memref<64x128xf32, #tpu.memory_space<vmem>>[vector<16xi32>, vector<16xi32>], vector<16xf32>,
      %mul3A_1132 = arith.mulf %gather3A_1130, %gather3A_1131 : vector<16xf32>
      %add3A_1133 = arith.addf %add3A_1129, %mul3A_1132 : vector<16xf32>
      %reduce_sum3A_1134 = arith.constant true
      %reduce_sum3A_1135 = vector.broadcast %reduce_sum3A_1134 : i1 to vector<16xi1>
      %reduce_sum3A_1136 = tpu.scan <sum>, %add3A_1133 masked %reduce_sum3A_1135 : vector<16xf32>, vector<16xi1> -> vector<16xf32>
      %reduce_sum3A_1137 = vector.extract %reduce_sum3A_1136[15] : f32 from vector<16xf32>
      %eq3A_1138 = arith.constant 13 : i32
      %eq3A_1139 = vector.broadcast %eq3A_1138 : i32 to vector<16xi32>
      %eq3A_1140 = arith.cmpi eq, %iota3A, %eq3A_1139 : vector<16xi32>
      %broadcast_in_dim3A_1141 = vector.broadcast %reduce_sum3A_1137 : f32 to vector<16xf32>
      %select_n3A_1142 = arith.select %eq3A_1140, %broadcast_in_dim3A_1141, %select_n3A_1071 : vector<16xi1>, vector<16xf32>
      %slice3A_1143 = vector.extract_strided_slice %get3A_170 {offsets = [1], sizes = [1], strides = [1]} : vector<16xi32> to vector<1xi32>
      %squeeze3A_1144 = vector.extract %slice3A_1143[0] : i32 from vector<1xi32>
      %slice3A_1145 = vector.extract_strided_slice %get3A_174 {offsets = [1], sizes = [1], strides = [1]} : vector<16xi32> to vector<1xi32>
      %squeeze3A_1146 = vector.extract %slice3A_1145[0] : i32 from vector<1xi32>
      %shift_right_arithmetic3A_1147 = arith.constant 7 : i32
      %shift_right_arithmetic3A_1148 = arith.shrsi %squeeze3A_1144, %shift_right_arithmetic3A_1147 : i32
      %mul3A_1149 = arith.constant 128 : i32
      %mul3A_1150 = arith.muli %shift_right_arithmetic3A_1148, %mul3A_1149 : i32
      %multiple_of3A_1151 = tpu.assume_multiple %mul3A_1150, 128 : i32
      %dma_start3A_1152 = arith.constant 0 : i32
      %dma_start3A_1153 = tpu.memref_slice %arg4[%dma_start3A_1152, %multiple_of3A_1151] : memref<64x1000000xf32, #tpu.memory_space<hbm>> -> memref<64x128xf32, #tpu.memory_space<hbm>>
      %dma_start3A_1154 = arith.constant 0 : i32
      %dma_start3A_1155 = tpu.memref_slice %arg4[%dma_start3A_1154, %multiple_of3A_1151] : memref<64x1000000xf32, #tpu.memory_space<hbm>> -> memref<64x128xf32, #tpu.memory_space<hbm>>
      tpu.enqueue_dma source(%dma_start3A_1155 : memref<64x128xf32, #tpu.memory_space<hbm>>) target(%arg10 : memref<64x128xf32, #tpu.memory_space<vmem>>) target_semaphore(%arg18 : memref<!tpu.dma_semaphore, #tpu.memory_space<semaphore_mem>>)
      %shift_right_arithmetic3A_1156 = arith.constant 7 : i32
      %shift_right_arithmetic3A_1157 = arith.shrsi %squeeze3A_1146, %shift_right_arithmetic3A_1156 : i32
      %mul3A_1158 = arith.constant 128 : i32
      %mul3A_1159 = arith.muli %shift_right_arithmetic3A_1157, %mul3A_1158 : i32
      %multiple_of3A_1160 = tpu.assume_multiple %mul3A_1159, 128 : i32
      %dma_start3A_1161 = arith.constant 0 : i32
      %dma_start3A_1162 = tpu.memref_slice %arg5[%dma_start3A_1161, %multiple_of3A_1160] : memref<64x1000000xf32, #tpu.memory_space<hbm>> -> memref<64x128xf32, #tpu.memory_space<hbm>>
      %dma_start3A_1163 = arith.constant 0 : i32
      %dma_start3A_1164 = tpu.memref_slice %arg5[%dma_start3A_1163, %multiple_of3A_1160] : memref<64x1000000xf32, #tpu.memory_space<hbm>> -> memref<64x128xf32, #tpu.memory_space<hbm>>
      tpu.enqueue_dma source(%dma_start3A_1164 : memref<64x128xf32, #tpu.memory_space<hbm>>) target(%arg14 : memref<64x128xf32, #tpu.memory_space<vmem>>) target_semaphore(%arg19 : memref<!tpu.dma_semaphore, #tpu.memory_space<semaphore_mem>>)
      %dma_wait3A_1165 = arith.constant 0 : i32
      %dma_wait3A_1166 = arith.constant 0 : i32
      %dma_wait3A_1167 = tpu.memref_slice %arg4[%dma_wait3A_1165, %dma_wait3A_1166] : memref<64x1000000xf32, #tpu.memory_space<hbm>> -> memref<64x128xf32, #tpu.memory_space<hbm>>
      %dma_wait3A_1168 = arith.constant 0 : i32
      %dma_wait3A_1169 = arith.constant 0 : i32
      %dma_wait3A_1170 = tpu.memref_slice %arg4[%dma_wait3A_1168, %dma_wait3A_1169] : memref<64x1000000xf32, #tpu.memory_space<hbm>> -> memref<64x128xf32, #tpu.memory_space<hbm>>
      tpu.wait_dma2 semaphore(%arg18 : memref<!tpu.dma_semaphore, #tpu.memory_space<semaphore_mem>>) src(%dma_wait3A_1170 : memref<64x128xf32, #tpu.memory_space<hbm>>) dst(%arg11 : memref<64x128xf32, #tpu.memory_space<vmem>>)
      %dma_wait3A_1171 = arith.constant 0 : i32
      %dma_wait3A_1172 = arith.constant 0 : i32
      %dma_wait3A_1173 = tpu.memref_slice %arg5[%dma_wait3A_1171, %dma_wait3A_1172] : memref<64x1000000xf32, #tpu.memory_space<hbm>> -> memref<64x128xf32, #tpu.memory_space<hbm>>
      %dma_wait3A_1174 = arith.constant 0 : i32
      %dma_wait3A_1175 = arith.constant 0 : i32
      %dma_wait3A_1176 = tpu.memref_slice %arg5[%dma_wait3A_1174, %dma_wait3A_1175] : memref<64x1000000xf32, #tpu.memory_space<hbm>> -> memref<64x128xf32, #tpu.memory_space<hbm>>
      tpu.wait_dma2 semaphore(%arg19 : memref<!tpu.dma_semaphore, #tpu.memory_space<semaphore_mem>>) src(%dma_wait3A_1176 : memref<64x128xf32, #tpu.memory_space<hbm>>) dst(%arg15 : memref<64x128xf32, #tpu.memory_space<vmem>>)
      %slice3A_1177 = vector.extract_strided_slice %get3A_159 {offsets = [14], sizes = [1], strides = [1]} : vector<16xi32> to vector<1xi32>
      %squeeze3A_1178 = vector.extract %slice3A_1177[0] : i32 from vector<1xi32>
      %and3A_1179 = arith.constant 127 : i32
      %and3A_1180 = arith.andi %squeeze3A_1178, %and3A_1179 : i32
      %slice3A_1181 = vector.extract_strided_slice %get3A_163 {offsets = [14], sizes = [1], strides = [1]} : vector<16xi32> to vector<1xi32>
      %squeeze3A_1182 = vector.extract %slice3A_1181[0] : i32 from vector<1xi32>
      %and3A_1183 = arith.constant 127 : i32
      %and3A_1184 = arith.andi %squeeze3A_1182, %and3A_1183 : i32
      %broadcast_in_dim3A_1185 = vector.broadcast %and3A_1180 : i32 to vector<16xi32>
      %broadcast_in_dim3A_1186 = vector.broadcast %and3A_1184 : i32 to vector<16xi32>
      %broadcast_in_dim3A_1187 = arith.constant 0.000000e+00 : f32
      %broadcast_in_dim3A_1188 = vector.broadcast %broadcast_in_dim3A_1187 : f32 to vector<16xf32>
      %gather3A_1189 = tpu.vector_load_idx %arg11[%add3A_5, %broadcast_in_dim3A_1185] : memref<64x128xf32, #tpu.memory_space<vmem>>[vector<16xi32>, vector<16xi32>], vector<16xf32>,
      %gather3A_1190 = tpu.vector_load_idx %arg15[%add3A_5, %broadcast_in_dim3A_1186] : memref<64x128xf32, #tpu.memory_space<vmem>>[vector<16xi32>, vector<16xi32>], vector<16xf32>,
      %mul3A_1191 = arith.mulf %gather3A_1189, %gather3A_1190 : vector<16xf32>
      %add3A_1192 = arith.addf %broadcast_in_dim3A_1188, %mul3A_1191 : vector<16xf32>
      %gather3A_1193 = tpu.vector_load_idx %arg11[%add3A_8, %broadcast_in_dim3A_1185] : memref<64x128xf32, #tpu.memory_space<vmem>>[vector<16xi32>, vector<16xi32>], vector<16xf32>,
      %gather3A_1194 = tpu.vector_load_idx %arg15[%add3A_8, %broadcast_in_dim3A_1186] : memref<64x128xf32, #tpu.memory_space<vmem>>[vector<16xi32>, vector<16xi32>], vector<16xf32>,
      %mul3A_1195 = arith.mulf %gather3A_1193, %gather3A_1194 : vector<16xf32>
      %add3A_1196 = arith.addf %add3A_1192, %mul3A_1195 : vector<16xf32>
      %gather3A_1197 = tpu.vector_load_idx %arg11[%add3A_11, %broadcast_in_dim3A_1185] : memref<64x128xf32, #tpu.memory_space<vmem>>[vector<16xi32>, vector<16xi32>], vector<16xf32>,
      %gather3A_1198 = tpu.vector_load_idx %arg15[%add3A_11, %broadcast_in_dim3A_1186] : memref<64x128xf32, #tpu.memory_space<vmem>>[vector<16xi32>, vector<16xi32>], vector<16xf32>,
      %mul3A_1199 = arith.mulf %gather3A_1197, %gather3A_1198 : vector<16xf32>
      %add3A_1200 = arith.addf %add3A_1196, %mul3A_1199 : vector<16xf32>
      %gather3A_1201 = tpu.vector_load_idx %arg11[%add3A_14, %broadcast_in_dim3A_1185] : memref<64x128xf32, #tpu.memory_space<vmem>>[vector<16xi32>, vector<16xi32>], vector<16xf32>,
      %gather3A_1202 = tpu.vector_load_idx %arg15[%add3A_14, %broadcast_in_dim3A_1186] : memref<64x128xf32, #tpu.memory_space<vmem>>[vector<16xi32>, vector<16xi32>], vector<16xf32>,
      %mul3A_1203 = arith.mulf %gather3A_1201, %gather3A_1202 : vector<16xf32>
      %add3A_1204 = arith.addf %add3A_1200, %mul3A_1203 : vector<16xf32>
      %reduce_sum3A_1205 = arith.constant true
      %reduce_sum3A_1206 = vector.broadcast %reduce_sum3A_1205 : i1 to vector<16xi1>
      %reduce_sum3A_1207 = tpu.scan <sum>, %add3A_1204 masked %reduce_sum3A_1206 : vector<16xf32>, vector<16xi1> -> vector<16xf32>
      %reduce_sum3A_1208 = vector.extract %reduce_sum3A_1207[15] : f32 from vector<16xf32>
      %eq3A_1209 = arith.constant 14 : i32
      %eq3A_1210 = vector.broadcast %eq3A_1209 : i32 to vector<16xi32>
      %eq3A_1211 = arith.cmpi eq, %iota3A, %eq3A_1210 : vector<16xi32>
      %broadcast_in_dim3A_1212 = vector.broadcast %reduce_sum3A_1208 : f32 to vector<16xf32>
      %select_n3A_1213 = arith.select %eq3A_1211, %broadcast_in_dim3A_1212, %select_n3A_1142 : vector<16xi1>, vector<16xf32>
      %slice3A_1214 = vector.extract_strided_slice %get3A_170 {offsets = [2], sizes = [1], strides = [1]} : vector<16xi32> to vector<1xi32>
      %squeeze3A_1215 = vector.extract %slice3A_1214[0] : i32 from vector<1xi32>
      %slice3A_1216 = vector.extract_strided_slice %get3A_174 {offsets = [2], sizes = [1], strides = [1]} : vector<16xi32> to vector<1xi32>
      %squeeze3A_1217 = vector.extract %slice3A_1216[0] : i32 from vector<1xi32>
      %shift_right_arithmetic3A_1218 = arith.constant 7 : i32
      %shift_right_arithmetic3A_1219 = arith.shrsi %squeeze3A_1215, %shift_right_arithmetic3A_1218 : i32
      %mul3A_1220 = arith.constant 128 : i32
      %mul3A_1221 = arith.muli %shift_right_arithmetic3A_1219, %mul3A_1220 : i32
      %multiple_of3A_1222 = tpu.assume_multiple %mul3A_1221, 128 : i32
      %dma_start3A_1223 = arith.constant 0 : i32
      %dma_start3A_1224 = tpu.memref_slice %arg4[%dma_start3A_1223, %multiple_of3A_1222] : memref<64x1000000xf32, #tpu.memory_space<hbm>> -> memref<64x128xf32, #tpu.memory_space<hbm>>
      %dma_start3A_1225 = arith.constant 0 : i32
      %dma_start3A_1226 = tpu.memref_slice %arg4[%dma_start3A_1225, %multiple_of3A_1222] : memref<64x1000000xf32, #tpu.memory_space<hbm>> -> memref<64x128xf32, #tpu.memory_space<hbm>>
      tpu.enqueue_dma source(%dma_start3A_1226 : memref<64x128xf32, #tpu.memory_space<hbm>>) target(%arg11 : memref<64x128xf32, #tpu.memory_space<vmem>>) target_semaphore(%arg18 : memref<!tpu.dma_semaphore, #tpu.memory_space<semaphore_mem>>)
      %shift_right_arithmetic3A_1227 = arith.constant 7 : i32
      %shift_right_arithmetic3A_1228 = arith.shrsi %squeeze3A_1217, %shift_right_arithmetic3A_1227 : i32
      %mul3A_1229 = arith.constant 128 : i32
      %mul3A_1230 = arith.muli %shift_right_arithmetic3A_1228, %mul3A_1229 : i32
      %multiple_of3A_1231 = tpu.assume_multiple %mul3A_1230, 128 : i32
      %dma_start3A_1232 = arith.constant 0 : i32
      %dma_start3A_1233 = tpu.memref_slice %arg5[%dma_start3A_1232, %multiple_of3A_1231] : memref<64x1000000xf32, #tpu.memory_space<hbm>> -> memref<64x128xf32, #tpu.memory_space<hbm>>
      %dma_start3A_1234 = arith.constant 0 : i32
      %dma_start3A_1235 = tpu.memref_slice %arg5[%dma_start3A_1234, %multiple_of3A_1231] : memref<64x1000000xf32, #tpu.memory_space<hbm>> -> memref<64x128xf32, #tpu.memory_space<hbm>>
      tpu.enqueue_dma source(%dma_start3A_1235 : memref<64x128xf32, #tpu.memory_space<hbm>>) target(%arg15 : memref<64x128xf32, #tpu.memory_space<vmem>>) target_semaphore(%arg19 : memref<!tpu.dma_semaphore, #tpu.memory_space<semaphore_mem>>)
      %dma_wait3A_1236 = arith.constant 0 : i32
      %dma_wait3A_1237 = arith.constant 0 : i32
      %dma_wait3A_1238 = tpu.memref_slice %arg4[%dma_wait3A_1236, %dma_wait3A_1237] : memref<64x1000000xf32, #tpu.memory_space<hbm>> -> memref<64x128xf32, #tpu.memory_space<hbm>>
      %dma_wait3A_1239 = arith.constant 0 : i32
      %dma_wait3A_1240 = arith.constant 0 : i32
      %dma_wait3A_1241 = tpu.memref_slice %arg4[%dma_wait3A_1239, %dma_wait3A_1240] : memref<64x1000000xf32, #tpu.memory_space<hbm>> -> memref<64x128xf32, #tpu.memory_space<hbm>>
      tpu.wait_dma2 semaphore(%arg18 : memref<!tpu.dma_semaphore, #tpu.memory_space<semaphore_mem>>) src(%dma_wait3A_1241 : memref<64x128xf32, #tpu.memory_space<hbm>>) dst(%arg12 : memref<64x128xf32, #tpu.memory_space<vmem>>)
      %dma_wait3A_1242 = arith.constant 0 : i32
      %dma_wait3A_1243 = arith.constant 0 : i32
      %dma_wait3A_1244 = tpu.memref_slice %arg5[%dma_wait3A_1242, %dma_wait3A_1243] : memref<64x1000000xf32, #tpu.memory_space<hbm>> -> memref<64x128xf32, #tpu.memory_space<hbm>>
      %dma_wait3A_1245 = arith.constant 0 : i32
      %dma_wait3A_1246 = arith.constant 0 : i32
      %dma_wait3A_1247 = tpu.memref_slice %arg5[%dma_wait3A_1245, %dma_wait3A_1246] : memref<64x1000000xf32, #tpu.memory_space<hbm>> -> memref<64x128xf32, #tpu.memory_space<hbm>>
      tpu.wait_dma2 semaphore(%arg19 : memref<!tpu.dma_semaphore, #tpu.memory_space<semaphore_mem>>) src(%dma_wait3A_1247 : memref<64x128xf32, #tpu.memory_space<hbm>>) dst(%arg16 : memref<64x128xf32, #tpu.memory_space<vmem>>)
      %slice3A_1248 = vector.extract_strided_slice %get3A_159 {offsets = [15], sizes = [1], strides = [1]} : vector<16xi32> to vector<1xi32>
      %squeeze3A_1249 = vector.extract %slice3A_1248[0] : i32 from vector<1xi32>
      %and3A_1250 = arith.constant 127 : i32
      %and3A_1251 = arith.andi %squeeze3A_1249, %and3A_1250 : i32
      %slice3A_1252 = vector.extract_strided_slice %get3A_163 {offsets = [15], sizes = [1], strides = [1]} : vector<16xi32> to vector<1xi32>
      %squeeze3A_1253 = vector.extract %slice3A_1252[0] : i32 from vector<1xi32>
      %and3A_1254 = arith.constant 127 : i32
      %and3A_1255 = arith.andi %squeeze3A_1253, %and3A_1254 : i32
      %broadcast_in_dim3A_1256 = vector.broadcast %and3A_1251 : i32 to vector<16xi32>
      %broadcast_in_dim3A_1257 = vector.broadcast %and3A_1255 : i32 to vector<16xi32>
      %broadcast_in_dim3A_1258 = arith.constant 0.000000e+00 : f32
      %broadcast_in_dim3A_1259 = vector.broadcast %broadcast_in_dim3A_1258 : f32 to vector<16xf32>
      %gather3A_1260 = tpu.vector_load_idx %arg12[%add3A_5, %broadcast_in_dim3A_1256] : memref<64x128xf32, #tpu.memory_space<vmem>>[vector<16xi32>, vector<16xi32>], vector<16xf32>,
      %gather3A_1261 = tpu.vector_load_idx %arg16[%add3A_5, %broadcast_in_dim3A_1257] : memref<64x128xf32, #tpu.memory_space<vmem>>[vector<16xi32>, vector<16xi32>], vector<16xf32>,
      %mul3A_1262 = arith.mulf %gather3A_1260, %gather3A_1261 : vector<16xf32>
      %add3A_1263 = arith.addf %broadcast_in_dim3A_1259, %mul3A_1262 : vector<16xf32>
      %gather3A_1264 = tpu.vector_load_idx %arg12[%add3A_8, %broadcast_in_dim3A_1256] : memref<64x128xf32, #tpu.memory_space<vmem>>[vector<16xi32>, vector<16xi32>], vector<16xf32>,
      %gather3A_1265 = tpu.vector_load_idx %arg16[%add3A_8, %broadcast_in_dim3A_1257] : memref<64x128xf32, #tpu.memory_space<vmem>>[vector<16xi32>, vector<16xi32>], vector<16xf32>,
      %mul3A_1266 = arith.mulf %gather3A_1264, %gather3A_1265 : vector<16xf32>
      %add3A_1267 = arith.addf %add3A_1263, %mul3A_1266 : vector<16xf32>
      %gather3A_1268 = tpu.vector_load_idx %arg12[%add3A_11, %broadcast_in_dim3A_1256] : memref<64x128xf32, #tpu.memory_space<vmem>>[vector<16xi32>, vector<16xi32>], vector<16xf32>,
      %gather3A_1269 = tpu.vector_load_idx %arg16[%add3A_11, %broadcast_in_dim3A_1257] : memref<64x128xf32, #tpu.memory_space<vmem>>[vector<16xi32>, vector<16xi32>], vector<16xf32>,
      %mul3A_1270 = arith.mulf %gather3A_1268, %gather3A_1269 : vector<16xf32>
      %add3A_1271 = arith.addf %add3A_1267, %mul3A_1270 : vector<16xf32>
      %gather3A_1272 = tpu.vector_load_idx %arg12[%add3A_14, %broadcast_in_dim3A_1256] : memref<64x128xf32, #tpu.memory_space<vmem>>[vector<16xi32>, vector<16xi32>], vector<16xf32>,
      %gather3A_1273 = tpu.vector_load_idx %arg16[%add3A_14, %broadcast_in_dim3A_1257] : memref<64x128xf32, #tpu.memory_space<vmem>>[vector<16xi32>, vector<16xi32>], vector<16xf32>,
      %mul3A_1274 = arith.mulf %gather3A_1272, %gather3A_1273 : vector<16xf32>
      %add3A_1275 = arith.addf %add3A_1271, %mul3A_1274 : vector<16xf32>
      %reduce_sum3A_1276 = arith.constant true
      %reduce_sum3A_1277 = vector.broadcast %reduce_sum3A_1276 : i1 to vector<16xi1>
      %reduce_sum3A_1278 = tpu.scan <sum>, %add3A_1275 masked %reduce_sum3A_1277 : vector<16xf32>, vector<16xi1> -> vector<16xf32>
      %reduce_sum3A_1279 = vector.extract %reduce_sum3A_1278[15] : f32 from vector<16xf32>
      %eq3A_1280 = arith.constant 15 : i32
      %eq3A_1281 = vector.broadcast %eq3A_1280 : i32 to vector<16xi32>
      %eq3A_1282 = arith.cmpi eq, %iota3A, %eq3A_1281 : vector<16xi32>
      %broadcast_in_dim3A_1283 = vector.broadcast %reduce_sum3A_1279 : f32 to vector<16xf32>
      %select_n3A_1284 = arith.select %eq3A_1282, %broadcast_in_dim3A_1283, %select_n3A_1213 : vector<16xi1>, vector<16xf32>
      %slice3A_1285 = vector.extract_strided_slice %get3A_170 {offsets = [3], sizes = [1], strides = [1]} : vector<16xi32> to vector<1xi32>
      %squeeze3A_1286 = vector.extract %slice3A_1285[0] : i32 from vector<1xi32>
      %slice3A_1287 = vector.extract_strided_slice %get3A_174 {offsets = [3], sizes = [1], strides = [1]} : vector<16xi32> to vector<1xi32>
      %squeeze3A_1288 = vector.extract %slice3A_1287[0] : i32 from vector<1xi32>
      %shift_right_arithmetic3A_1289 = arith.constant 7 : i32
      %shift_right_arithmetic3A_1290 = arith.shrsi %squeeze3A_1286, %shift_right_arithmetic3A_1289 : i32
      %mul3A_1291 = arith.constant 128 : i32
      %mul3A_1292 = arith.muli %shift_right_arithmetic3A_1290, %mul3A_1291 : i32
      %multiple_of3A_1293 = tpu.assume_multiple %mul3A_1292, 128 : i32
      %dma_start3A_1294 = arith.constant 0 : i32
      %dma_start3A_1295 = tpu.memref_slice %arg4[%dma_start3A_1294, %multiple_of3A_1293] : memref<64x1000000xf32, #tpu.memory_space<hbm>> -> memref<64x128xf32, #tpu.memory_space<hbm>>
      %dma_start3A_1296 = arith.constant 0 : i32
      %dma_start3A_1297 = tpu.memref_slice %arg4[%dma_start3A_1296, %multiple_of3A_1293] : memref<64x1000000xf32, #tpu.memory_space<hbm>> -> memref<64x128xf32, #tpu.memory_space<hbm>>
      tpu.enqueue_dma source(%dma_start3A_1297 : memref<64x128xf32, #tpu.memory_space<hbm>>) target(%arg12 : memref<64x128xf32, #tpu.memory_space<vmem>>) target_semaphore(%arg18 : memref<!tpu.dma_semaphore, #tpu.memory_space<semaphore_mem>>)
      %shift_right_arithmetic3A_1298 = arith.constant 7 : i32
      %shift_right_arithmetic3A_1299 = arith.shrsi %squeeze3A_1288, %shift_right_arithmetic3A_1298 : i32
      %mul3A_1300 = arith.constant 128 : i32
      %mul3A_1301 = arith.muli %shift_right_arithmetic3A_1299, %mul3A_1300 : i32
      %multiple_of3A_1302 = tpu.assume_multiple %mul3A_1301, 128 : i32
      %dma_start3A_1303 = arith.constant 0 : i32
      %dma_start3A_1304 = tpu.memref_slice %arg5[%dma_start3A_1303, %multiple_of3A_1302] : memref<64x1000000xf32, #tpu.memory_space<hbm>> -> memref<64x128xf32, #tpu.memory_space<hbm>>
      %dma_start3A_1305 = arith.constant 0 : i32
      %dma_start3A_1306 = tpu.memref_slice %arg5[%dma_start3A_1305, %multiple_of3A_1302] : memref<64x1000000xf32, #tpu.memory_space<hbm>> -> memref<64x128xf32, #tpu.memory_space<hbm>>
      tpu.enqueue_dma source(%dma_start3A_1306 : memref<64x128xf32, #tpu.memory_space<hbm>>) target(%arg16 : memref<64x128xf32, #tpu.memory_space<vmem>>) target_semaphore(%arg19 : memref<!tpu.dma_semaphore, #tpu.memory_space<semaphore_mem>>)
      %mul3A_1307 = arith.constant 16 : i32
      %mul3A_1308 = arith.muli %scan3A_154, %mul3A_1307 : i32
      %swap3A = arith.index_cast %mul3A_1308 : i32 to index
      %swap3A_1309 = tpu.vector_load %arg17[%swap3A] {strides = array<i32>} : memref<512xf32, #tpu.memory_space<vmem>>, vector<16xf32>,
      tpu.vector_store %arg17[%swap3A], %select_n3A_1284 {strides = array<i32>} : memref<512xf32, #tpu.memory_space<vmem>>, vector<16xf32>,
      %scan3A_1310 = arith.constant 0 : i32
      scf.yield %scan3A_1310 : i32
    }
    %scan3A_106 = arith.constant 32 : i32
    %dma_wait3A = arith.constant 0 : i32
    %dma_wait3A_107 = arith.constant 0 : i32
    %dma_wait3A_108 = tpu.memref_slice %arg4[%dma_wait3A, %dma_wait3A_107] : memref<64x1000000xf32, #tpu.memory_space<hbm>> -> memref<64x128xf32, #tpu.memory_space<hbm>>
    %dma_wait3A_109 = arith.constant 0 : i32
    %dma_wait3A_110 = arith.constant 0 : i32
    %dma_wait3A_111 = tpu.memref_slice %arg4[%dma_wait3A_109, %dma_wait3A_110] : memref<64x1000000xf32, #tpu.memory_space<hbm>> -> memref<64x128xf32, #tpu.memory_space<hbm>>
    tpu.wait_dma2 semaphore(%arg18 : memref<!tpu.dma_semaphore, #tpu.memory_space<semaphore_mem>>) src(%dma_wait3A_111 : memref<64x128xf32, #tpu.memory_space<hbm>>) dst(%arg9 : memref<64x128xf32, #tpu.memory_space<vmem>>)
    %dma_wait3A_112 = arith.constant 0 : i32
    %dma_wait3A_113 = arith.constant 0 : i32
    %dma_wait3A_114 = tpu.memref_slice %arg5[%dma_wait3A_112, %dma_wait3A_113] : memref<64x1000000xf32, #tpu.memory_space<hbm>> -> memref<64x128xf32, #tpu.memory_space<hbm>>
    %dma_wait3A_115 = arith.constant 0 : i32
    %dma_wait3A_116 = arith.constant 0 : i32
    %dma_wait3A_117 = tpu.memref_slice %arg5[%dma_wait3A_115, %dma_wait3A_116] : memref<64x1000000xf32, #tpu.memory_space<hbm>> -> memref<64x128xf32, #tpu.memory_space<hbm>>
    tpu.wait_dma2 semaphore(%arg19 : memref<!tpu.dma_semaphore, #tpu.memory_space<semaphore_mem>>) src(%dma_wait3A_117 : memref<64x128xf32, #tpu.memory_space<hbm>>) dst(%arg13 : memref<64x128xf32, #tpu.memory_space<vmem>>)
    %dma_wait3A_118 = arith.constant 0 : i32
    %dma_wait3A_119 = arith.constant 0 : i32
    %dma_wait3A_120 = tpu.memref_slice %arg4[%dma_wait3A_118, %dma_wait3A_119] : memref<64x1000000xf32, #tpu.memory_space<hbm>> -> memref<64x128xf32, #tpu.memory_space<hbm>>
    %dma_wait3A_121 = arith.constant 0 : i32
    %dma_wait3A_122 = arith.constant 0 : i32
    %dma_wait3A_123 = tpu.memref_slice %arg4[%dma_wait3A_121, %dma_wait3A_122] : memref<64x1000000xf32, #tpu.memory_space<hbm>> -> memref<64x128xf32, #tpu.memory_space<hbm>>
    tpu.wait_dma2 semaphore(%arg18 : memref<!tpu.dma_semaphore, #tpu.memory_space<semaphore_mem>>) src(%dma_wait3A_123 : memref<64x128xf32, #tpu.memory_space<hbm>>) dst(%arg10 : memref<64x128xf32, #tpu.memory_space<vmem>>)
    %dma_wait3A_124 = arith.constant 0 : i32
    %dma_wait3A_125 = arith.constant 0 : i32
    %dma_wait3A_126 = tpu.memref_slice %arg5[%dma_wait3A_124, %dma_wait3A_125] : memref<64x1000000xf32, #tpu.memory_space<hbm>> -> memref<64x128xf32, #tpu.memory_space<hbm>>
    %dma_wait3A_127 = arith.constant 0 : i32
    %dma_wait3A_128 = arith.constant 0 : i32
    %dma_wait3A_129 = tpu.memref_slice %arg5[%dma_wait3A_127, %dma_wait3A_128] : memref<64x1000000xf32, #tpu.memory_space<hbm>> -> memref<64x128xf32, #tpu.memory_space<hbm>>
    tpu.wait_dma2 semaphore(%arg19 : memref<!tpu.dma_semaphore, #tpu.memory_space<semaphore_mem>>) src(%dma_wait3A_129 : memref<64x128xf32, #tpu.memory_space<hbm>>) dst(%arg14 : memref<64x128xf32, #tpu.memory_space<vmem>>)
    %dma_wait3A_130 = arith.constant 0 : i32
    %dma_wait3A_131 = arith.constant 0 : i32
    %dma_wait3A_132 = tpu.memref_slice %arg4[%dma_wait3A_130, %dma_wait3A_131] : memref<64x1000000xf32, #tpu.memory_space<hbm>> -> memref<64x128xf32, #tpu.memory_space<hbm>>
    %dma_wait3A_133 = arith.constant 0 : i32
    %dma_wait3A_134 = arith.constant 0 : i32
    %dma_wait3A_135 = tpu.memref_slice %arg4[%dma_wait3A_133, %dma_wait3A_134] : memref<64x1000000xf32, #tpu.memory_space<hbm>> -> memref<64x128xf32, #tpu.memory_space<hbm>>
    tpu.wait_dma2 semaphore(%arg18 : memref<!tpu.dma_semaphore, #tpu.memory_space<semaphore_mem>>) src(%dma_wait3A_135 : memref<64x128xf32, #tpu.memory_space<hbm>>) dst(%arg11 : memref<64x128xf32, #tpu.memory_space<vmem>>)
    %dma_wait3A_136 = arith.constant 0 : i32
    %dma_wait3A_137 = arith.constant 0 : i32
    %dma_wait3A_138 = tpu.memref_slice %arg5[%dma_wait3A_136, %dma_wait3A_137] : memref<64x1000000xf32, #tpu.memory_space<hbm>> -> memref<64x128xf32, #tpu.memory_space<hbm>>
    %dma_wait3A_139 = arith.constant 0 : i32
    %dma_wait3A_140 = arith.constant 0 : i32
    %dma_wait3A_141 = tpu.memref_slice %arg5[%dma_wait3A_139, %dma_wait3A_140] : memref<64x1000000xf32, #tpu.memory_space<hbm>> -> memref<64x128xf32, #tpu.memory_space<hbm>>
    tpu.wait_dma2 semaphore(%arg19 : memref<!tpu.dma_semaphore, #tpu.memory_space<semaphore_mem>>) src(%dma_wait3A_141 : memref<64x128xf32, #tpu.memory_space<hbm>>) dst(%arg15 : memref<64x128xf32, #tpu.memory_space<vmem>>)
    %dma_wait3A_142 = arith.constant 0 : i32
    %dma_wait3A_143 = arith.constant 0 : i32
    %dma_wait3A_144 = tpu.memref_slice %arg4[%dma_wait3A_142, %dma_wait3A_143] : memref<64x1000000xf32, #tpu.memory_space<hbm>> -> memref<64x128xf32, #tpu.memory_space<hbm>>
    %dma_wait3A_145 = arith.constant 0 : i32
    %dma_wait3A_146 = arith.constant 0 : i32
    %dma_wait3A_147 = tpu.memref_slice %arg4[%dma_wait3A_145, %dma_wait3A_146] : memref<64x1000000xf32, #tpu.memory_space<hbm>> -> memref<64x128xf32, #tpu.memory_space<hbm>>
    tpu.wait_dma2 semaphore(%arg18 : memref<!tpu.dma_semaphore, #tpu.memory_space<semaphore_mem>>) src(%dma_wait3A_147 : memref<64x128xf32, #tpu.memory_space<hbm>>) dst(%arg12 : memref<64x128xf32, #tpu.memory_space<vmem>>)
    %dma_wait3A_148 = arith.constant 0 : i32
    %dma_wait3A_149 = arith.constant 0 : i32
    %dma_wait3A_150 = tpu.memref_slice %arg5[%dma_wait3A_148, %dma_wait3A_149] : memref<64x1000000xf32, #tpu.memory_space<hbm>> -> memref<64x128xf32, #tpu.memory_space<hbm>>
    %dma_wait3A_151 = arith.constant 0 : i32
    %dma_wait3A_152 = arith.constant 0 : i32
    %dma_wait3A_153 = tpu.memref_slice %arg5[%dma_wait3A_151, %dma_wait3A_152] : memref<64x1000000xf32, #tpu.memory_space<hbm>> -> memref<64x128xf32, #tpu.memory_space<hbm>>
    tpu.wait_dma2 semaphore(%arg19 : memref<!tpu.dma_semaphore, #tpu.memory_space<semaphore_mem>>) src(%dma_wait3A_153 : memref<64x128xf32, #tpu.memory_space<hbm>>) dst(%arg16 : memref<64x128xf32, #tpu.memory_space<vmem>>)
    "tpu.region"() ({
      %run_scoped3A = tpu.sem_alloc : memref<!tpu.dma_semaphore, #tpu.memory_space<semaphore_mem>>
      %dma_start3A_154 = tpu.memref_slice %arg6[%mul3A_2] : memref<16384xf32, #tpu.memory_space<hbm>> -> memref<512xf32, #tpu.memory_space<hbm>>
      %dma_start3A_155 = tpu.memref_slice %arg6[%mul3A_2] : memref<16384xf32, #tpu.memory_space<hbm>> -> memref<512xf32, #tpu.memory_space<hbm>>
      tpu.enqueue_dma source(%arg17 : memref<512xf32, #tpu.memory_space<vmem>>) target(%dma_start3A_155 : memref<512xf32, #tpu.memory_space<hbm>>) target_semaphore(%run_scoped3A : memref<!tpu.dma_semaphore, #tpu.memory_space<semaphore_mem>>)
      %dma_wait3A_156 = tpu.memref_slice %arg6[%mul3A_2] : memref<16384xf32, #tpu.memory_space<hbm>> -> memref<512xf32, #tpu.memory_space<hbm>>
      %dma_wait3A_157 = tpu.memref_slice %arg6[%mul3A_2] : memref<16384xf32, #tpu.memory_space<hbm>> -> memref<512xf32, #tpu.memory_space<hbm>>
      tpu.wait_dma2 semaphore(%run_scoped3A : memref<!tpu.dma_semaphore, #tpu.memory_space<semaphore_mem>>) src(%arg17 : memref<512xf32, #tpu.memory_space<vmem>>) dst(%dma_wait3A_157 : memref<512xf32, #tpu.memory_space<hbm>>)
      tpu.yield
    }) : () -> ()
    return
  }
}

</mosaic_0001>

<sc_bundles>
// kernel: kernel.3.cloned.1.call-start
scs
__scs_entry_jumppad:
0x0: {  	(pc) =	sbr.rel $0x88, $3  }
0x1: {  	(tag) =	ssettag $0x0;
	lr =	simm.s32 $0x1  }
0x2: {  	[smem:$0x3F9D] =	sst lr;
	_ =	strace $0xD0000000  }
0x3: {  	_ = 	snop  }
0x4: {  	_ = 	snop  }
0x5: {  	_ = 	snop  }
0x6: {  	_ = 	snop  }
0x7: {  	_ = 	snop  }
__scs_overlays_trampoline_lowered:
0x8: {  	[smem:$0x3FAC] =	sst s0  }
0x9: {  	[smem:$0x3FAD] =	sst s1  }
0xa: {  	[smem:$0x3FAE] =	sst s2  }
0xb: {  	[smem:$0x3FAF] =	sst s3  }
0xc: {  	[smem:$0x3FB0] =	sst s4  }
0xd: {  	[smem:$0x3FB1] =	sst s5  }
0xe: {  	[smem:$0x3FB2] =	sst s6  }
0xf: {  	[smem:$0x3FB3] =	sst s7  }
0x10: {  	[smem:$0x3FB4] =	sst s8  }
0x11: {  	[smem:$0x3FB5] =	sst s9;
	s0 =	simm.s32 @!p0 $0x0  }
0x12: {  	s1 =	sld [smem:$0x3F9B];
	s0 =	simm.s32 @p0 $0x1  }
0x13: {  	[smem:$0x3FB6] =	sst s0;
	s0 =	simm.s32 @!p1 $0x0  }
0x14: {  	s2 =	sld [smem:$0x3F9A];
	s0 =	simm.s32 @p1 $0x1  }
0x15: {  	[smem:$0x3FB7] =	sst s0;
	s0 =	simm.s32 @!p2 $0x0  }
0x16: {  	s3 =	sld [smem:$0x3FDB];
	s0 =	simm.s32 @p2 $0x1  }
0x17: {  	s4 =	simm.s32 $0x1BF5;
	[smem:$0x3FB9] =	sst s0  }
0x18: {  	s0 =	sld [smem:$0x3F9C];
	_ =	swait.ge [sflag:s4], $0x0  }
0x19: {  	s7 =	sld [smem:$0x3F9D]  }
0x1a: {  	s8 =	sadd.s32 $0xFFFFE003, lr  }
0x1b: {  	s9 =	sadd.s32 $0xFFFFFEF7, lr;
	s5 =	simm.s32 $0xFFFFFFFF;
	p2 =	slt.u32 s8, $0xFFFFF086  }
0x1c: {  	p1 =	slt.u32 s9, $0xF7A;
	s5 =	simm.s32 @!p2 $0x0  }
0x1d: {  	s5 =	simm.s32 @p1 $0x1;
	p0 =	seq.s32 s7, s2  }
0x1e: {  	s7 =	smul.u32 @!p0 $0xF7A, s2;
	p2 =	seq.s32 @!p0 s5, $0x0  }
0x1f: {  	s9 =	smul.u32 $0xF7A, s1;
	s8 =	simm.s32 @!p0 $0x1BF5;
	p2 =	por !p2, p0  }
0x20: {  	[sflag:s8] =	ssyncset.s32 @!p0 $0xFFFFF086;
	s6 =	sadd.s32 @!p0 s3, s7;
	s7 =	simm.s32 @!p0 $0x108  }
0x21: {  	s3 =	sadd.s32 s3, s9;
	s6 =	sadd.s32 @!p0 $0x88, s6;
	s7 =	simm.s32 @p2 $0x1082  }
0x22: {  	[simem:s7], [sflag:s8] =	dma.local @!p0 [hbm:s6], $0xF7A  }
0x23: {  	s9 =	sor.u32 $0xD0000000, s2;
	s6 =	simm.s32 $0x108;
	_ =	swait.ge @!p0 [sflag:s8], $0x0  }
0x24: {  	s3 =	sadd.s32 $0x88, s3;
	s6 =	simm.s32 @!p1 $0x1082;
	[sflag:s4] =	ssyncset.s32 $0xFFFFF086  }
0x25: {  	[simem:s6], [sflag:s4] =	dma.local [hbm:s3], $0xF7A  }
0x26: {  	[smem:$0x3F9D] =	sst s1;
	(tag) =	ssettag s2;
	_ =	strace s9  }
0x27: {  	s1 =	sld [smem:$0x3FAD]  }
0x28: {  	s2 =	sld [smem:$0x3FAE]  }
0x29: {  	s4 =	sld [smem:$0x3FB0]  }
0x2a: {  	p0 =	seq.s32 s5, $0x0;
	s5 =	sld [smem:$0x3FB1]  }
0x2b: {  	s6 =	sld [smem:$0x3FB2]  }
0x2c: {  	s7 =	sld [smem:$0x3FB3]  }
0x2d: {  	s3 =	simm.s32 $0x108;
	s8 =	sld [smem:$0x3FB4]  }
0x2e: {  	s3 =	simm.s32 @!p0 $0x1082;
	s9 =	sld [smem:$0x3FB5]  }
0x2f: {  	lr =	sadd.s32 s0, s3;
	s0 =	sld [smem:$0x3FAC]  }
0x30: {  	s3 =	sld [smem:$0x3FAF]  }
0x31: {  	[smem:$0x3FB8] =	sst s10  }
0x32: {  	s10 =	sld [smem:$0x3FB6];
	_ =	sdelay $0x3  }
0x33: {  	p0 =	seq.s32 s10, $0x1;
	s10 =	sld [smem:$0x3FB8];
	_ =	sdelay $0x3  }
0x34: {  	[smem:$0x3FB8] =	sst s10  }
0x35: {  	s10 =	sld [smem:$0x3FB7];
	_ =	sdelay $0x3  }
0x36: {  	p1 =	seq.s32 s10, $0x1;
	s10 =	sld [smem:$0x3FB8];
	_ =	sdelay $0x3  }
0x37: {  	[smem:$0x3FB8] =	sst s10  }
0x38: {  	s10 =	sld [smem:$0x3FB9]  }
0x39: {  	_ = 	snop;
	(pc) =	sbr.ind lr, $3  }
0x3a: {  	_ = 	snop  }
0x3b: {  	_ = 	snop  }
0x3c: {  	p2 =	seq.s32 s10, $0x1;
	s10 =	sld [smem:$0x3FB8]  }
0x3d: {  	_ =	shalt  }
0x3e: {  	_ =	shalt  }
0x3f: {  	_ =	shalt  }
0x40: {  	_ =	shalt  }
0x41: {  	_ =	shalt  }
0x42: {  	_ =	shalt  }
0x43: {  	_ =	shalt  }
0x44: {  	_ =	shalt  }
0x45: {  	_ =	shalt  }
0x46: {  	_ =	shalt  }
0x47: {  	_ =	shalt  }
0x48: {  	_ =	shalt  }
0x49: {  	_ =	shalt  }
0x4a: {  	_ =	shalt  }
0x4b: {  	_ =	shalt  }
0x4c: {  	_ =	shalt  }
0x4d: {  	_ =	shalt  }
0x4e: {  	_ =	shalt  }
0x4f: {  	_ =	shalt  }
0x50: {  	_ =	shalt  }
0x51: {  	_ =	shalt  }
0x52: {  	_ =	shalt  }
0x53: {  	_ =	shalt  }
0x54: {  	_ =	shalt  }
0x55: {  	_ =	shalt  }
0x56: {  	_ =	shalt  }
0x57: {  	_ =	shalt  }
0x58: {  	_ =	shalt  }
0x59: {  	_ =	shalt  }
0x5a: {  	_ =	shalt  }
0x5b: {  	_ =	shalt  }
0x5c: {  	_ =	shalt  }
0x5d: {  	_ =	shalt  }
0x5e: {  	_ =	shalt  }
0x5f: {  	_ =	shalt  }
0x60: {  	_ =	shalt  }
0x61: {  	_ =	shalt  }
0x62: {  	_ =	shalt  }
0x63: {  	_ =	shalt  }
0x64: {  	_ =	shalt  }
0x65: {  	_ =	shalt  }
0x66: {  	_ =	shalt  }
0x67: {  	_ =	shalt  }
0x68: {  	_ =	shalt  }
0x69: {  	_ =	shalt  }
0x6a: {  	_ =	shalt  }
0x6b: {  	_ =	shalt  }
0x6c: {  	_ =	shalt  }
0x6d: {  	_ =	shalt  }
0x6e: {  	_ =	shalt  }
0x6f: {  	_ =	shalt  }
0x70: {  	_ =	shalt  }
0x71: {  	_ =	shalt  }
0x72: {  	_ =	shalt  }
0x73: {  	_ =	shalt  }
0x74: {  	_ =	shalt  }
0x75: {  	_ =	shalt  }
0x76: {  	_ =	shalt  }
0x77: {  	_ =	shalt  }
0x78: {  	_ =	shalt  }
0x79: {  	_ =	shalt  }
0x7a: {  	_ =	shalt  }
0x7b: {  	_ =	shalt  }
0x7c: {  	_ =	shalt  }
0x7d: {  	_ =	shalt  }
0x7e: {  	_ =	shalt  }
0x7f: {  	_ =	shalt  }
0x80: {  	_ =	shalt  }
0x81: {  	_ =	shalt  }
0x82: {  	_ =	shalt  }
0x83: {  	_ =	shalt  }
0x84: {  	_ =	shalt  }
0x85: {  	_ =	shalt  }
0x86: {  	_ =	shalt  }
0x87: {  	_ =	shalt  }
.Lfunc_end0:
.L_simem_size_0:
called_computation_lowered:
.L_overlay_start_0:
0x88: {  	s2 =	sld [smem:$0x3FD9]  }
0x89: {  	s3 =	sld [smem:$0x3FFE];
	_ =	sdelay $0x1  }
0x8a: {  	s1 =	srdreg.scid  }
0x8b: {  	s0 =	sand.u32 $0x1, s1  }
0x8c: {  	s18 =	sshll.u32 s0, $0xA;
	s2 =	sadd.s32 s3, s2  }
0x8d: {  	s2 =	sadd.s32 s2, s18  }
0x8e: {  	[smem:$0x3FC4] =	sst s2  }
0x8f: {  	_ = 	snop  }
0x90: {  	s2 =	sld [smem:$0x3FC9]  }
0x91: {  	s19 =	sld [smem:$0x3FC8]  }
0x92: {  	s4 =	sld [smem:$0x3FC7]  }
0x93: {  	s5 =	sld [smem:$0x3FC6]  }
0x94: {  	s6 =	sld [smem:$0x3FD0];
	(tm) =	ssettm $0x1  }
0x95: {  	s7 =	sld [smem:$0x3FFB];
	_ =	sdelay $0x3  }
0x96: {  	_ =	strace s7  }
0x97: {  	s7 =	sld [smem:$0x3FFC];
	_ =	sdelay $0x3  }
0x98: {  	_ =	strace s7  }
0x99: {  	s7 =	sld [smem:$0x3FFD];
	_ =	sdelay $0x3  }
0x9a: {  	_ =	strace s7  }
0x9b: {  	_ =	strace $0x8FFFFFFF  }
0x9c: {  	s20 =	sld [smem:$0x3FDB];
	_ =	sdelay $0x1  }
0x9d: {  	s8 =	simm.s32 $_scs_section_size  }
0x9e: {  	s9 =	simm.s32 $_size__tile_overlayer_lowered;
	s10 =	simm.s32 $_tile_overlayer_lowered  }
0x9f: {  	s23 =	simm.s32 $0x1BFF;
	s22 =	sshll.u32 s10, $0x1;
	s7 =	sadd.s32 s8, s20  }
0xa0: {  	s11 =	simm.s32 $0x0;
	s21 =	sshll.u32 s9, $0x1;
	s9 =	sadd.s32 s22, s7  }
0xa1: {  	[timem:s11], [sflag:s23] =	dma.local [hbm:s9], s21  }
0xa2: {  	_ =	swait.ge [sflag:s23], s21  }
0xa3: {  	s8 =	ssub.s32 $0x0, s21;
	[sflag:s23] =	ssyncset.done $0x0  }
0xa4: {  	[sflag:s23] =	ssyncadd.s32 s8;
	_ =	sdelay $0x1  }
0xa5: {  	s24 =	simm.s32 $0x1B8B  }
0xa6: {  	_ =	swait.ge [sflag:s24], $0x1  }
0xa7: {  	[sflag:s24] =	ssyncset.done $0x0  }
0xa8: {  	s25 =	simm.s32 $0x1B8E;
	[sflag:s24] =	ssyncadd.s32 $0xFFFFFFFF  }
0xa9: {  	s26 =	simm.s32 $execute0_lowered;
	[smem:$0x3FD2] =	sst s25  }
0xaa: {  	s8 =	sshll.u32 s26, $0x1;
	_ =	strace $0x80000046;
	[dreg:$0x1] =	wrdreg $0xFFFFFFFF  }
0xab: {  	s28 =	simm.s32 $_size_execute0_lowered;
	s7 =	sadd.s32 s7, s8;
	[dreg:$0x0] =	wrdreg $0x0  }
0xac: {  	s8 =	sshll.u32 s28, $0x1;
	[dreg:$0x2] =	wrdreg s7  }
0xad: {  	[dreg:$0x3] =	wrdreg s8  }
0xae: {  	[dreg:$0x4] =	wrdreg $0xC0  }
0xaf: {  	_ =	task [dreg:s11], $0x5FFFF  }
0xb0: {  	[dreg:$0x1] =	wrdreg $0xFFFFFFFF  }
0xb1: {  	[dreg:$0x0] =	wrdreg $0x60  }
0xb2: {  	[dreg:$0x2] =	wrdreg s2  }
0xb3: {  	[dreg:$0x3] =	wrdreg s19  }
0xb4: {  	[dreg:$0x4] =	wrdreg s4  }
0xb5: {  	[dreg:$0x5] =	wrdreg s5  }
0xb6: {  	[dreg:$0x6] =	wrdreg s6  }
0xb7: {  	[dreg:$0x7] =	wrdreg $0x9  }
0xb8: {  	_ =	task.clear_ibuf [dreg:s11], $0x8FFFF;
	_ =	strace $0x90000046  }
0xb9: {  	s29 =	simm.s32 $0x9;
	_ =	strace $0x80000048  }
0xba: {  	_ =	swait.ge [sflag:s29], $0x1  }
0xbb: {  	[sflag:s29] =	ssyncadd.s32 $0xFFFFFFFF  }
0xbc: {  	_ =	strace $0x90000048  }
0xbd: {  	_ =	sfence  }
0xbe: {  	s30 =	sld [smem:$0x0];
	_ =	sdelay $0x2  }
0xbf: {  	s31 =	sshll.u32 s1, $0xD;
	s1 =	sshrl.u32 s1, $0x2  }
0xc0: {  	s3 =	sand.u32 $0x4000, s31;
	s1 =	sadd.s32 s1, s30  }
0xc1: {  	s0 =	sor.u32 s3, s0;
	s1 =	sshll.u32 s1, $0x11  }
0xc2: {  	s0 =	sor.u32 s1, s0  }
0xc3: {  	s0 =	sadd.s32 $0x8F2B, s0  }
0xc4: {  	[sflag:s0] =	ssyncadd.remote.s32 $0x1  }
0xc5: {  	_ =	sfence.sel $0xFFFF  }
0xc6: {  	[dreg:$0x0] =	wrdreg $0xFFFFFFFF;
	(pc) =	sbr.abs _section_cstart, $3  }
0xc7: {  	[dreg:$0x1] =	wrdreg $0xFFFFFFFF  }
0xc8: {  	_ =	task.clear_ibuf [dreg:s11], $0x2FFFF;
	_ =	strace $0x9FFFFFFF  }
0xc9: {  	(tm) =	ssettm $0x7FFFFFFF  }
tec
execute0_lowered:
.L_overlay_start_1:
0x0: {  	(tag) =	ssettag $0x1  }
0x1: {  	s0 =	rddreg [dreg:$0x0]  }
0x2: {  	s3 =	rddreg [dreg:$0x1]  }
0x3: {  	s1 =	rddreg [dreg:$0x2]  }
0x4: {  	s2 =	rddreg [dreg:$0x3]  }
0x5: {  	s5 =	rddreg [dreg:$0x4];
	s6 =	srdreg.scid  }
0x6: {  	s4 =	simm.s32 $0x0;
	s9 =	stileid.u32;
	s10 =	simm.s32 $0x7A1400  }
0x7: {  	s11 =	simm.s32 $0x400;
	s12 =	simm.s32 $0x8400;
	s13 =	simm.s32 $0x2400  }
0x8: {  	s14 =	simm.s32 $0xA400;
	s15 =	simm.s32 $0x4400;
	s16 =	simm.s32 $0xC400  }
0x9: {  	v0 =	vlaneseq.u32;
	vm0 =	vmmov $0x1;
	s17 =	simm.s32 $0x6400;
	s18 =	simm.s32 $0xE400;
	s19 =	simm.s32 $0x1  }
0xa: {  	vm1 =	vmmov $0x3;
	vm2 =	vmmov $0x7;
	vm3 =	vmmov $0xf;
	s20 =	simm.s32 $0x2;
	s6 =	sand.u32 $0x1, s6;
	[smem:$0x7FF] =	sst s4  }
0xb: {  	vm4 =	vmmov $0x1f;
	vm5 =	vmmov $0x3f;
	vm6 =	vmmov $0x7f;
	s9 =	sshll.u32 s9, $0x7;
	s7 =	ssub.s32 $0x2, s6;
	s6 =	sshll.u32 s6, $0x6  }
0xc: {  	vm7 =	vmmov $0xff;
	vm8 =	vmmov $0x1ff;
	vm9 =	vmmov $0x3ff;
	s22 =	simm.s32 $0x0;
	_ =	strace $0x80000047;
	s30 =	sor.u32 s6, s9  }
0xd: {  	vm10 =	vmmov $0x7ff;
	vm11 =	vmmov $0xfff;
	v0 =	vmul.u32 $0x80, v0;
	s8 =	sshrl.u32 s7, $0x1;
	s9 =	simm.s32 $0x3;
	s0 =	sadd.s32 s0, s30  }
0xe: {  	vm12 =	vmmov $0x1fff;
	vm13 =	vmmov $0x3fff;
	vm14 =	vmmov $0x7fff;
	s8 =	ssub.s32 s7, s8;
	s31 =	sadd.s32 s3, s30;
	[dreg:$0x6] =	wrdreg s0  }
0xf: {  	v1 =	vor.u32 $0x800, v0;
	v2 =	vor.u32 $0x1000, v0;
	v3 =	vor.u32 $0x1800, v0;
	s7 =	sadd.s32 s5, s30;
	[dreg:$0x7] =	wrdreg s31;
	s8 =	smax.u32 s8, $0x1  }
.LBB2_1:
0x10: {  	s0 =	rddreg [dreg:$0x6]  }
0x11: {  	[tilespmem:s4], [sflag:$0x3] =	stream.linear.gather [hbm4b:s0+s4], $0x200, $0x38;
	[tilespmem:$0x10600] =	vst v63  }
0x12: {  	_ =	swait.ge [sflag:s9], $0x200  }
0x13: {  	[sflag:s9] =	ssyncset.done $0x0  }
0x14: {  	s23 =	simm.s32 $0x200;
	s31 =	rddreg [dreg:$0x7];
	[sflag:s9] =	ssyncadd.s32 $0xFFFFFE00  }
0x15: {  	[tilespmem:s23], [sflag:$0x3] =	stream.linear.gather [hbm4b:s31+s4], $0x200, $0x38;
	[tilespmem:$0x10600] =	vst v63  }
0x16: {  	_ =	swait.ge [sflag:s9], $0x200  }
0x17: {  	[sflag:s9] =	ssyncset.done $0x0  }
0x18: {  	[sflag:s9] =	ssyncadd.s32 $0xFFFFFE00  }
0x19: {  	v4 =	vld [tilespmem:$0x0]  }
0x1a: {  	v5 =	vld [tilespmem:$0x200];
	_ =	sdelay $0x3  }
0x1b: {  	(v2sf) =	vpush v4, $0x0  }
0x1c: {  	(v2sf) =	vpush v5, $0x0;
	_ =	sdelay $0x1  }
0x1d: {  	(v2sf) =	vpush v4, $0x1;
	_ =	sdelay $0x4  }
0x1e: {  	(v2sf) =	vpush v5, $0x1  }
0x1f: {  	(v2sf) =	vpush v4, $0x2;
	_ =	sdelay $0x5  }
0x20: {  	s3 =	spop (v2sf);
	(v2sf) =	vpush v5, $0x2  }
0x21: {  	s5 =	spop (v2sf);
	(v2sf) =	vpush v4, $0x3  }
0x22: {  	s0 =	sand.u32 $0xFFFFF80, s3  }
0x23: {  	s0 =	sadd.s32 s1, s0;
	s6 =	spop (v2sf)  }
0x24: {  	(v2sf) =	vpush v5, $0x3;
	[tilespmem:s11], [sflag:$0x1] =	stream.strided.gather [hbm4b:s0+s11], $0x2000, s10, s11, $0x38;
	[tilespmem:$0x10600] =	vst v63  }
0x25: {  	s0 =	sand.u32 $0xFFFFF80, s5  }
0x26: {  	s0 =	sadd.s32 s2, s0  }
0x27: {  	[tilespmem:s12], [sflag:$0x2] =	stream.strided.gather [hbm4b:s0+s11], $0x2000, s10, s11, $0x38;
	[tilespmem:$0x10600] =	vst v63  }
0x28: {  	s3 =	spop (v2sf);
	s0 =	sand.u32 $0xFFFFF80, s6  }
0x29: {  	s21 =	sand.u32 $0xFFFFF80, s3;
	s24 =	spop (v2sf);
	s0 =	sadd.s32 s1, s0  }
0x2a: {  	[tilespmem:s13], [sflag:$0x1] =	stream.strided.gather [hbm4b:s0+s11], $0x2000, s10, s11, $0x38;
	[tilespmem:$0x10600] =	vst v63  }
0x2b: {  	s25 =	sand.u32 $0xFFFFF80, s24;
	s0 =	sadd.s32 s2, s21  }
0x2c: {  	[tilespmem:s14], [sflag:$0x2] =	stream.strided.gather [hbm4b:s0+s11], $0x2000, s10, s11, $0x38;
	[tilespmem:$0x10600] =	vst v63  }
0x2d: {  	s0 =	sadd.s32 s1, s25  }
0x2e: {  	[tilespmem:s15], [sflag:$0x1] =	stream.strided.gather [hbm4b:s0+s11], $0x2000, s10, s11, $0x38;
	[tilespmem:$0x10600] =	vst v63  }
0x2f: {  	s26 =	spop (v2sf)  }
0x30: {  	s28 =	sand.u32 $0xFFFFF80, s26;
	s29 =	spop (v2sf)  }
0x31: {  	s0 =	sadd.s32 s2, s28;
	s30 =	sand.u32 $0xFFFFF80, s29  }
0x32: {  	[tilespmem:s16], [sflag:$0x2] =	stream.strided.gather [hbm4b:s0+s11], $0x2000, s10, s11, $0x38;
	[tilespmem:$0x10600] =	vst v63  }
0x33: {  	s31 =	spop (v2sf);
	s0 =	sadd.s32 s1, s30  }
0x34: {  	[tilespmem:s17], [sflag:$0x1] =	stream.strided.gather [hbm4b:s0+s11], $0x2000, s10, s11, $0x38;
	[tilespmem:$0x10600] =	vst v63  }
0x35: {  	s24 =	simm.s32 $0x10400;
	s0 =	sand.u32 $0xFFFFF80, s31  }
0x36: {  	s25 =	simm.s32 $0x0;
	s26 =	simm.s32 $0x1;
	s0 =	sadd.s32 s2, s0  }
0x37: {  	[tilespmem:s18], [sflag:$0x2] =	stream.strided.gather [hbm4b:s0+s11], $0x2000, s10, s11, $0x38;
	[tilespmem:$0x10600] =	vst v63  }
.LBB2_2:
0x38: {  	v10 =	vld [tilespmem:s25+$0x0];
	s0 =	smin.u32 s26, $0x1F  }
0x39: {  	v9 =	vld [tilespmem:s23+$0x0];
	s0 =	sshll.u32 s0, $0x4  }
0x3a: {  	v5 =	vld [tilespmem:s0+$0x0]  }
0x3b: {  	v4 =	vld [tilespmem:s0+$0x200];
	_ =	swait.ge [sflag:s19], $0x2000  }
0x3c: {  	[sflag:s19] =	ssyncset.done $0x0  }
0x3d: {  	[sflag:s19] =	ssyncadd.s32 $0xFFFFE000  }
0x3e: {  	_ =	swait.ge [sflag:s20], $0x2000  }
0x3f: {  	(v2sf) =	vpush v10, $0x0  }
0x40: {  	(v2sf) =	vpush v9, $0x0;
	_ =	sdelay $0xd  }
0x41: {  	s29 =	spop (v2sf)  }
0x42: {  	s0 =	sand.u32 $0x7F, s29;
	s3 =	spop (v2sf)  }
0x43: {  	s3 =	sand.u32 $0x7F, s3;
	v6 =	vor.u32 s0, v0  }
0x44: {  	v7 =	vor.u32 s3, v0  }
0x45: {  	v8 =	vor.u32 s0, v1  }
0x46: {  	[sflag:s20] =	ssyncset.done $0x0;
	v11 =	vor.u32 s3, v1  }
0x47: {  	[sflag:s20] =	ssyncadd.s32 $0xFFFFE000;
	v12 =	vor.u32 s0, v2  }
0x48: {  	v13 =	vor.u32 s3, v2;
	v6 =	vld.idx.msk [tilespmem:v6+s11+$0x0], $0xffff  }
0x49: {  	v14 =	vor.u32 s0, v3;
	v7 =	vld.idx.msk [tilespmem:v7+s12+$0x0], $0xffff  }
0x4a: {  	v15 =	vor.u32 s3, v3;
	v8 =	vld.idx.msk [tilespmem:v8+s11+$0x0], $0xffff  }
0x4b: {  	v11 =	vld.idx.msk [tilespmem:v11+s12+$0x0], $0xffff  }
0x4c: {  	v12 =	vld.idx.msk [tilespmem:v12+s11+$0x0], $0xffff  }
0x4d: {  	v13 =	vld.idx.msk [tilespmem:v13+s12+$0x0], $0xffff  }
0x4e: {  	(v2sf) =	vpush v10, $0x4;
	v62 =	vld.idx.msk [tilespmem:v14+s11+$0x0], $0xffff;
	v6 =	vmul.f32 v7, v6  }
0x4f: {  	(v2sf) =	vpush v9, $0x4;
	v63 =	vld.idx.msk [tilespmem:v15+s12+$0x0], $0xffff  }
0x50: {  	v8 =	vmul.f32 v11, v8;
	v6 =	vadd.f32 $0.0e+00, v6;
	_ =	sdelay $0x1  }
0x51: {  	v16 =	vmul.f32 v13, v12;
	v6 =	vadd.f32 v8, v6;
	_ =	sdelay $0x1  }
0x52: {  	v7 =	vmul.f32 v63, v62;
	v6 =	vadd.f32 v16, v6;
	_ =	sdelay $0x1  }
0x53: {  	v6 =	vadd.f32 v7, v6;
	_ =	sdelay $0x1  }
0x54: {  	(xrf2) =	vadd.scan.msk.f32 $0xffff, v6;
	_ =	sdelay $0x4  }
0x55: {  	s28 =	spop (v2sf)  }
0x56: {  	s30 =	sand.u32 $0xFFFFF80, s28;
	s29 =	spop (v2sf)  }
0x57: {  	s0 =	sadd.s32 s1, s30;
	s31 =	sand.u32 $0xFFFFF80, s29  }
0x58: {  	[tilespmem:s11], [sflag:$0x1] =	stream.strided.gather [hbm4b:s0+s11], $0x2000, s10, s11, $0x38;
	[tilespmem:$0x10600] =	vst v63  }
0x59: {  	s0 =	sadd.s32 s2, s31  }
0x5a: {  	[tilespmem:s12], [sflag:$0x2] =	stream.strided.gather [hbm4b:s0+s11], $0x2000, s10, s11, $0x38;
	v6, _, _ =	vpop (xrf2);
	[tilespmem:$0x10600] =	vst v63  }
0x5b: {  	_ =	swait.ge [sflag:s19], $0x2000  }
0x5c: {  	[sflag:s19] =	ssyncset.done $0x0  }
0x5d: {  	[sflag:s19] =	ssyncadd.s32 $0xFFFFE000  }
0x5e: {  	_ =	swait.ge [sflag:s20], $0x2000  }
0x5f: {  	(v2sf) =	vpush v10, $0x1  }
0x60: {  	(v2sf) =	vpush v9, $0x1;
	_ =	sdelay $0xd  }
0x61: {  	s3 =	spop (v2sf)  }
0x62: {  	s0 =	sand.u32 $0x7F, s3;
	s5 =	spop (v2sf)  }
0x63: {  	s3 =	sand.u32 $0x7F, s5;
	v17 =	vor.u32 s0, v0  }
0x64: {  	v18 =	vor.u32 s3, v0  }
0x65: {  	v19 =	vor.u32 s0, v1  }
0x66: {  	[sflag:s20] =	ssyncset.done $0x0;
	v20 =	vor.u32 s3, v1  }
0x67: {  	[sflag:s20] =	ssyncadd.s32 $0xFFFFE000;
	v21 =	vor.u32 s0, v2  }
0x68: {  	v22 =	vor.u32 s3, v2;
	v7 =	vld.idx.msk [tilespmem:v17+s13+$0x0], $0xffff  }
0x69: {  	v23 =	vor.u32 s0, v3;
	v8 =	vld.idx.msk [tilespmem:v18+s14+$0x0], $0xffff  }
0x6a: {  	v16 =	vor.u32 s3, v3;
	v11 =	vld.idx.msk [tilespmem:v19+s13+$0x0], $0xffff  }
0x6b: {  	v12 =	vld.idx.msk [tilespmem:v20+s14+$0x0], $0xffff  }
0x6c: {  	v13 =	vld.idx.msk [tilespmem:v21+s13+$0x0], $0xffff  }
0x6d: {  	v14 =	vld.idx.msk [tilespmem:v22+s14+$0x0], $0xffff  }
0x6e: {  	(v2sf) =	vpush v10, $0x5;
	v24 =	vld.idx.msk [tilespmem:v23+s13+$0x0], $0xffff;
	v7 =	vmul.f32 v8, v7  }
0x6f: {  	(v2sf) =	vpush v9, $0x5;
	v25 =	vld.idx.msk [tilespmem:v16+s14+$0x0], $0xffff  }
0x70: {  	v11 =	vmul.f32 v12, v11;
	v7 =	vadd.f32 $0.0e+00, v7;
	_ =	sdelay $0x1  }
0x71: {  	v26 =	vmul.f32 v14, v13;
	v7 =	vadd.f32 v11, v7;
	_ =	sdelay $0x1  }
0x72: {  	v8 =	vmul.f32 v25, v24;
	v7 =	vadd.f32 v26, v7;
	_ =	sdelay $0x1  }
0x73: {  	v7 =	vadd.f32 v8, v7;
	_ =	sdelay $0x1  }
0x74: {  	(xrf2) =	vadd.scan.msk.f32 $0xffff, v7;
	_ =	sdelay $0x4  }
0x75: {  	s30 =	spop (v2sf)  }
0x76: {  	s6 =	sand.u32 $0xFFFFF80, s30;
	s31 =	spop (v2sf)  }
0x77: {  	s0 =	sadd.s32 s1, s6;
	s21 =	sand.u32 $0xFFFFF80, s31  }
0x78: {  	[tilespmem:s13], [sflag:$0x1] =	stream.strided.gather [hbm4b:s0+s11], $0x2000, s10, s11, $0x38;
	[tilespmem:$0x10600] =	vst v63  }
0x79: {  	s0 =	sadd.s32 s2, s21  }
0x7a: {  	[tilespmem:s14], [sflag:$0x2] =	stream.strided.gather [hbm4b:s0+s11], $0x2000, s10, s11, $0x38;
	v7, _, _ =	vpop (xrf2);
	[tilespmem:$0x10600] =	vst v63  }
0x7b: {  	_ =	swait.ge [sflag:s19], $0x2000  }
0x7c: {  	[sflag:s19] =	ssyncset.done $0x0  }
0x7d: {  	[sflag:s19] =	ssyncadd.s32 $0xFFFFE000  }
0x7e: {  	_ =	swait.ge [sflag:s20], $0x2000  }
0x7f: {  	(v2sf) =	vpush v10, $0x2  }
0x80: {  	(v2sf) =	vpush v9, $0x2;
	_ =	sdelay $0xd  }
0x81: {  	s3 =	spop (v2sf)  }
0x82: {  	s0 =	sand.u32 $0x7F, s3;
	s5 =	spop (v2sf)  }
0x83: {  	s3 =	sand.u32 $0x7F, s5;
	v27 =	vor.u32 s0, v0  }
0x84: {  	v28 =	vor.u32 s3, v0  }
0x85: {  	v29 =	vor.u32 s0, v1  }
0x86: {  	[sflag:s20] =	ssyncset.done $0x0;
	v30 =	vor.u32 s3, v1  }
0x87: {  	[sflag:s20] =	ssyncadd.s32 $0xFFFFE000;
	v31 =	vor.u32 s0, v2  }
0x88: {  	v32 =	vor.u32 s3, v2;
	v8 =	vld.idx.msk [tilespmem:v27+s15+$0x0], $0xffff  }
0x89: {  	v33 =	vor.u32 s0, v3;
	v11 =	vld.idx.msk [tilespmem:v28+s16+$0x0], $0xffff  }
0x8a: {  	v17 =	vor.u32 s3, v3;
	v12 =	vld.idx.msk [tilespmem:v29+s15+$0x0], $0xffff  }
0x8b: {  	v13 =	vld.idx.msk [tilespmem:v30+s16+$0x0], $0xffff  }
0x8c: {  	v14 =	vld.idx.msk [tilespmem:v31+s15+$0x0], $0xffff  }
0x8d: {  	v15 =	vld.idx.msk [tilespmem:v32+s16+$0x0], $0xffff  }
0x8e: {  	(v2sf) =	vpush v10, $0x6;
	v34 =	vld.idx.msk [tilespmem:v33+s15+$0x0], $0xffff;
	v8 =	vmul.f32 v11, v8  }
0x8f: {  	(v2sf) =	vpush v9, $0x6;
	v35 =	vld.idx.msk [tilespmem:v17+s16+$0x0], $0xffff  }
0x90: {  	v12 =	vmul.f32 v13, v12;
	v8 =	vadd.f32 $0.0e+00, v8;
	_ =	sdelay $0x1  }
0x91: {  	v36 =	vmul.f32 v15, v14;
	v8 =	vadd.f32 v12, v8;
	_ =	sdelay $0x1  }
0x92: {  	v11 =	vmul.f32 v35, v34;
	v8 =	vadd.f32 v36, v8;
	_ =	sdelay $0x1  }
0x93: {  	v8 =	vadd.f32 v11, v8;
	_ =	sdelay $0x1  }
0x94: {  	(xrf2) =	vadd.scan.msk.f32 $0xffff, v8;
	_ =	sdelay $0x4  }
0x95: {  	s0 =	spop (v2sf)  }
0x96: {  	s5 =	sand.u32 $0xFFFFF80, s0;
	s3 =	spop (v2sf)  }
0x97: {  	s5 =	sadd.s32 s1, s5;
	s6 =	sand.u32 $0xFFFFF80, s3  }
0x98: {  	[tilespmem:s15], [sflag:$0x1] =	stream.strided.gather [hbm4b:s5+s11], $0x2000, s10, s11, $0x38;
	[tilespmem:$0x10600] =	vst v63  }
0x99: {  	s5 =	sadd.s32 s2, s6  }
0x9a: {  	[tilespmem:s16], [sflag:$0x2] =	stream.strided.gather [hbm4b:s5+s11], $0x2000, s10, s11, $0x38;
	v8, _, _ =	vpop (xrf2);
	[tilespmem:$0x10600] =	vst v63  }
0x9b: {  	_ =	swait.ge [sflag:s19], $0x2000  }
0x9c: {  	[sflag:s19] =	ssyncset.done $0x0  }
0x9d: {  	[sflag:s19] =	ssyncadd.s32 $0xFFFFE000  }
0x9e: {  	_ =	swait.ge [sflag:s20], $0x2000  }
0x9f: {  	(v2sf) =	vpush v10, $0x3  }
0xa0: {  	(v2sf) =	vpush v9, $0x3;
	_ =	sdelay $0xd  }
0xa1: {  	s21 =	spop (v2sf)  }
0xa2: {  	s5 =	sand.u32 $0x7F, s21;
	s21 =	spop (v2sf)  }
0xa3: {  	s21 =	sand.u32 $0x7F, s21;
	v37 =	vor.u32 s5, v0  }
0xa4: {  	v38 =	vor.u32 s21, v0  }
0xa5: {  	v39 =	vor.u32 s5, v1  }
0xa6: {  	[sflag:s20] =	ssyncset.done $0x0;
	v40 =	vor.u32 s21, v1  }
0xa7: {  	[sflag:s20] =	ssyncadd.s32 $0xFFFFE000;
	v41 =	vor.u32 s5, v2  }
0xa8: {  	v42 =	vor.u32 s21, v2;
	v11 =	vld.idx.msk [tilespmem:v37+s17+$0x0], $0xffff  }
0xa9: {  	v43 =	vor.u32 s5, v3;
	v12 =	vld.idx.msk [tilespmem:v38+s18+$0x0], $0xffff  }
0xaa: {  	v18 =	vor.u32 s21, v3;
	v13 =	vld.idx.msk [tilespmem:v39+s17+$0x0], $0xffff  }
0xab: {  	v14 =	vld.idx.msk [tilespmem:v40+s18+$0x0], $0xffff  }
0xac: {  	v15 =	vld.idx.msk [tilespmem:v41+s17+$0x0], $0xffff  }
0xad: {  	(v2sf) =	vpush v10, $0x7;
	v16 =	vld.idx.msk [tilespmem:v42+s18+$0x0], $0xffff  }
0xae: {  	v44 =	vld.idx.msk [tilespmem:v43+s17+$0x0], $0xffff;
	v11 =	vmul.f32 v12, v11  }
0xaf: {  	(v2sf) =	vpush v9, $0x7;
	v45 =	vld.idx.msk [tilespmem:v18+s18+$0x0], $0xffff  }
0xb0: {  	v13 =	vmul.f32 v14, v13;
	v11 =	vadd.f32 $0.0e+00, v11;
	_ =	sdelay $0x1  }
0xb1: {  	v46 =	vmul.f32 v16, v15;
	v11 =	vadd.f32 v13, v11;
	_ =	sdelay $0x1  }
0xb2: {  	v12 =	vmul.f32 v45, v44;
	v11 =	vadd.f32 v46, v11;
	_ =	sdelay $0x1  }
0xb3: {  	v11 =	vadd.f32 v12, v11;
	_ =	sdelay $0x1  }
0xb4: {  	(xrf2) =	vadd.scan.msk.f32 $0xffff, v11;
	_ =	sdelay $0x3  }
0xb5: {  	s21 =	spop (v2sf)  }
0xb6: {  	s6 =	sand.u32 $0xFFFFF80, s21  }
0xb7: {  	s5 =	spop (v2sf);
	s6 =	sadd.s32 s1, s6  }
0xb8: {  	[tilespmem:s17], [sflag:$0x1] =	stream.strided.gather [hbm4b:s6+s11], $0x2000, s10, s11, $0x38;
	[tilespmem:$0x10600] =	vst v63  }
0xb9: {  	s6 =	sand.u32 $0xFFFFF80, s5  }
0xba: {  	s6 =	sadd.s32 s2, s6  }
0xbb: {  	[tilespmem:s18], [sflag:$0x2] =	stream.strided.gather [hbm4b:s6+s11], $0x2000, s10, s11, $0x38;
	v11, _, _ =	vpop (xrf2);
	[tilespmem:$0x10600] =	vst v63  }
0xbc: {  	s6 =	sand.u32 $0x7F, s28;
	_ =	swait.ge [sflag:s19], $0x2000  }
0xbd: {  	s29 =	sand.u32 $0x7F, s29;
	v47 =	vor.u32 s6, v0;
	[sflag:s19] =	ssyncset.done $0x0  }
0xbe: {  	v48 =	vor.u32 s29, v0;
	[sflag:s19] =	ssyncadd.s32 $0xFFFFE000  }
0xbf: {  	v49 =	vor.u32 s6, v1;
	_ =	swait.ge [sflag:s20], $0x2000  }
0xc0: {  	v50 =	vor.u32 s29, v1;
	[sflag:s20] =	ssyncset.done $0x0  }
0xc1: {  	v51 =	vor.u32 s6, v2;
	[sflag:s20] =	ssyncadd.s32 $0xFFFFE000  }
0xc2: {  	v52 =	vor.u32 s29, v2;
	v12 =	vld.idx.msk [tilespmem:v47+s11+$0x0], $0xffff  }
0xc3: {  	v53 =	vor.u32 s6, v3;
	v13 =	vld.idx.msk [tilespmem:v48+s12+$0x0], $0xffff  }
0xc4: {  	v19 =	vor.u32 s29, v3;
	v14 =	vld.idx.msk [tilespmem:v49+s11+$0x0], $0xffff  }
0xc5: {  	v15 =	vld.idx.msk [tilespmem:v50+s12+$0x0], $0xffff  }
0xc6: {  	v16 =	vld.idx.msk [tilespmem:v51+s11+$0x0], $0xffff  }
0xc7: {  	(v2sf) =	vpush v10, $0x8;
	v17 =	vld.idx.msk [tilespmem:v52+s12+$0x0], $0xffff  }
0xc8: {  	v54 =	vld.idx.msk [tilespmem:v53+s11+$0x0], $0xffff;
	v12 =	vmul.f32 v13, v12  }
0xc9: {  	(v2sf) =	vpush v9, $0x8;
	v55 =	vld.idx.msk [tilespmem:v19+s12+$0x0], $0xffff  }
0xca: {  	v14 =	vmul.f32 v15, v14;
	v12 =	vadd.f32 $0.0e+00, v12;
	_ =	sdelay $0x1  }
0xcb: {  	v56 =	vmul.f32 v17, v16;
	v12 =	vadd.f32 v14, v12;
	_ =	sdelay $0x1  }
0xcc: {  	v13 =	vmul.f32 v55, v54;
	v12 =	vadd.f32 v56, v12;
	_ =	sdelay $0x1  }
0xcd: {  	v12 =	vadd.f32 v13, v12;
	_ =	sdelay $0x1  }
0xce: {  	(xrf2) =	vadd.scan.msk.f32 $0xffff, v12;
	_ =	sdelay $0x3  }
0xcf: {  	s28 =	spop (v2sf)  }
0xd0: {  	s6 =	sand.u32 $0xFFFFF80, s28  }
0xd1: {  	s29 =	spop (v2sf);
	s6 =	sadd.s32 s1, s6  }
0xd2: {  	[tilespmem:s11], [sflag:$0x1] =	stream.strided.gather [hbm4b:s6+s11], $0x2000, s10, s11, $0x38;
	[tilespmem:$0x10600] =	vst v63  }
0xd3: {  	s6 =	sand.u32 $0xFFFFF80, s29  }
0xd4: {  	s6 =	sadd.s32 s2, s6  }
0xd5: {  	[tilespmem:s12], [sflag:$0x2] =	stream.strided.gather [hbm4b:s6+s11], $0x2000, s10, s11, $0x38;
	v12, _, _ =	vpop (xrf2);
	[tilespmem:$0x10600] =	vst v63  }
0xd6: {  	s6 =	sand.u32 $0x7F, s30;
	_ =	swait.ge [sflag:s19], $0x2000  }
0xd7: {  	s31 =	sand.u32 $0x7F, s31;
	v57 =	vor.u32 s6, v0;
	[sflag:s19] =	ssyncset.done $0x0  }
0xd8: {  	v58 =	vor.u32 s31, v0;
	[sflag:s19] =	ssyncadd.s32 $0xFFFFE000  }
0xd9: {  	v59 =	vor.u32 s6, v1;
	_ =	swait.ge [sflag:s20], $0x2000  }
0xda: {  	v60 =	vor.u32 s31, v1;
	[sflag:s20] =	ssyncset.done $0x0  }
0xdb: {  	v61 =	vor.u32 s6, v2;
	[sflag:s20] =	ssyncadd.s32 $0xFFFFE000  }
0xdc: {  	v62 =	vor.u32 s31, v2;
	v13 =	vld.idx.msk [tilespmem:v57+s13+$0x0], $0xffff  }
0xdd: {  	v63 =	vor.u32 s6, v3;
	v14 =	vld.idx.msk [tilespmem:v58+s14+$0x0], $0xffff  }
0xde: {  	v20 =	vor.u32 s31, v3;
	v15 =	vld.idx.msk [tilespmem:v59+s13+$0x0], $0xffff  }
0xdf: {  	v16 =	vld.idx.msk [tilespmem:v60+s14+$0x0], $0xffff  }
0xe0: {  	v17 =	vld.idx.msk [tilespmem:v61+s13+$0x0], $0xffff  }
0xe1: {  	(v2sf) =	vpush v10, $0x9;
	v18 =	vld.idx.msk [tilespmem:v62+s14+$0x0], $0xffff  }
0xe2: {  	v24 =	vld.idx.msk [tilespmem:v63+s13+$0x0], $0xffff;
	v13 =	vmul.f32 v14, v13  }
0xe3: {  	(v2sf) =	vpush v9, $0x9;
	v25 =	vld.idx.msk [tilespmem:v20+s14+$0x0], $0xffff  }
0xe4: {  	v15 =	vmul.f32 v16, v15;
	v13 =	vadd.f32 $0.0e+00, v13;
	_ =	sdelay $0x1  }
0xe5: {  	v26 =	vmul.f32 v18, v17;
	v13 =	vadd.f32 v15, v13;
	_ =	sdelay $0x1  }
0xe6: {  	v14 =	vmul.f32 v25, v24;
	v13 =	vadd.f32 v26, v13;
	_ =	sdelay $0x1  }
0xe7: {  	v13 =	vadd.f32 v14, v13;
	_ =	sdelay $0x1  }
0xe8: {  	(xrf2) =	vadd.scan.msk.f32 $0xffff, v13;
	_ =	sdelay $0x3  }
0xe9: {  	s30 =	spop (v2sf)  }
0xea: {  	s6 =	sand.u32 $0xFFFFF80, s30  }
0xeb: {  	s31 =	spop (v2sf);
	s6 =	sadd.s32 s1, s6  }
0xec: {  	[tilespmem:s13], [sflag:$0x1] =	stream.strided.gather [hbm4b:s6+s11], $0x2000, s10, s11, $0x38;
	[tilespmem:$0x10600] =	vst v63  }
0xed: {  	s6 =	sand.u32 $0xFFFFF80, s31  }
0xee: {  	s6 =	sadd.s32 s2, s6  }
0xef: {  	[tilespmem:s14], [sflag:$0x2] =	stream.strided.gather [hbm4b:s6+s11], $0x2000, s10, s11, $0x38;
	v13, _, _ =	vpop (xrf2);
	[tilespmem:$0x10600] =	vst v63  }
0xf0: {  	s0 =	sand.u32 $0x7F, s0;
	_ =	swait.ge [sflag:s19], $0x2000  }
0xf1: {  	s3 =	sand.u32 $0x7F, s3;
	v27 =	vor.u32 s0, v0;
	[sflag:s19] =	ssyncset.done $0x0  }
0xf2: {  	v28 =	vor.u32 s3, v0;
	[sflag:s19] =	ssyncadd.s32 $0xFFFFE000  }
0xf3: {  	v29 =	vor.u32 s0, v1;
	_ =	swait.ge [sflag:s20], $0x2000  }
0xf4: {  	v30 =	vor.u32 s3, v1;
	[sflag:s20] =	ssyncset.done $0x0  }
0xf5: {  	v31 =	vor.u32 s0, v2;
	[sflag:s20] =	ssyncadd.s32 $0xFFFFE000  }
0xf6: {  	v32 =	vor.u32 s3, v2;
	v14 =	vld.idx.msk [tilespmem:v27+s15+$0x0], $0xffff  }
0xf7: {  	v33 =	vor.u32 s0, v3;
	v15 =	vld.idx.msk [tilespmem:v28+s16+$0x0], $0xffff  }
0xf8: {  	v21 =	vor.u32 s3, v3;
	v16 =	vld.idx.msk [tilespmem:v29+s15+$0x0], $0xffff  }
0xf9: {  	v17 =	vld.idx.msk [tilespmem:v30+s16+$0x0], $0xffff  }
0xfa: {  	v18 =	vld.idx.msk [tilespmem:v31+s15+$0x0], $0xffff  }
0xfb: {  	(v2sf) =	vpush v10, $0xA;
	v19 =	vld.idx.msk [tilespmem:v32+s16+$0x0], $0xffff  }
0xfc: {  	v34 =	vld.idx.msk [tilespmem:v33+s15+$0x0], $0xffff;
	v14 =	vmul.f32 v15, v14  }
0xfd: {  	(v2sf) =	vpush v9, $0xA;
	v35 =	vld.idx.msk [tilespmem:v21+s16+$0x0], $0xffff  }
0xfe: {  	v16 =	vmul.f32 v17, v16;
	v14 =	vadd.f32 $0.0e+00, v14;
	_ =	sdelay $0x1  }
0xff: {  	v36 =	vmul.f32 v19, v18;
	v14 =	vadd.f32 v16, v14;
	_ =	sdelay $0x1  }
0x100: {  	v15 =	vmul.f32 v35, v34;
	v14 =	vadd.f32 v36, v14;
	_ =	sdelay $0x1  }
0x101: {  	v14 =	vadd.f32 v15, v14;
	_ =	sdelay $0x1  }
0x102: {  	(xrf2) =	vadd.scan.msk.f32 $0xffff, v14;
	_ =	sdelay $0x3  }
0x103: {  	s0 =	spop (v2sf)  }
0x104: {  	s6 =	sand.u32 $0xFFFFF80, s0  }
0x105: {  	s3 =	spop (v2sf);
	s6 =	sadd.s32 s1, s6  }
0x106: {  	[tilespmem:s15], [sflag:$0x1] =	stream.strided.gather [hbm4b:s6+s11], $0x2000, s10, s11, $0x38;
	[tilespmem:$0x10600] =	vst v63  }
0x107: {  	s6 =	sand.u32 $0xFFFFF80, s3  }
0x108: {  	s6 =	sadd.s32 s2, s6  }
0x109: {  	[tilespmem:s16], [sflag:$0x2] =	stream.strided.gather [hbm4b:s6+s11], $0x2000, s10, s11, $0x38;
	v14, _, _ =	vpop (xrf2);
	[tilespmem:$0x10600] =	vst v63  }
0x10a: {  	s21 =	sand.u32 $0x7F, s21;
	_ =	swait.ge [sflag:s19], $0x2000  }
0x10b: {  	v37 =	vor.u32 s21, v0;
	s5 =	sand.u32 $0x7F, s5;
	[sflag:s19] =	ssyncset.done $0x0  }
0x10c: {  	v38 =	vor.u32 s5, v0;
	[sflag:s19] =	ssyncadd.s32 $0xFFFFE000  }
0x10d: {  	v39 =	vor.u32 s21, v1;
	_ =	swait.ge [sflag:s20], $0x2000  }
0x10e: {  	v40 =	vor.u32 s5, v1;
	[sflag:s20] =	ssyncset.done $0x0  }
0x10f: {  	v41 =	vor.u32 s21, v2;
	[sflag:s20] =	ssyncadd.s32 $0xFFFFE000  }
0x110: {  	v42 =	vor.u32 s5, v2;
	v15 =	vld.idx.msk [tilespmem:v37+s17+$0x0], $0xffff  }
0x111: {  	v43 =	vor.u32 s21, v3;
	v16 =	vld.idx.msk [tilespmem:v38+s18+$0x0], $0xffff  }
0x112: {  	v22 =	vor.u32 s5, v3;
	v17 =	vld.idx.msk [tilespmem:v39+s17+$0x0], $0xffff  }
0x113: {  	v18 =	vld.idx.msk [tilespmem:v40+s18+$0x0], $0xffff  }
0x114: {  	v19 =	vld.idx.msk [tilespmem:v41+s17+$0x0], $0xffff  }
0x115: {  	(v2sf) =	vpush v10, $0xB;
	v20 =	vld.idx.msk [tilespmem:v42+s18+$0x0], $0xffff  }
0x116: {  	v44 =	vld.idx.msk [tilespmem:v43+s17+$0x0], $0xffff;
	v15 =	vmul.f32 v16, v15  }
0x117: {  	(v2sf) =	vpush v9, $0xB;
	v45 =	vld.idx.msk [tilespmem:v22+s18+$0x0], $0xffff  }
0x118: {  	v17 =	vmul.f32 v18, v17;
	v15 =	vadd.f32 $0.0e+00, v15;
	_ =	sdelay $0x1  }
0x119: {  	v46 =	vmul.f32 v20, v19;
	v15 =	vadd.f32 v17, v15;
	_ =	sdelay $0x1  }
0x11a: {  	v16 =	vmul.f32 v45, v44;
	v15 =	vadd.f32 v46, v15;
	_ =	sdelay $0x1  }
0x11b: {  	v15 =	vadd.f32 v16, v15;
	_ =	sdelay $0x1  }
0x11c: {  	(xrf2) =	vadd.scan.msk.f32 $0xffff, v15;
	_ =	sdelay $0x3  }
0x11d: {  	s5 =	spop (v2sf)  }
0x11e: {  	s6 =	sand.u32 $0xFFFFF80, s5  }
0x11f: {  	s21 =	spop (v2sf);
	s6 =	sadd.s32 s1, s6  }
0x120: {  	[tilespmem:s17], [sflag:$0x1] =	stream.strided.gather [hbm4b:s6+s11], $0x2000, s10, s11, $0x38;
	[tilespmem:$0x10600] =	vst v63  }
0x121: {  	s6 =	sand.u32 $0xFFFFF80, s21  }
0x122: {  	s6 =	sadd.s32 s2, s6  }
0x123: {  	[tilespmem:s18], [sflag:$0x2] =	stream.strided.gather [hbm4b:s6+s11], $0x2000, s10, s11, $0x38;
	v15, _, _ =	vpop (xrf2);
	[tilespmem:$0x10600] =	vst v63  }
0x124: {  	s6 =	sand.u32 $0x7F, s28;
	_ =	swait.ge [sflag:s19], $0x2000  }
0x125: {  	s29 =	sand.u32 $0x7F, s29;
	v47 =	vor.u32 s6, v0;
	[sflag:s19] =	ssyncset.done $0x0  }
0x126: {  	v48 =	vor.u32 s29, v0;
	[sflag:s19] =	ssyncadd.s32 $0xFFFFE000  }
0x127: {  	v49 =	vor.u32 s6, v1;
	_ =	swait.ge [sflag:s20], $0x2000  }
0x128: {  	v50 =	vor.u32 s29, v1;
	[sflag:s20] =	ssyncset.done $0x0  }
0x129: {  	v51 =	vor.u32 s6, v2;
	[sflag:s20] =	ssyncadd.s32 $0xFFFFE000  }
0x12a: {  	v52 =	vor.u32 s29, v2;
	v16 =	vld.idx.msk [tilespmem:v47+s11+$0x0], $0xffff  }
0x12b: {  	v53 =	vor.u32 s6, v3;
	v17 =	vld.idx.msk [tilespmem:v48+s12+$0x0], $0xffff  }
0x12c: {  	v23 =	vor.u32 s29, v3;
	v18 =	vld.idx.msk [tilespmem:v49+s11+$0x0], $0xffff  }
0x12d: {  	v19 =	vld.idx.msk [tilespmem:v50+s12+$0x0], $0xffff  }
0x12e: {  	v20 =	vld.idx.msk [tilespmem:v51+s11+$0x0], $0xffff  }
0x12f: {  	(v2sf) =	vpush v10, $0xC;
	v21 =	vld.idx.msk [tilespmem:v52+s12+$0x0], $0xffff  }
0x130: {  	v54 =	vld.idx.msk [tilespmem:v53+s11+$0x0], $0xffff;
	v16 =	vmul.f32 v17, v16  }
0x131: {  	(v2sf) =	vpush v9, $0xC;
	v55 =	vld.idx.msk [tilespmem:v23+s12+$0x0], $0xffff  }
0x132: {  	v18 =	vmul.f32 v19, v18;
	v16 =	vadd.f32 $0.0e+00, v16;
	_ =	sdelay $0x1  }
0x133: {  	v56 =	vmul.f32 v21, v20;
	v16 =	vadd.f32 v18, v16;
	_ =	sdelay $0x1  }
0x134: {  	v17 =	vmul.f32 v55, v54;
	v16 =	vadd.f32 v56, v16;
	_ =	sdelay $0x1  }
0x135: {  	v16 =	vadd.f32 v17, v16;
	_ =	sdelay $0x1  }
0x136: {  	(xrf2) =	vadd.scan.msk.f32 $0xffff, v16;
	_ =	sdelay $0x3  }
0x137: {  	s28 =	spop (v2sf)  }
0x138: {  	s6 =	sand.u32 $0xFFFFF80, s28  }
0x139: {  	s29 =	spop (v2sf);
	s6 =	sadd.s32 s1, s6  }
0x13a: {  	[tilespmem:s11], [sflag:$0x1] =	stream.strided.gather [hbm4b:s6+s11], $0x2000, s10, s11, $0x38;
	[tilespmem:$0x10600] =	vst v63  }
0x13b: {  	s6 =	sand.u32 $0xFFFFF80, s29  }
0x13c: {  	s6 =	sadd.s32 s2, s6  }
0x13d: {  	[tilespmem:s12], [sflag:$0x2] =	stream.strided.gather [hbm4b:s6+s11], $0x2000, s10, s11, $0x38;
	v16, _, _ =	vpop (xrf2);
	[tilespmem:$0x10600] =	vst v63  }
0x13e: {  	s6 =	sand.u32 $0x7F, s30;
	_ =	swait.ge [sflag:s19], $0x2000  }
0x13f: {  	s31 =	sand.u32 $0x7F, s31;
	v57 =	vor.u32 s6, v0;
	[sflag:s19] =	ssyncset.done $0x0  }
0x140: {  	v58 =	vor.u32 s31, v0;
	[sflag:s19] =	ssyncadd.s32 $0xFFFFE000  }
0x141: {  	v59 =	vor.u32 s6, v1;
	_ =	swait.ge [sflag:s20], $0x2000  }
0x142: {  	v60 =	vor.u32 s31, v1;
	[sflag:s20] =	ssyncset.done $0x0  }
0x143: {  	v61 =	vor.u32 s6, v2;
	[sflag:s20] =	ssyncadd.s32 $0xFFFFE000  }
0x144: {  	v62 =	vor.u32 s31, v2;
	v17 =	vld.idx.msk [tilespmem:v57+s13+$0x0], $0xffff  }
0x145: {  	v63 =	vor.u32 s6, v3;
	v18 =	vld.idx.msk [tilespmem:v58+s14+$0x0], $0xffff  }
0x146: {  	v24 =	vor.u32 s31, v3;
	v19 =	vld.idx.msk [tilespmem:v59+s13+$0x0], $0xffff  }
0x147: {  	v20 =	vld.idx.msk [tilespmem:v60+s14+$0x0], $0xffff  }
0x148: {  	v21 =	vld.idx.msk [tilespmem:v61+s13+$0x0], $0xffff  }
0x149: {  	(v2sf) =	vpush v10, $0xD;
	v22 =	vld.idx.msk [tilespmem:v62+s14+$0x0], $0xffff  }
0x14a: {  	v27 =	vld.idx.msk [tilespmem:v63+s13+$0x0], $0xffff;
	v17 =	vmul.f32 v18, v17  }
0x14b: {  	(v2sf) =	vpush v9, $0xD;
	v28 =	vld.idx.msk [tilespmem:v24+s14+$0x0], $0xffff  }
0x14c: {  	v19 =	vmul.f32 v20, v19;
	v17 =	vadd.f32 $0.0e+00, v17;
	_ =	sdelay $0x1  }
0x14d: {  	v29 =	vmul.f32 v22, v21;
	v17 =	vadd.f32 v19, v17;
	_ =	sdelay $0x1  }
0x14e: {  	v18 =	vmul.f32 v28, v27;
	v17 =	vadd.f32 v29, v17;
	_ =	sdelay $0x1  }
0x14f: {  	v17 =	vadd.f32 v18, v17;
	_ =	sdelay $0x1  }
0x150: {  	(xrf2) =	vadd.scan.msk.f32 $0xffff, v17;
	_ =	sdelay $0x3  }
0x151: {  	s30 =	spop (v2sf)  }
0x152: {  	s6 =	sand.u32 $0xFFFFF80, s30  }
0x153: {  	s31 =	spop (v2sf);
	s6 =	sadd.s32 s1, s6  }
0x154: {  	[tilespmem:s13], [sflag:$0x1] =	stream.strided.gather [hbm4b:s6+s11], $0x2000, s10, s11, $0x38;
	[tilespmem:$0x10600] =	vst v63  }
0x155: {  	s6 =	sand.u32 $0xFFFFF80, s31  }
0x156: {  	s6 =	sadd.s32 s2, s6  }
0x157: {  	[tilespmem:s14], [sflag:$0x2] =	stream.strided.gather [hbm4b:s6+s11], $0x2000, s10, s11, $0x38;
	v17, _, _ =	vpop (xrf2);
	[tilespmem:$0x10600] =	vst v63  }
0x158: {  	s0 =	sand.u32 $0x7F, s0;
	_ =	swait.ge [sflag:s19], $0x2000  }
0x159: {  	v30 =	vor.u32 s0, v0;
	s3 =	sand.u32 $0x7F, s3;
	[sflag:s19] =	ssyncset.done $0x0  }
0x15a: {  	v31 =	vor.u32 s3, v0;
	[sflag:s19] =	ssyncadd.s32 $0xFFFFE000  }
0x15b: {  	v32 =	vor.u32 s0, v1;
	_ =	swait.ge [sflag:s20], $0x2000  }
0x15c: {  	v33 =	vor.u32 s3, v1;
	[sflag:s20] =	ssyncset.done $0x0  }
0x15d: {  	v34 =	vor.u32 s0, v2;
	[sflag:s20] =	ssyncadd.s32 $0xFFFFE000  }
0x15e: {  	v35 =	vor.u32 s3, v2;
	v18 =	vld.idx.msk [tilespmem:v30+s15+$0x0], $0xffff  }
0x15f: {  	v36 =	vor.u32 s0, v3;
	v19 =	vld.idx.msk [tilespmem:v31+s16+$0x0], $0xffff  }
0x160: {  	v25 =	vor.u32 s3, v3;
	v20 =	vld.idx.msk [tilespmem:v32+s15+$0x0], $0xffff  }
0x161: {  	v21 =	vld.idx.msk [tilespmem:v33+s16+$0x0], $0xffff  }
0x162: {  	v22 =	vld.idx.msk [tilespmem:v34+s15+$0x0], $0xffff  }
0x163: {  	(v2sf) =	vpush v10, $0xE;
	v23 =	vld.idx.msk [tilespmem:v35+s16+$0x0], $0xffff  }
0x164: {  	v37 =	vld.idx.msk [tilespmem:v36+s15+$0x0], $0xffff;
	v18 =	vmul.f32 v19, v18  }
0x165: {  	(v2sf) =	vpush v9, $0xE;
	v38 =	vld.idx.msk [tilespmem:v25+s16+$0x0], $0xffff  }
0x166: {  	v20 =	vmul.f32 v21, v20;
	v18 =	vadd.f32 $0.0e+00, v18;
	_ =	sdelay $0x1  }
0x167: {  	v39 =	vmul.f32 v23, v22;
	v18 =	vadd.f32 v20, v18;
	_ =	sdelay $0x1  }
0x168: {  	v19 =	vmul.f32 v38, v37;
	v18 =	vadd.f32 v39, v18;
	_ =	sdelay $0x1  }
0x169: {  	v18 =	vadd.f32 v19, v18;
	_ =	sdelay $0x1  }
0x16a: {  	(xrf2) =	vadd.scan.msk.f32 $0xffff, v18;
	_ =	sdelay $0x3  }
0x16b: {  	s0 =	spop (v2sf)  }
0x16c: {  	s6 =	sand.u32 $0xFFFFF80, s0  }
0x16d: {  	s3 =	spop (v2sf);
	s6 =	sadd.s32 s1, s6  }
0x16e: {  	[tilespmem:s15], [sflag:$0x1] =	stream.strided.gather [hbm4b:s6+s11], $0x2000, s10, s11, $0x38;
	[tilespmem:$0x10600] =	vst v63  }
0x16f: {  	s6 =	sand.u32 $0xFFFFF80, s3  }
0x170: {  	s6 =	sadd.s32 s2, s6  }
0x171: {  	[tilespmem:s16], [sflag:$0x2] =	stream.strided.gather [hbm4b:s6+s11], $0x2000, s10, s11, $0x38;
	v18, _, _ =	vpop (xrf2);
	[tilespmem:$0x10600] =	vst v63  }
0x172: {  	s5 =	sand.u32 $0x7F, s5;
	_ =	swait.ge [sflag:s19], $0x2000  }
0x173: {  	v40 =	vor.u32 s5, v0;
	s21 =	sand.u32 $0x7F, s21;
	[sflag:s19] =	ssyncset.done $0x0  }
0x174: {  	v41 =	vor.u32 s21, v0;
	[sflag:s19] =	ssyncadd.s32 $0xFFFFE000  }
0x175: {  	v42 =	vor.u32 s5, v1;
	_ =	swait.ge [sflag:s20], $0x2000  }
0x176: {  	v43 =	vor.u32 s21, v1;
	[sflag:s20] =	ssyncset.done $0x0  }
0x177: {  	v44 =	vor.u32 s5, v2;
	[sflag:s20] =	ssyncadd.s32 $0xFFFFE000  }
0x178: {  	v45 =	vor.u32 s21, v2;
	v19 =	vld.idx.msk [tilespmem:v40+s17+$0x0], $0xffff  }
0x179: {  	v46 =	vor.u32 s5, v3;
	v20 =	vld.idx.msk [tilespmem:v41+s18+$0x0], $0xffff  }
0x17a: {  	v26 =	vor.u32 s21, v3;
	v21 =	vld.idx.msk [tilespmem:v42+s17+$0x0], $0xffff  }
0x17b: {  	v22 =	vld.idx.msk [tilespmem:v43+s18+$0x0], $0xffff  }
0x17c: {  	v23 =	vld.idx.msk [tilespmem:v44+s17+$0x0], $0xffff  }
0x17d: {  	(v2sf) =	vpush v10, $0xF;
	v24 =	vld.idx.msk [tilespmem:v45+s18+$0x0], $0xffff  }
0x17e: {  	v48 =	vld.idx.msk [tilespmem:v46+s17+$0x0], $0xffff;
	v47 =	vmul.f32 v20, v19  }
0x17f: {  	(v2sf) =	vpush v9, $0xF;
	v49 =	vld.idx.msk [tilespmem:v26+s18+$0x0], $0xffff  }
0x180: {  	v51 =	vmul.f32 v22, v21;
	v50 =	vadd.f32 $0.0e+00, v47;
	_ =	sdelay $0x1  }
0x181: {  	v52 =	vmul.f32 v24, v23;
	v9 =	vadd.f32 v51, v50;
	_ =	sdelay $0x1  }
0x182: {  	v53 =	vmul.f32 v49, v48;
	v9 =	vadd.f32 v52, v9;
	_ =	sdelay $0x1  }
0x183: {  	v9 =	vadd.f32 v53, v9;
	_ =	sdelay $0x1  }
0x184: {  	(xrf2) =	vadd.scan.msk.f32 $0xffff, v9;
	_ =	sdelay $0x3  }
0x185: {  	s5 =	spop (v2sf)  }
0x186: {  	s6 =	sand.u32 $0xFFFFF80, s5  }
0x187: {  	s21 =	spop (v2sf);
	s6 =	sadd.s32 s1, s6  }
0x188: {  	[tilespmem:s17], [sflag:$0x1] =	stream.strided.gather [hbm4b:s6+s11], $0x2000, s10, s11, $0x38;
	[tilespmem:$0x10600] =	vst v63  }
0x189: {  	s6 =	sand.u32 $0xFFFFF80, s21  }
0x18a: {  	s6 =	sadd.s32 s2, s6  }
0x18b: {  	[tilespmem:s18], [sflag:$0x2] =	stream.strided.gather [hbm4b:s6+s11], $0x2000, s10, s11, $0x38;
	v9, _, _ =	vpop (xrf2);
	[tilespmem:$0x10600] =	vst v63  }
0x18c: {  	s6 =	sand.u32 $0x7F, s28;
	_ =	swait.ge [sflag:s19], $0x2000  }
0x18d: {  	s29 =	sand.u32 $0x7F, s29;
	v54 =	vor.u32 s6, v0;
	[sflag:s19] =	ssyncset.done $0x0  }
0x18e: {  	v55 =	vor.u32 s29, v0;
	[sflag:s19] =	ssyncadd.s32 $0xFFFFE000  }
0x18f: {  	v56 =	vor.u32 s6, v1;
	_ =	swait.ge [sflag:s20], $0x2000  }
0x190: {  	v57 =	vor.u32 s29, v1;
	[sflag:s20] =	ssyncset.done $0x0  }
0x191: {  	v58 =	vor.u32 s6, v2;
	[sflag:s20] =	ssyncadd.s32 $0xFFFFE000  }
0x192: {  	v59 =	vor.u32 s29, v2;
	v10 =	vld.idx.msk [tilespmem:v54+s11+$0x0], $0xffff  }
0x193: {  	v60 =	vor.u32 s6, v3;
	v19 =	vld.idx.msk [tilespmem:v55+s12+$0x0], $0xffff  }
0x194: {  	v61 =	vor.u32 s29, v3;
	v20 =	vld.idx.msk [tilespmem:v56+s11+$0x0], $0xffff  }
0x195: {  	v21 =	vld.idx.msk [tilespmem:v57+s12+$0x0], $0xffff  }
0x196: {  	v22 =	vld.idx.msk [tilespmem:v58+s11+$0x0], $0xffff  }
0x197: {  	(v2sf) =	vpush v5, $0x0;
	v23 =	vld.idx.msk [tilespmem:v59+s12+$0x0], $0xffff  }
0x198: {  	v62 =	vld.idx.msk [tilespmem:v60+s11+$0x0], $0xffff;
	v10 =	vmul.f32 v19, v10  }
0x199: {  	(v2sf) =	vpush v4, $0x0;
	v63 =	vld.idx.msk [tilespmem:v61+s12+$0x0], $0xffff  }
0x19a: {  	v20 =	vmul.f32 v21, v20;
	v10 =	vadd.f32 $0.0e+00, v10;
	_ =	sdelay $0x1  }
0x19b: {  	v27 =	vmul.f32 v23, v22;
	v10 =	vadd.f32 v20, v10;
	_ =	sdelay $0x1  }
0x19c: {  	v19 =	vmul.f32 v63, v62;
	v10 =	vadd.f32 v27, v10;
	_ =	sdelay $0x1  }
0x19d: {  	v10 =	vadd.f32 v19, v10;
	_ =	sdelay $0x1  }
0x19e: {  	(xrf2) =	vadd.scan.msk.f32 $0xffff, v10;
	_ =	sdelay $0x3  }
0x19f: {  	s28 =	spop (v2sf)  }
0x1a0: {  	s6 =	sand.u32 $0xFFFFF80, s28  }
0x1a1: {  	s29 =	spop (v2sf);
	s6 =	sadd.s32 s1, s6  }
0x1a2: {  	[tilespmem:s11], [sflag:$0x1] =	stream.strided.gather [hbm4b:s6+s11], $0x2000, s10, s11, $0x38;
	[tilespmem:$0x10600] =	vst v63  }
0x1a3: {  	s6 =	sand.u32 $0xFFFFF80, s29  }
0x1a4: {  	s6 =	sadd.s32 s2, s6  }
0x1a5: {  	[tilespmem:s12], [sflag:$0x2] =	stream.strided.gather [hbm4b:s6+s11], $0x2000, s10, s11, $0x38;
	v10, _, _ =	vpop (xrf2);
	[tilespmem:$0x10600] =	vst v63  }
0x1a6: {  	s30 =	sand.u32 $0x7F, s30;
	_ =	swait.ge [sflag:s19], $0x2000  }
0x1a7: {  	v28 =	vor.u32 s30, v0;
	s29 =	sand.u32 $0x7F, s31;
	[sflag:s19] =	ssyncset.done $0x0  }
0x1a8: {  	v29 =	vor.u32 s29, v0;
	[sflag:s19] =	ssyncadd.s32 $0xFFFFE000  }
0x1a9: {  	v30 =	vor.u32 s30, v1;
	_ =	swait.ge [sflag:s20], $0x2000  }
0x1aa: {  	v31 =	vor.u32 s29, v1;
	[sflag:s20] =	ssyncset.done $0x0  }
0x1ab: {  	v32 =	vor.u32 s30, v2;
	[sflag:s20] =	ssyncadd.s32 $0xFFFFE000  }
0x1ac: {  	v33 =	vor.u32 s29, v2;
	v19 =	vld.idx.msk [tilespmem:v28+s13+$0x0], $0xffff  }
0x1ad: {  	v34 =	vor.u32 s30, v3;
	v20 =	vld.idx.msk [tilespmem:v29+s14+$0x0], $0xffff  }
0x1ae: {  	v35 =	vor.u32 s29, v3;
	v21 =	vld.idx.msk [tilespmem:v30+s13+$0x0], $0xffff  }
0x1af: {  	v22 =	vld.idx.msk [tilespmem:v31+s14+$0x0], $0xffff  }
0x1b0: {  	v23 =	vld.idx.msk [tilespmem:v32+s13+$0x0], $0xffff  }
0x1b1: {  	(v2sf) =	vpush v5, $0x1;
	v24 =	vld.idx.msk [tilespmem:v33+s14+$0x0], $0xffff  }
0x1b2: {  	v36 =	vld.idx.msk [tilespmem:v34+s13+$0x0], $0xffff;
	v19 =	vmul.f32 v20, v19  }
0x1b3: {  	(v2sf) =	vpush v4, $0x1;
	v37 =	vld.idx.msk [tilespmem:v35+s14+$0x0], $0xffff  }
0x1b4: {  	v21 =	vmul.f32 v22, v21;
	v19 =	vadd.f32 $0.0e+00, v19;
	_ =	sdelay $0x1  }
0x1b5: {  	v38 =	vmul.f32 v24, v23;
	v19 =	vadd.f32 v21, v19;
	_ =	sdelay $0x1  }
0x1b6: {  	v20 =	vmul.f32 v37, v36;
	v19 =	vadd.f32 v38, v19;
	_ =	sdelay $0x1  }
0x1b7: {  	v19 =	vadd.f32 v20, v19;
	_ =	sdelay $0x1  }
0x1b8: {  	(xrf2) =	vadd.scan.msk.f32 $0xffff, v19;
	_ =	sdelay $0x3  }
0x1b9: {  	s30 =	spop (v2sf)  }
0x1ba: {  	s6 =	sand.u32 $0xFFFFF80, s30  }
0x1bb: {  	s31 =	spop (v2sf);
	s6 =	sadd.s32 s1, s6  }
0x1bc: {  	[tilespmem:s13], [sflag:$0x1] =	stream.strided.gather [hbm4b:s6+s11], $0x2000, s10, s11, $0x38;
	[tilespmem:$0x10600] =	vst v63  }
0x1bd: {  	s6 =	sand.u32 $0xFFFFF80, s31  }
0x1be: {  	s6 =	sadd.s32 s2, s6  }
0x1bf: {  	[tilespmem:s14], [sflag:$0x2] =	stream.strided.gather [hbm4b:s6+s11], $0x2000, s10, s11, $0x38;
	v19, _, _ =	vpop (xrf2);
	[tilespmem:$0x10600] =	vst v63  }
0x1c0: {  	s0 =	sand.u32 $0x7F, s0;
	_ =	swait.ge [sflag:s19], $0x2000  }
0x1c1: {  	v39 =	vor.u32 s0, v0;
	s3 =	sand.u32 $0x7F, s3;
	[sflag:s19] =	ssyncset.done $0x0  }
0x1c2: {  	v40 =	vor.u32 s3, v0;
	[sflag:s19] =	ssyncadd.s32 $0xFFFFE000  }
0x1c3: {  	v41 =	vor.u32 s0, v1;
	_ =	swait.ge [sflag:s20], $0x2000  }
0x1c4: {  	v42 =	vor.u32 s3, v1;
	[sflag:s20] =	ssyncset.done $0x0  }
0x1c5: {  	v43 =	vor.u32 s0, v2;
	[sflag:s20] =	ssyncadd.s32 $0xFFFFE000  }
0x1c6: {  	v44 =	vor.u32 s3, v2;
	v20 =	vld.idx.msk [tilespmem:v39+s15+$0x0], $0xffff  }
0x1c7: {  	v45 =	vor.u32 s0, v3;
	v21 =	vld.idx.msk [tilespmem:v40+s16+$0x0], $0xffff  }
0x1c8: {  	v27 =	vor.u32 s3, v3;
	v22 =	vld.idx.msk [tilespmem:v41+s15+$0x0], $0xffff  }
0x1c9: {  	v23 =	vld.idx.msk [tilespmem:v42+s16+$0x0], $0xffff  }
0x1ca: {  	v24 =	vld.idx.msk [tilespmem:v43+s15+$0x0], $0xffff  }
0x1cb: {  	(v2sf) =	vpush v5, $0x2;
	v25 =	vld.idx.msk [tilespmem:v44+s16+$0x0], $0xffff  }
0x1cc: {  	v46 =	vld.idx.msk [tilespmem:v45+s15+$0x0], $0xffff;
	v20 =	vmul.f32 v21, v20  }
0x1cd: {  	(v2sf) =	vpush v4, $0x2;
	v47 =	vld.idx.msk [tilespmem:v27+s16+$0x0], $0xffff  }
0x1ce: {  	v22 =	vmul.f32 v23, v22;
	v20 =	vadd.f32 $0.0e+00, v20;
	_ =	sdelay $0x1  }
0x1cf: {  	v48 =	vmul.f32 v25, v24;
	v20 =	vadd.f32 v22, v20;
	_ =	sdelay $0x1  }
0x1d0: {  	v21 =	vmul.f32 v47, v46;
	v20 =	vadd.f32 v48, v20;
	_ =	sdelay $0x1  }
0x1d1: {  	v20 =	vadd.f32 v21, v20;
	_ =	sdelay $0x1  }
0x1d2: {  	(xrf2) =	vadd.scan.msk.f32 $0xffff, v20;
	_ =	sdelay $0x3  }
0x1d3: {  	s3 =	spop (v2sf)  }
0x1d4: {  	s0 =	sand.u32 $0xFFFFF80, s3  }
0x1d5: {  	s6 =	spop (v2sf);
	s0 =	sadd.s32 s1, s0  }
0x1d6: {  	[tilespmem:s15], [sflag:$0x1] =	stream.strided.gather [hbm4b:s0+s11], $0x2000, s10, s11, $0x38;
	[tilespmem:$0x10600] =	vst v63  }
0x1d7: {  	s0 =	sand.u32 $0xFFFFF80, s6  }
0x1d8: {  	s0 =	sadd.s32 s2, s0  }
0x1d9: {  	[tilespmem:s16], [sflag:$0x2] =	stream.strided.gather [hbm4b:s0+s11], $0x2000, s10, s11, $0x38;
	v20, _, _ =	vpop (xrf2);
	[tilespmem:$0x10600] =	vst v63  }
0x1da: {  	s28 =	sand.u32 $0x7F, s5;
	_ =	swait.ge [sflag:s19], $0x2000  }
0x1db: {  	v49 =	vor.u32 s28, v0;
	s29 =	sand.u32 $0x7F, s21;
	[sflag:s19] =	ssyncset.done $0x0  }
0x1dc: {  	v50 =	vor.u32 s29, v0;
	[sflag:s19] =	ssyncadd.s32 $0xFFFFE000  }
0x1dd: {  	v51 =	vor.u32 s28, v1;
	_ =	swait.ge [sflag:s20], $0x2000  }
0x1de: {  	v52 =	vor.u32 s29, v1;
	[sflag:s20] =	ssyncset.done $0x0  }
0x1df: {  	v53 =	vor.u32 s28, v2;
	[sflag:s20] =	ssyncadd.s32 $0xFFFFE000  }
0x1e0: {  	v54 =	vor.u32 s29, v2;
	v21 =	vld.idx.msk [tilespmem:v49+s17+$0x0], $0xffff  }
0x1e1: {  	v55 =	vor.u32 s28, v3;
	v22 =	vld.idx.msk [tilespmem:v50+s18+$0x0], $0xffff  }
0x1e2: {  	v28 =	vor.u32 s29, v3;
	v23 =	vld.idx.msk [tilespmem:v51+s17+$0x0], $0xffff  }
0x1e3: {  	v24 =	vld.idx.msk [tilespmem:v52+s18+$0x0], $0xffff  }
0x1e4: {  	v25 =	vld.idx.msk [tilespmem:v53+s17+$0x0], $0xffff  }
0x1e5: {  	(v2sf) =	vpush v5, $0x3;
	v5 =	vld.idx.msk [tilespmem:v54+s18+$0x0], $0xffff  }
0x1e6: {  	v56 =	vld.idx.msk [tilespmem:v55+s17+$0x0], $0xffff;
	v21 =	vmul.f32 v22, v21  }
0x1e7: {  	v57 =	vld.idx.msk [tilespmem:v28+s18+$0x0], $0xffff  }
0x1e8: {  	v23 =	vmul.f32 v24, v23;
	v21 =	vadd.f32 $0.0e+00, v21;
	_ =	sdelay $0x1  }
0x1e9: {  	(v2sf) =	vpush v4, $0x3;
	v5 =	vmul.f32 v5, v25;
	v4 =	vadd.f32 v23, v21  }
0x1ea: {  	v6 =	vbroadcast v6, $0xF;
	v7 =	vbroadcast v7, $0xF  }
0x1eb: {  	v8 =	vbroadcast v8, $0xF;
	v4 =	vadd.f32 v5, v4;
	v5 =	vmul.f32 v57, v56  }
0x1ec: {  	v6 =	vsel vm0, v6, v7;
	v58 =	vbroadcast v11, $0xF  }
0x1ed: {  	v6 =	vsel vm1, v6, v8;
	v4 =	vadd.f32 v5, v4;
	v5 =	vbroadcast v12, $0xF  }
0x1ee: {  	v59 =	vbroadcast v13, $0xF;
	v6 =	vsel vm2, v6, v58  }
0x1ef: {  	v5 =	vsel vm3, v6, v5;
	(xrf2) =	vadd.scan.msk.f32 $0xffff, v4;
	v4 =	vbroadcast v14, $0xF  }
0x1f0: {  	v60 =	vbroadcast v15, $0xF;
	v5 =	vsel vm4, v5, v59  }
0x1f1: {  	v4 =	vsel vm5, v5, v4;
	v5 =	vbroadcast v16, $0xF  }
0x1f2: {  	v61 =	vbroadcast v17, $0xF;
	v4 =	vsel vm6, v4, v60  }
0x1f3: {  	v4 =	vsel vm7, v4, v5;
	v5 =	vbroadcast v18, $0xF  }
0x1f4: {  	v62 =	vbroadcast v9, $0xF;
	v4 =	vsel vm8, v4, v61  }
0x1f5: {  	s30 =	spop (v2sf);
	v4 =	vsel vm9, v4, v5;
	v5 =	vbroadcast v10, $0xF  }
0x1f6: {  	s0 =	sand.u32 $0xFFFFF80, s30;
	v4 =	vsel vm10, v4, v62  }
0x1f7: {  	p0 =	sne.s32 s26, $0x20;
	s0 =	sadd.s32 s1, s0;
	v4 =	vsel vm11, v4, v5;
	v5 =	vbroadcast v20, $0xF  }
0x1f8: {  	v63 =	vbroadcast v19, $0xF;
	[tilespmem:s17], [sflag:$0x1] =	stream.strided.gather [hbm4b:s0+s11], $0x2000, s10, s11, $0x38;
	[tilespmem:$0x10600] =	vst v63  }
.Ltmp0:
0x1f9: {  	s31 =	spop (v2sf);
	(pc) =	sbr.rel @p0 .LBB2_2-.Ltmp0, $4  }
0x1fa: {  	s0 =	sand.u32 $0xFFFFF80, s31;
	v4 =	vsel vm12, v4, v63  }
0x1fb: {  	s25 =	sadd.s32 $0x10, s25;
	s0 =	sadd.s32 s2, s0;
	v4 =	vsel vm13, v4, v5;
	v5, _, _ =	vpop (xrf2)  }
0x1fc: {  	[tilespmem:s18], [sflag:$0x2] =	stream.strided.gather [hbm4b:s0+s11], $0x2000, s10, s11, $0x38;
	v4 =	vsel vm14, v4, v5;
	[tilespmem:$0x10600] =	vst v63  }
0x1fd: {  	s23 =	sadd.s32 $0x10, s23;
	s26 =	sadd.s32 $0x1, s26;
	[tilespmem:s24+$0x0] =	vst v4;
	s24 =	sadd.s32 $0x10, s24  }
0x1fe: {  	_ =	swait.ge [sflag:s19], $0x2000  }
0x1ff: {  	[sflag:s19] =	ssyncset.done $0x0  }
0x200: {  	[sflag:s19] =	ssyncadd.s32 $0xFFFFE000  }
0x201: {  	_ =	swait.ge [sflag:s20], $0x2000  }
0x202: {  	[sflag:s20] =	ssyncset.done $0x0  }
0x203: {  	[sflag:s20] =	ssyncadd.s32 $0xFFFFE000  }
0x204: {  	_ =	swait.ge [sflag:s19], $0x2000  }
0x205: {  	[sflag:s19] =	ssyncset.done $0x0  }
0x206: {  	[sflag:s19] =	ssyncadd.s32 $0xFFFFE000  }
0x207: {  	_ =	swait.ge [sflag:s20], $0x2000  }
0x208: {  	[sflag:s20] =	ssyncset.done $0x0  }
0x209: {  	[sflag:s20] =	ssyncadd.s32 $0xFFFFE000  }
0x20a: {  	_ =	swait.ge [sflag:s19], $0x2000  }
0x20b: {  	[sflag:s19] =	ssyncset.done $0x0  }
0x20c: {  	[sflag:s19] =	ssyncadd.s32 $0xFFFFE000  }
0x20d: {  	_ =	swait.ge [sflag:s20], $0x2000  }
0x20e: {  	[sflag:s20] =	ssyncset.done $0x0  }
0x20f: {  	[sflag:s20] =	ssyncadd.s32 $0xFFFFE000  }
0x210: {  	_ =	swait.ge [sflag:s19], $0x2000  }
0x211: {  	[sflag:s19] =	ssyncset.done $0x0  }
0x212: {  	[sflag:s19] =	ssyncadd.s32 $0xFFFFE000  }
0x213: {  	s22 =	sadd.s32 $0x1, s22;
	_ =	swait.ge [sflag:s20], $0x2000  }
0x214: {  	p0 =	sne.s32 s22, s8;
	[sflag:s20] =	ssyncset.done $0x0  }
.Ltmp1:
0x215: {  	s0 =	simm.s32 $0x10400;
	[sflag:s20] =	ssyncadd.s32 $0xFFFFE000;
	(pc) =	sbr.rel @p0 .LBB2_1-.Ltmp1, $4  }
0x216: {  	[hbm4b:s7+s4] =	stream.linear.scatter [tilespmem:s0], [sflag:$0x3], $0x200, $0x38;
	[tilespmem:$0x10600] =	vst v63  }
0x217: {  	_ =	swait.ge [sflag:s9], $0x200  }
0x218: {  	[sflag:s9] =	ssyncset.done $0x0  }
0x219: {  	[sflag:s9] =	ssyncadd.s32 $0xFFFFFE00  }
0x21a: {  	_ =	sfence.sel $0x180000  }
0x21b: {  	[bflag:$0x0] =	sbarrier.arrive $0xFFFF  }
0x21c: {  	_ =	strace $0x90000047  }
0x21d: {  	s0 =	stileid.u32;
	[bflag:$0x2] =	sbarrier.arrive $0xFFFF  }
0x21e: {  	p0 =	sne.s32 s0, $0x0;
	s0 =	rddreg [dreg:$0x5]  }
0x21f: {  	s0 =	sadd.s32 @!p0 $0x100000, s0  }
0x220: {  	[sflag:s0] =	ssyncadd.tile.s32 @!p0 $0x1;
	_ =	shalt  }
.Lfunc_end2:
_tile_overlayer_lowered:
.L_overlay_start_2:
0x221: {  	(tag) =	ssettag $0x2  }
0x222: {  	s0 =	rddreg [dreg:$0x0];
	s2 =	stileid.u32  }
0x223: {  	s1 =	rddreg [dreg:$0x1];
	p0 =	sne.s32 s2, $0x0  }
0x224: {  	s3 =	rddreg [dreg:$0x2];
	[bflag:$0x3] =	sbarrier.arrive $0xFFFF;
	s2 =	simm.s32 @!p0 $0x1C03  }
0x225: {  	[timem:s3], [sflag:s2] =	dma.local @!p0 [hbm:s0], s1  }
0x226: {  	s0 =	simm.s32 @!p0 $0x3  }
0x227: {  	_ =	swait.ge @!p0 [sflag:s0], s1  }
0x228: {  	s1 =	ssub.s32 @!p0 $0x0, s1;
	[sflag:s0] =	ssyncset.done @!p0 $0x0  }
0x229: {  	[sflag:s0] =	ssyncadd.s32 @!p0 s1  }
0x22a: {  	[bflag:$0x3] =	sbarrier.arrive $0xFFFF  }
0x22b: {  	_ =	shalt  }

</sc_bundles>
